<compile_context>
chip_gen: v7x
topology: tpu7x:2x2x1
jax: 0.10.2.dev20260603
libtpu: 0.0.44.dev20260713+nightly
codegen_flags: <defaults>
</compile_context>

<pallas_src>
import functools

import jax
import jax.numpy as jnp
from jax import lax
from jax.experimental import pallas as pl
from jax.experimental.pallas import tpu as pltpu
from jax.experimental.pallas import tpu_sc as plsc

_B, _N, _C = 2, 2000, 81
_NC, _NS, _L = 2, 16, 16
_NW = _NC * _NS
_NU = 2 * (_C - 1)
_KMAX = _NU // _NW
_NV = _N // _L
_EPS_SUM = 0.0001 * (_B * _N * 4 * (_C - 1))


@functools.partial(
    pl.kernel,
    out_type=jax.ShapeDtypeStruct((_NW, _L), jnp.float32),
    mesh=plsc.VectorSubcoreMesh(core_axis_name="c", subcore_axis_name="s"),
    scratch_types=[
        pltpu.VMEM((2, _B, _N), jnp.float32),
        pltpu.VMEM((2, _B, _N), jnp.float32),
        pltpu.VMEM((_B, _N), jnp.float32),
        pltpu.VMEM((2, _B, _N), jnp.float32),
        pltpu.VMEM((2, _B, _N), jnp.float32),
        pltpu.VMEM((_B, _N), jnp.float32),
        pltpu.VMEM((_L,), jnp.float32),
        pltpu.SemaphoreType.DMA,
        pltpu.SemaphoreType.DMA,
    ],
)
def _sc_loss(out_hbm, tgt_hbm, lbl_hbm, res_hbm,
             o_a, t_a, l_a, o_b, t_b, l_b, r_v, sem_a, sem_b):
    wid = lax.axis_index("s") * _NC + lax.axis_index("c")
    lane = lax.iota(jnp.int32, _L)
    gd = lax.GatherDimensionNumbers(
        offset_dims=(), collapsed_slice_dims=(0,), start_index_map=(0,)
    )

    bufs = [(o_a, t_a, l_a, sem_a), (o_b, t_b, l_b, sem_b)]

    def copies(k, slot):
        u = wid + k * _NW
        o_v, t_v, l_v, sem = bufs[slot]
        return (
            (out_hbm.at[pl.ds(4 + 2 * u, 2), :, :], o_v, sem),
            (tgt_hbm.at[pl.ds(4 + 2 * u, 2), :, :], t_v, sem),
            (lbl_hbm.at[1 + (u >> 1)], l_v, sem),
        )

    def issue(k, slot):
        for src, dst, sem in copies(k, slot):
            pltpu.async_copy(src, dst, sem)

    def drain(k, slot):
        for src, dst, sem in copies(k, slot):
            pltpu.make_async_copy(src, dst, sem).wait()

    zero = jnp.zeros((_L,), jnp.float32)

    def process(slot, carry):
        o_v, t_v, l_v, _ = bufs[slot]

        def vec_body(v, vc):
            accs = list(vc[:4])
            cnt = vc[4]
            n0 = v * _L
            for b in range(_B):
                lb = l_v[b, pl.ds(n0, _L)]
                pos = jnp.where(lb == 1.0, 1.0, 0.0)
                cnt = cnt + pos
                for j in range(2):
                    o = o_v[j, b, pl.ds(n0, _L)]
                    t = t_v[j, b, pl.ds(n0, _L)]
                    x = jnp.abs(o * pos - t)
                    u = jnp.minimum(x, 1.0)
                    i = 2 * b + j
                    accs[i] = accs[i] + u * ((x + x) - u)
            return (*accs, cnt)

        return lax.fori_loop(0, _NV, vec_body, carry, unroll=2)

    issue(0, 0)
    carry = (zero,) * 5
    for k in range(_KMAX):
        slot = k & 1
        if k + 1 < _KMAX:
            issue(k + 1, slot ^ 1)
        drain(k, slot)
        carry = process(slot, carry)

    acc = (carry[0] + carry[1]) + (carry[2] + carry[3])
    cnt = carry[4]

    def lanesum(x):
        for sh in (8, 4, 2, 1):
            x = x + lax.gather(
                x, (lane ^ sh)[:, None], gd, slice_sizes=(1,),
                mode=lax.GatherScatterMode.PROMISE_IN_BOUNDS,
            )
        return x

    loss_s = lanesum(acc)
    cnt_s = lanesum(cnt)
    is0 = jnp.where(lane == 0, 1.0, 0.0)
    is1 = jnp.where(lane == 1, 1.0, 0.0)
    r_v[...] = loss_s * is0 + cnt_s * is1
    pltpu.sync_copy(r_v, res_hbm.at[wid])


@jax.jit
def kernel(output, target, labels_target):
    part = _sc_loss(
        jnp.transpose(output, (2, 0, 1)),
        jnp.transpose(target, (2, 0, 1)),
        jnp.transpose(labels_target, (2, 0, 1)),
    )
    loss_sum = 0.5 * jnp.sum(part[:, 0])
    cnt2 = jnp.sum(part[:, 1])
    return loss_sum / (jnp.float32(_EPS_SUM) + 2.0 * cnt2)

# --- scband reference (transcript-rebuilt; emitter-appended) ---
"""Pipeline reference for scband-rcnnregression-loss-34772055228425 (READ-ONLY COPY).

The authoritative reference and input builder live on the scoring server;
editing this copy changes nothing except your own understanding.
"""

import jax, jax.numpy as jnp
import numpy as np


def setup_inputs(seed: int = 0) -> dict:
    key = jax.random.key(seed)
    k1, k2, k3 = jax.random.split(key, 3)
    B, N, C = 2, 2000, 81  # batch, RoIs per image, classes incl. background (COCO-like)
    output = jax.random.normal(k1, (B, N, 4 * C), dtype=jnp.float32)
    target = jax.random.normal(k2, (B, N, 4 * C), dtype=jnp.float32)
    labels_target = jax.random.randint(k3, (B, N, C), 0, 2).astype(jnp.float32)
    return {"output": output, "target": target, "labels_target": labels_target}


def reference(output, target, labels_target):
    inside_weights = 1.0
    outside_weights = 1.0
    sigma = 1.0
    sigma2 = sigma * sigma
    # drop background class boxes / background label
    out_s = output[:, :, 4:]
    tgt_s = target[:, :, 4:]
    lbl_s = labels_target[:, :, 1:]
    # positive (label == 1) mask expanded into the 4 box coords of each class slot
    pos_mask = (lbl_s == 1.0).astype(jnp.float32)
    labels = jnp.repeat(pos_mask, 4, axis=2)
    out_m = out_s * labels
    inside_mul = inside_weights * jnp.abs(out_m - tgt_s)
    smooth_l1_sign = (inside_mul < 1.0 / sigma2).astype(jnp.float32)
    smooth_l1_option1 = inside_mul * inside_mul * (0.5 * sigma2)
    smooth_l1_option2 = inside_mul - 0.5 / sigma2
    smooth_l1_result = smooth_l1_option1 * smooth_l1_sign
    smooth_l1_result = smooth_l1_result + smooth_l1_option2 * (1.0 - smooth_l1_sign)
    loss = outside_weights * smooth_l1_result
    epsilon = 0.0001
    b = jnp.sum(epsilon + labels)
    return jnp.sum(loss) / b

if __name__ == "__main__":
    import jax
    _d = setup_inputs()
    print(jax.jit(kernel)(*tuple(_d.values())))

</pallas_src>

<mosaic_0001>
#map = affine_map<(d0, d1) -> (0, 0, 0)>
#map1 = affine_map<(d0, d1) -> (0, 0)>
module attributes {stable_mosaic.version = 14 : i64} {
  func.func @_sc_loss(%arg0: i32, %arg1: i32, %arg2: memref<324x2x2000xf32, #tpu.memory_space<hbm>>, %arg3: memref<324x2x2000xf32, #tpu.memory_space<hbm>>, %arg4: memref<81x2x2000xf32, #tpu.memory_space<hbm>>, %arg5: memref<32x16xf32, #tpu.memory_space<hbm>>, %arg6: memref<2x2x2000xf32, #tpu.memory_space<vmem>>, %arg7: memref<2x2x2000xf32, #tpu.memory_space<vmem>>, %arg8: memref<2x2000xf32, #tpu.memory_space<vmem>>, %arg9: memref<2x2x2000xf32, #tpu.memory_space<vmem>>, %arg10: memref<2x2x2000xf32, #tpu.memory_space<vmem>>, %arg11: memref<2x2000xf32, #tpu.memory_space<vmem>>, %arg12: memref<16xf32, #tpu.memory_space<vmem>>, %arg13: memref<!tpu.dma_semaphore, #tpu.memory_space<semaphore_mem>>, %arg14: memref<!tpu.dma_semaphore, #tpu.memory_space<semaphore_mem>>) attributes {dimension_semantics = [#tpu.dimension_semantics<core_parallel>, #tpu.dimension_semantics<subcore_parallel>], iteration_bounds = array<i64: 2, 16>, scalar_prefetch = 0 : i64, scratch_operands = 9 : i64, tpu.core_type = #tpu.core_type<sc_vector_subcore>, window_params = [{transform_indices = #map}, {transform_indices = #map}, {transform_indices = #map}, {transform_indices = #map1}]} {
    %mul3A = arith.constant 2 : i32
    %mul3A_0 = arith.muli %arg1, %mul3A : i32
    %add3A = arith.addi %mul3A_0, %arg0 : i32
    %iota3A = tpu.iota {dimensions = array<i32: 0>} : vector<16xi32>
    %broadcast_in_dim3A = arith.constant 0.000000e+00 : f32
    %broadcast_in_dim3A_1 = vector.broadcast %broadcast_in_dim3A : f32 to vector<16xf32>
    %add3A_2 = arith.constant 0 : i32
    %add3A_3 = arith.addi %add3A, %add3A_2 : i32
    %mul3A_4 = arith.constant 2 : i32
    %mul3A_5 = arith.muli %mul3A_4, %add3A_3 : i32
    %add3A_6 = arith.constant 4 : i32
    %add3A_7 = arith.addi %add3A_6, %mul3A_5 : i32
    %mul3A_8 = arith.constant 2 : i32
    %mul3A_9 = arith.muli %mul3A_8, %add3A_3 : i32
    %add3A_10 = arith.constant 4 : i32
    %add3A_11 = arith.addi %add3A_10, %mul3A_9 : i32
    %shift_right_arithmetic3A = arith.constant 1 : i32
    %shift_right_arithmetic3A_12 = arith.shrsi %add3A_3, %shift_right_arithmetic3A : i32
    %add3A_13 = arith.constant 1 : i32
    %add3A_14 = arith.addi %add3A_13, %shift_right_arithmetic3A_12 : i32
    %dma_start3A = arith.constant 0 : i32
    %dma_start3A_15 = arith.constant 0 : i32
    %dma_start3A_16 = tpu.memref_slice %arg2[%add3A_7, %dma_start3A, %dma_start3A_15] : memref<324x2x2000xf32, #tpu.memory_space<hbm>> -> memref<2x2x2000xf32, #tpu.memory_space<hbm>>
    %dma_start3A_17 = arith.constant 0 : i32
    %dma_start3A_18 = arith.constant 0 : i32
    %dma_start3A_19 = tpu.memref_slice %arg2[%add3A_7, %dma_start3A_17, %dma_start3A_18] : memref<324x2x2000xf32, #tpu.memory_space<hbm>> -> memref<2x2x2000xf32, #tpu.memory_space<hbm>>
    tpu.enqueue_dma source(%dma_start3A_19 : memref<2x2x2000xf32, #tpu.memory_space<hbm>>) target(%arg6 : memref<2x2x2000xf32, #tpu.memory_space<vmem>>) target_semaphore(%arg13 : memref<!tpu.dma_semaphore, #tpu.memory_space<semaphore_mem>>)
    %dma_start3A_20 = arith.constant 0 : i32
    %dma_start3A_21 = arith.constant 0 : i32
    %dma_start3A_22 = tpu.memref_slice %arg3[%add3A_11, %dma_start3A_20, %dma_start3A_21] : memref<324x2x2000xf32, #tpu.memory_space<hbm>> -> memref<2x2x2000xf32, #tpu.memory_space<hbm>>
    %dma_start3A_23 = arith.constant 0 : i32
    %dma_start3A_24 = arith.constant 0 : i32
    %dma_start3A_25 = tpu.memref_slice %arg3[%add3A_11, %dma_start3A_23, %dma_start3A_24] : memref<324x2x2000xf32, #tpu.memory_space<hbm>> -> memref<2x2x2000xf32, #tpu.memory_space<hbm>>
    tpu.enqueue_dma source(%dma_start3A_25 : memref<2x2x2000xf32, #tpu.memory_space<hbm>>) target(%arg7 : memref<2x2x2000xf32, #tpu.memory_space<vmem>>) target_semaphore(%arg13 : memref<!tpu.dma_semaphore, #tpu.memory_space<semaphore_mem>>)
    %dma_start3A_26 = arith.constant 0 : i32
    %dma_start3A_27 = arith.constant 0 : i32
    %dma_start3A_28 = tpu.memref_slice %arg4[%add3A_14, %dma_start3A_26, %dma_start3A_27] : memref<81x2x2000xf32, #tpu.memory_space<hbm>> -> memref<1x2x2000xf32, #tpu.memory_space<hbm>>
    %dma_start3A_29 = tpu.memref_squeeze %dma_start3A_28 : memref<1x2x2000xf32, #tpu.memory_space<hbm>> -> memref<2x2000xf32, #tpu.memory_space<hbm>>
    %dma_start3A_30 = arith.constant 0 : i32
    %dma_start3A_31 = arith.constant 0 : i32
    %dma_start3A_32 = tpu.memref_slice %arg4[%add3A_14, %dma_start3A_30, %dma_start3A_31] : memref<81x2x2000xf32, #tpu.memory_space<hbm>> -> memref<1x2x2000xf32, #tpu.memory_space<hbm>>
    %dma_start3A_33 = tpu.memref_squeeze %dma_start3A_32 : memref<1x2x2000xf32, #tpu.memory_space<hbm>> -> memref<2x2000xf32, #tpu.memory_space<hbm>>
    tpu.enqueue_dma source(%dma_start3A_33 : memref<2x2000xf32, #tpu.memory_space<hbm>>) target(%arg8 : memref<2x2000xf32, #tpu.memory_space<vmem>>) target_semaphore(%arg13 : memref<!tpu.dma_semaphore, #tpu.memory_space<semaphore_mem>>)
    %add3A_34 = arith.constant 32 : i32
    %add3A_35 = arith.addi %add3A, %add3A_34 : i32
    %mul3A_36 = arith.constant 2 : i32
    %mul3A_37 = arith.muli %mul3A_36, %add3A_35 : i32
    %add3A_38 = arith.constant 4 : i32
    %add3A_39 = arith.addi %add3A_38, %mul3A_37 : i32
    %mul3A_40 = arith.constant 2 : i32
    %mul3A_41 = arith.muli %mul3A_40, %add3A_35 : i32
    %add3A_42 = arith.constant 4 : i32
    %add3A_43 = arith.addi %add3A_42, %mul3A_41 : i32
    %shift_right_arithmetic3A_44 = arith.constant 1 : i32
    %shift_right_arithmetic3A_45 = arith.shrsi %add3A_35, %shift_right_arithmetic3A_44 : i32
    %add3A_46 = arith.constant 1 : i32
    %add3A_47 = arith.addi %add3A_46, %shift_right_arithmetic3A_45 : i32
    %dma_start3A_48 = arith.constant 0 : i32
    %dma_start3A_49 = arith.constant 0 : i32
    %dma_start3A_50 = tpu.memref_slice %arg2[%add3A_39, %dma_start3A_48, %dma_start3A_49] : memref<324x2x2000xf32, #tpu.memory_space<hbm>> -> memref<2x2x2000xf32, #tpu.memory_space<hbm>>
    %dma_start3A_51 = arith.constant 0 : i32
    %dma_start3A_52 = arith.constant 0 : i32
    %dma_start3A_53 = tpu.memref_slice %arg2[%add3A_39, %dma_start3A_51, %dma_start3A_52] : memref<324x2x2000xf32, #tpu.memory_space<hbm>> -> memref<2x2x2000xf32, #tpu.memory_space<hbm>>
    tpu.enqueue_dma source(%dma_start3A_53 : memref<2x2x2000xf32, #tpu.memory_space<hbm>>) target(%arg9 : memref<2x2x2000xf32, #tpu.memory_space<vmem>>) target_semaphore(%arg14 : memref<!tpu.dma_semaphore, #tpu.memory_space<semaphore_mem>>)
    %dma_start3A_54 = arith.constant 0 : i32
    %dma_start3A_55 = arith.constant 0 : i32
    %dma_start3A_56 = tpu.memref_slice %arg3[%add3A_43, %dma_start3A_54, %dma_start3A_55] : memref<324x2x2000xf32, #tpu.memory_space<hbm>> -> memref<2x2x2000xf32, #tpu.memory_space<hbm>>
    %dma_start3A_57 = arith.constant 0 : i32
    %dma_start3A_58 = arith.constant 0 : i32
    %dma_start3A_59 = tpu.memref_slice %arg3[%add3A_43, %dma_start3A_57, %dma_start3A_58] : memref<324x2x2000xf32, #tpu.memory_space<hbm>> -> memref<2x2x2000xf32, #tpu.memory_space<hbm>>
    tpu.enqueue_dma source(%dma_start3A_59 : memref<2x2x2000xf32, #tpu.memory_space<hbm>>) target(%arg10 : memref<2x2x2000xf32, #tpu.memory_space<vmem>>) target_semaphore(%arg14 : memref<!tpu.dma_semaphore, #tpu.memory_space<semaphore_mem>>)
    %dma_start3A_60 = arith.constant 0 : i32
    %dma_start3A_61 = arith.constant 0 : i32
    %dma_start3A_62 = tpu.memref_slice %arg4[%add3A_47, %dma_start3A_60, %dma_start3A_61] : memref<81x2x2000xf32, #tpu.memory_space<hbm>> -> memref<1x2x2000xf32, #tpu.memory_space<hbm>>
    %dma_start3A_63 = tpu.memref_squeeze %dma_start3A_62 : memref<1x2x2000xf32, #tpu.memory_space<hbm>> -> memref<2x2000xf32, #tpu.memory_space<hbm>>
    %dma_start3A_64 = arith.constant 0 : i32
    %dma_start3A_65 = arith.constant 0 : i32
    %dma_start3A_66 = tpu.memref_slice %arg4[%add3A_47, %dma_start3A_64, %dma_start3A_65] : memref<81x2x2000xf32, #tpu.memory_space<hbm>> -> memref<1x2x2000xf32, #tpu.memory_space<hbm>>
    %dma_start3A_67 = tpu.memref_squeeze %dma_start3A_66 : memref<1x2x2000xf32, #tpu.memory_space<hbm>> -> memref<2x2000xf32, #tpu.memory_space<hbm>>
    tpu.enqueue_dma source(%dma_start3A_67 : memref<2x2000xf32, #tpu.memory_space<hbm>>) target(%arg11 : memref<2x2000xf32, #tpu.memory_space<vmem>>) target_semaphore(%arg14 : memref<!tpu.dma_semaphore, #tpu.memory_space<semaphore_mem>>)
    %add3A_68 = arith.constant 0 : i32
    %add3A_69 = arith.addi %add3A, %add3A_68 : i32
    %mul3A_70 = arith.constant 2 : i32
    %mul3A_71 = arith.muli %mul3A_70, %add3A_69 : i32
    %add3A_72 = arith.constant 4 : i32
    %add3A_73 = arith.addi %add3A_72, %mul3A_71 : i32
    %mul3A_74 = arith.constant 2 : i32
    %mul3A_75 = arith.muli %mul3A_74, %add3A_69 : i32
    %add3A_76 = arith.constant 4 : i32
    %add3A_77 = arith.addi %add3A_76, %mul3A_75 : i32
    %shift_right_arithmetic3A_78 = arith.constant 1 : i32
    %shift_right_arithmetic3A_79 = arith.shrsi %add3A_69, %shift_right_arithmetic3A_78 : i32
    %add3A_80 = arith.constant 1 : i32
    %add3A_81 = arith.addi %add3A_80, %shift_right_arithmetic3A_79 : i32
    %dma_wait3A = arith.constant 0 : i32
    %dma_wait3A_82 = arith.constant 0 : i32
    %dma_wait3A_83 = tpu.memref_slice %arg2[%add3A_73, %dma_wait3A, %dma_wait3A_82] : memref<324x2x2000xf32, #tpu.memory_space<hbm>> -> memref<2x2x2000xf32, #tpu.memory_space<hbm>>
    %dma_wait3A_84 = arith.constant 0 : i32
    %dma_wait3A_85 = arith.constant 0 : i32
    %dma_wait3A_86 = tpu.memref_slice %arg2[%add3A_73, %dma_wait3A_84, %dma_wait3A_85] : memref<324x2x2000xf32, #tpu.memory_space<hbm>> -> memref<2x2x2000xf32, #tpu.memory_space<hbm>>
    tpu.wait_dma2 semaphore(%arg13 : memref<!tpu.dma_semaphore, #tpu.memory_space<semaphore_mem>>) src(%dma_wait3A_86 : memref<2x2x2000xf32, #tpu.memory_space<hbm>>) dst(%arg6 : memref<2x2x2000xf32, #tpu.memory_space<vmem>>)
    %dma_wait3A_87 = arith.constant 0 : i32
    %dma_wait3A_88 = arith.constant 0 : i32
    %dma_wait3A_89 = tpu.memref_slice %arg3[%add3A_77, %dma_wait3A_87, %dma_wait3A_88] : memref<324x2x2000xf32, #tpu.memory_space<hbm>> -> memref<2x2x2000xf32, #tpu.memory_space<hbm>>
    %dma_wait3A_90 = arith.constant 0 : i32
    %dma_wait3A_91 = arith.constant 0 : i32
    %dma_wait3A_92 = tpu.memref_slice %arg3[%add3A_77, %dma_wait3A_90, %dma_wait3A_91] : memref<324x2x2000xf32, #tpu.memory_space<hbm>> -> memref<2x2x2000xf32, #tpu.memory_space<hbm>>
    tpu.wait_dma2 semaphore(%arg13 : memref<!tpu.dma_semaphore, #tpu.memory_space<semaphore_mem>>) src(%dma_wait3A_92 : memref<2x2x2000xf32, #tpu.memory_space<hbm>>) dst(%arg7 : memref<2x2x2000xf32, #tpu.memory_space<vmem>>)
    %dma_wait3A_93 = arith.constant 0 : i32
    %dma_wait3A_94 = arith.constant 0 : i32
    %dma_wait3A_95 = tpu.memref_slice %arg4[%add3A_81, %dma_wait3A_93, %dma_wait3A_94] : memref<81x2x2000xf32, #tpu.memory_space<hbm>> -> memref<1x2x2000xf32, #tpu.memory_space<hbm>>
    %dma_wait3A_96 = tpu.memref_squeeze %dma_wait3A_95 : memref<1x2x2000xf32, #tpu.memory_space<hbm>> -> memref<2x2000xf32, #tpu.memory_space<hbm>>
    %dma_wait3A_97 = arith.constant 0 : i32
    %dma_wait3A_98 = arith.constant 0 : i32
    %dma_wait3A_99 = tpu.memref_slice %arg4[%add3A_81, %dma_wait3A_97, %dma_wait3A_98] : memref<81x2x2000xf32, #tpu.memory_space<hbm>> -> memref<1x2x2000xf32, #tpu.memory_space<hbm>>
    %dma_wait3A_100 = tpu.memref_squeeze %dma_wait3A_99 : memref<1x2x2000xf32, #tpu.memory_space<hbm>> -> memref<2x2000xf32, #tpu.memory_space<hbm>>
    tpu.wait_dma2 semaphore(%arg13 : memref<!tpu.dma_semaphore, #tpu.memory_space<semaphore_mem>>) src(%dma_wait3A_100 : memref<2x2000xf32, #tpu.memory_space<hbm>>) dst(%arg8 : memref<2x2000xf32, #tpu.memory_space<vmem>>)
    %scan3A = arith.constant 0 : i32
    %scan3A_101 = arith.constant 124 : i32
    %scan3A_102 = arith.addi %scan3A, %scan3A_101 : i32
    %scan3A_103 = arith.constant 2 : i32
    %scan3A_104:5 = scf.for %scan3A_1080 = %scan3A to %scan3A_102 step %scan3A_103 iter_args(%scan3A_1081 = %broadcast_in_dim3A_1, %scan3A_1082 = %broadcast_in_dim3A_1, %scan3A_1083 = %broadcast_in_dim3A_1, %scan3A_1084 = %broadcast_in_dim3A_1, %scan3A_1085 = %broadcast_in_dim3A_1) -> (vector<16xf32>, vector<16xf32>, vector<16xf32>, vector<16xf32>, vector<16xf32>)  : i32 {
      %mul3A_1086 = arith.constant 16 : i32
      %mul3A_1087 = arith.muli %scan3A_1080, %mul3A_1086 : i32
      %get3A_1088 = arith.constant 0 : i32
      %get3A_1089 = arith.index_cast %get3A_1088 : i32 to index
      %get3A_1090 = arith.index_cast %mul3A_1087 : i32 to index
      %get3A_1091 = tpu.vector_load %arg8[%get3A_1089, %get3A_1090] {strides = array<i32>} : memref<2x2000xf32, #tpu.memory_space<vmem>>, vector<1x16xf32>,
      %get3A_1092 = vector.shape_cast %get3A_1091 : vector<1x16xf32> to vector<16xf32>
      %eq3A_1093 = arith.constant 1.000000e+00 : f32
      %eq3A_1094 = vector.broadcast %eq3A_1093 : f32 to vector<16xf32>
      %eq3A_1095 = arith.cmpf oeq, %get3A_1092, %eq3A_1094 : vector<16xf32>
      %jit3A_1096 = arith.constant 1.000000e+00 : f32
      %jit3A_1097 = arith.constant 0.000000e+00 : f32
      %broadcast_in_dim3A_1098 = vector.broadcast %jit3A_1096 : f32 to vector<16xf32>
      %broadcast_in_dim3A_1099 = vector.broadcast %jit3A_1097 : f32 to vector<16xf32>
      %select_n3A_1100 = arith.select %eq3A_1095, %broadcast_in_dim3A_1098, %broadcast_in_dim3A_1099 : vector<16xi1>, vector<16xf32>
      %add3A_1101 = arith.addf %scan3A_1085, %select_n3A_1100 : vector<16xf32>
      %get3A_1102 = arith.constant 0 : i32
      %get3A_1103 = arith.constant 0 : i32
      %get3A_1104 = arith.index_cast %get3A_1102 : i32 to index
      %get3A_1105 = arith.index_cast %get3A_1103 : i32 to index
      %get3A_1106 = arith.index_cast %mul3A_1087 : i32 to index
      %get3A_1107 = tpu.vector_load %arg6[%get3A_1104, %get3A_1105, %get3A_1106] {strides = array<i32>} : memref<2x2x2000xf32, #tpu.memory_space<vmem>>, vector<1x1x16xf32>,
      %get3A_1108 = vector.shape_cast %get3A_1107 : vector<1x1x16xf32> to vector<16xf32>
      %get3A_1109 = arith.constant 0 : i32
      %get3A_1110 = arith.constant 0 : i32
      %get3A_1111 = arith.index_cast %get3A_1109 : i32 to index
      %get3A_1112 = arith.index_cast %get3A_1110 : i32 to index
      %get3A_1113 = arith.index_cast %mul3A_1087 : i32 to index
      %get3A_1114 = tpu.vector_load %arg7[%get3A_1111, %get3A_1112, %get3A_1113] {strides = array<i32>} : memref<2x2x2000xf32, #tpu.memory_space<vmem>>, vector<1x1x16xf32>,
      %get3A_1115 = vector.shape_cast %get3A_1114 : vector<1x1x16xf32> to vector<16xf32>
      %mul3A_1116 = arith.mulf %get3A_1108, %select_n3A_1100 : vector<16xf32>
      %sub3A_1117 = arith.subf %mul3A_1116, %get3A_1115 : vector<16xf32>
      %abs3A_1118 = math.absf %sub3A_1117 : vector<16xf32>
      %min3A_1119 = arith.constant 1.000000e+00 : f32
      %min3A_1120 = vector.broadcast %min3A_1119 : f32 to vector<16xf32>
      %min3A_1121 = arith.minimumf %abs3A_1118, %min3A_1120 : vector<16xf32>
      %add3A_1122 = arith.addf %abs3A_1118, %abs3A_1118 : vector<16xf32>
      %sub3A_1123 = arith.subf %add3A_1122, %min3A_1121 : vector<16xf32>
      %mul3A_1124 = arith.mulf %min3A_1121, %sub3A_1123 : vector<16xf32>
      %add3A_1125 = arith.addf %scan3A_1081, %mul3A_1124 : vector<16xf32>
      %get3A_1126 = arith.constant 1 : i32
      %get3A_1127 = arith.constant 0 : i32
      %get3A_1128 = arith.index_cast %get3A_1126 : i32 to index
      %get3A_1129 = arith.index_cast %get3A_1127 : i32 to index
      %get3A_1130 = arith.index_cast %mul3A_1087 : i32 to index
      %get3A_1131 = tpu.vector_load %arg6[%get3A_1128, %get3A_1129, %get3A_1130] {strides = array<i32>} : memref<2x2x2000xf32, #tpu.memory_space<vmem>>, vector<1x1x16xf32>,
      %get3A_1132 = vector.shape_cast %get3A_1131 : vector<1x1x16xf32> to vector<16xf32>
      %get3A_1133 = arith.constant 1 : i32
      %get3A_1134 = arith.constant 0 : i32
      %get3A_1135 = arith.index_cast %get3A_1133 : i32 to index
      %get3A_1136 = arith.index_cast %get3A_1134 : i32 to index
      %get3A_1137 = arith.index_cast %mul3A_1087 : i32 to index
      %get3A_1138 = tpu.vector_load %arg7[%get3A_1135, %get3A_1136, %get3A_1137] {strides = array<i32>} : memref<2x2x2000xf32, #tpu.memory_space<vmem>>, vector<1x1x16xf32>,
      %get3A_1139 = vector.shape_cast %get3A_1138 : vector<1x1x16xf32> to vector<16xf32>
      %mul3A_1140 = arith.mulf %get3A_1132, %select_n3A_1100 : vector<16xf32>
      %sub3A_1141 = arith.subf %mul3A_1140, %get3A_1139 : vector<16xf32>
      %abs3A_1142 = math.absf %sub3A_1141 : vector<16xf32>
      %min3A_1143 = arith.constant 1.000000e+00 : f32
      %min3A_1144 = vector.broadcast %min3A_1143 : f32 to vector<16xf32>
      %min3A_1145 = arith.minimumf %abs3A_1142, %min3A_1144 : vector<16xf32>
      %add3A_1146 = arith.addf %abs3A_1142, %abs3A_1142 : vector<16xf32>
      %sub3A_1147 = arith.subf %add3A_1146, %min3A_1145 : vector<16xf32>
      %mul3A_1148 = arith.mulf %min3A_1145, %sub3A_1147 : vector<16xf32>
      %add3A_1149 = arith.addf %scan3A_1082, %mul3A_1148 : vector<16xf32>
      %get3A_1150 = arith.constant 1 : i32
      %get3A_1151 = arith.index_cast %get3A_1150 : i32 to index
      %get3A_1152 = arith.index_cast %mul3A_1087 : i32 to index
      %get3A_1153 = tpu.vector_load %arg8[%get3A_1151, %get3A_1152] {strides = array<i32>} : memref<2x2000xf32, #tpu.memory_space<vmem>>, vector<1x16xf32>,
      %get3A_1154 = vector.shape_cast %get3A_1153 : vector<1x16xf32> to vector<16xf32>
      %eq3A_1155 = arith.constant 1.000000e+00 : f32
      %eq3A_1156 = vector.broadcast %eq3A_1155 : f32 to vector<16xf32>
      %eq3A_1157 = arith.cmpf oeq, %get3A_1154, %eq3A_1156 : vector<16xf32>
      %jit3A_1158 = arith.constant 1.000000e+00 : f32
      %jit3A_1159 = arith.constant 0.000000e+00 : f32
      %broadcast_in_dim3A_1160 = vector.broadcast %jit3A_1158 : f32 to vector<16xf32>
      %broadcast_in_dim3A_1161 = vector.broadcast %jit3A_1159 : f32 to vector<16xf32>
      %select_n3A_1162 = arith.select %eq3A_1157, %broadcast_in_dim3A_1160, %broadcast_in_dim3A_1161 : vector<16xi1>, vector<16xf32>
      %add3A_1163 = arith.addf %add3A_1101, %select_n3A_1162 : vector<16xf32>
      %get3A_1164 = arith.constant 0 : i32
      %get3A_1165 = arith.constant 1 : i32
      %get3A_1166 = arith.index_cast %get3A_1164 : i32 to index
      %get3A_1167 = arith.index_cast %get3A_1165 : i32 to index
      %get3A_1168 = arith.index_cast %mul3A_1087 : i32 to index
      %get3A_1169 = tpu.vector_load %arg6[%get3A_1166, %get3A_1167, %get3A_1168] {strides = array<i32>} : memref<2x2x2000xf32, #tpu.memory_space<vmem>>, vector<1x1x16xf32>,
      %get3A_1170 = vector.shape_cast %get3A_1169 : vector<1x1x16xf32> to vector<16xf32>
      %get3A_1171 = arith.constant 0 : i32
      %get3A_1172 = arith.constant 1 : i32
      %get3A_1173 = arith.index_cast %get3A_1171 : i32 to index
      %get3A_1174 = arith.index_cast %get3A_1172 : i32 to index
      %get3A_1175 = arith.index_cast %mul3A_1087 : i32 to index
      %get3A_1176 = tpu.vector_load %arg7[%get3A_1173, %get3A_1174, %get3A_1175] {strides = array<i32>} : memref<2x2x2000xf32, #tpu.memory_space<vmem>>, vector<1x1x16xf32>,
      %get3A_1177 = vector.shape_cast %get3A_1176 : vector<1x1x16xf32> to vector<16xf32>
      %mul3A_1178 = arith.mulf %get3A_1170, %select_n3A_1162 : vector<16xf32>
      %sub3A_1179 = arith.subf %mul3A_1178, %get3A_1177 : vector<16xf32>
      %abs3A_1180 = math.absf %sub3A_1179 : vector<16xf32>
      %min3A_1181 = arith.constant 1.000000e+00 : f32
      %min3A_1182 = vector.broadcast %min3A_1181 : f32 to vector<16xf32>
      %min3A_1183 = arith.minimumf %abs3A_1180, %min3A_1182 : vector<16xf32>
      %add3A_1184 = arith.addf %abs3A_1180, %abs3A_1180 : vector<16xf32>
      %sub3A_1185 = arith.subf %add3A_1184, %min3A_1183 : vector<16xf32>
      %mul3A_1186 = arith.mulf %min3A_1183, %sub3A_1185 : vector<16xf32>
      %add3A_1187 = arith.addf %scan3A_1083, %mul3A_1186 : vector<16xf32>
      %get3A_1188 = arith.constant 1 : i32
      %get3A_1189 = arith.constant 1 : i32
      %get3A_1190 = arith.index_cast %get3A_1188 : i32 to index
      %get3A_1191 = arith.index_cast %get3A_1189 : i32 to index
      %get3A_1192 = arith.index_cast %mul3A_1087 : i32 to index
      %get3A_1193 = tpu.vector_load %arg6[%get3A_1190, %get3A_1191, %get3A_1192] {strides = array<i32>} : memref<2x2x2000xf32, #tpu.memory_space<vmem>>, vector<1x1x16xf32>,
      %get3A_1194 = vector.shape_cast %get3A_1193 : vector<1x1x16xf32> to vector<16xf32>
      %get3A_1195 = arith.constant 1 : i32
      %get3A_1196 = arith.constant 1 : i32
      %get3A_1197 = arith.index_cast %get3A_1195 : i32 to index
      %get3A_1198 = arith.index_cast %get3A_1196 : i32 to index
      %get3A_1199 = arith.index_cast %mul3A_1087 : i32 to index
      %get3A_1200 = tpu.vector_load %arg7[%get3A_1197, %get3A_1198, %get3A_1199] {strides = array<i32>} : memref<2x2x2000xf32, #tpu.memory_space<vmem>>, vector<1x1x16xf32>,
      %get3A_1201 = vector.shape_cast %get3A_1200 : vector<1x1x16xf32> to vector<16xf32>
      %mul3A_1202 = arith.mulf %get3A_1194, %select_n3A_1162 : vector<16xf32>
      %sub3A_1203 = arith.subf %mul3A_1202, %get3A_1201 : vector<16xf32>
      %abs3A_1204 = math.absf %sub3A_1203 : vector<16xf32>
      %min3A_1205 = arith.constant 1.000000e+00 : f32
      %min3A_1206 = vector.broadcast %min3A_1205 : f32 to vector<16xf32>
      %min3A_1207 = arith.minimumf %abs3A_1204, %min3A_1206 : vector<16xf32>
      %add3A_1208 = arith.addf %abs3A_1204, %abs3A_1204 : vector<16xf32>
      %sub3A_1209 = arith.subf %add3A_1208, %min3A_1207 : vector<16xf32>
      %mul3A_1210 = arith.mulf %min3A_1207, %sub3A_1209 : vector<16xf32>
      %add3A_1211 = arith.addf %scan3A_1084, %mul3A_1210 : vector<16xf32>
      %scan3A_1212 = arith.constant 1 : i32
      %scan3A_1213 = arith.addi %scan3A_1080, %scan3A_1212 : i32
      %mul3A_1214 = arith.constant 16 : i32
      %mul3A_1215 = arith.muli %scan3A_1213, %mul3A_1214 : i32
      %get3A_1216 = arith.constant 0 : i32
      %get3A_1217 = arith.index_cast %get3A_1216 : i32 to index
      %get3A_1218 = arith.index_cast %mul3A_1215 : i32 to index
      %get3A_1219 = tpu.vector_load %arg8[%get3A_1217, %get3A_1218] {strides = array<i32>} : memref<2x2000xf32, #tpu.memory_space<vmem>>, vector<1x16xf32>,
      %get3A_1220 = vector.shape_cast %get3A_1219 : vector<1x16xf32> to vector<16xf32>
      %eq3A_1221 = arith.constant 1.000000e+00 : f32
      %eq3A_1222 = vector.broadcast %eq3A_1221 : f32 to vector<16xf32>
      %eq3A_1223 = arith.cmpf oeq, %get3A_1220, %eq3A_1222 : vector<16xf32>
      %jit3A_1224 = arith.constant 1.000000e+00 : f32
      %jit3A_1225 = arith.constant 0.000000e+00 : f32
      %broadcast_in_dim3A_1226 = vector.broadcast %jit3A_1224 : f32 to vector<16xf32>
      %broadcast_in_dim3A_1227 = vector.broadcast %jit3A_1225 : f32 to vector<16xf32>
      %select_n3A_1228 = arith.select %eq3A_1223, %broadcast_in_dim3A_1226, %broadcast_in_dim3A_1227 : vector<16xi1>, vector<16xf32>
      %add3A_1229 = arith.addf %add3A_1163, %select_n3A_1228 : vector<16xf32>
      %get3A_1230 = arith.constant 0 : i32
      %get3A_1231 = arith.constant 0 : i32
      %get3A_1232 = arith.index_cast %get3A_1230 : i32 to index
      %get3A_1233 = arith.index_cast %get3A_1231 : i32 to index
      %get3A_1234 = arith.index_cast %mul3A_1215 : i32 to index
      %get3A_1235 = tpu.vector_load %arg6[%get3A_1232, %get3A_1233, %get3A_1234] {strides = array<i32>} : memref<2x2x2000xf32, #tpu.memory_space<vmem>>, vector<1x1x16xf32>,
      %get3A_1236 = vector.shape_cast %get3A_1235 : vector<1x1x16xf32> to vector<16xf32>
      %get3A_1237 = arith.constant 0 : i32
      %get3A_1238 = arith.constant 0 : i32
      %get3A_1239 = arith.index_cast %get3A_1237 : i32 to index
      %get3A_1240 = arith.index_cast %get3A_1238 : i32 to index
      %get3A_1241 = arith.index_cast %mul3A_1215 : i32 to index
      %get3A_1242 = tpu.vector_load %arg7[%get3A_1239, %get3A_1240, %get3A_1241] {strides = array<i32>} : memref<2x2x2000xf32, #tpu.memory_space<vmem>>, vector<1x1x16xf32>,
      %get3A_1243 = vector.shape_cast %get3A_1242 : vector<1x1x16xf32> to vector<16xf32>
      %mul3A_1244 = arith.mulf %get3A_1236, %select_n3A_1228 : vector<16xf32>
      %sub3A_1245 = arith.subf %mul3A_1244, %get3A_1243 : vector<16xf32>
      %abs3A_1246 = math.absf %sub3A_1245 : vector<16xf32>
      %min3A_1247 = arith.constant 1.000000e+00 : f32
      %min3A_1248 = vector.broadcast %min3A_1247 : f32 to vector<16xf32>
      %min3A_1249 = arith.minimumf %abs3A_1246, %min3A_1248 : vector<16xf32>
      %add3A_1250 = arith.addf %abs3A_1246, %abs3A_1246 : vector<16xf32>
      %sub3A_1251 = arith.subf %add3A_1250, %min3A_1249 : vector<16xf32>
      %mul3A_1252 = arith.mulf %min3A_1249, %sub3A_1251 : vector<16xf32>
      %add3A_1253 = arith.addf %add3A_1125, %mul3A_1252 : vector<16xf32>
      %get3A_1254 = arith.constant 1 : i32
      %get3A_1255 = arith.constant 0 : i32
      %get3A_1256 = arith.index_cast %get3A_1254 : i32 to index
      %get3A_1257 = arith.index_cast %get3A_1255 : i32 to index
      %get3A_1258 = arith.index_cast %mul3A_1215 : i32 to index
      %get3A_1259 = tpu.vector_load %arg6[%get3A_1256, %get3A_1257, %get3A_1258] {strides = array<i32>} : memref<2x2x2000xf32, #tpu.memory_space<vmem>>, vector<1x1x16xf32>,
      %get3A_1260 = vector.shape_cast %get3A_1259 : vector<1x1x16xf32> to vector<16xf32>
      %get3A_1261 = arith.constant 1 : i32
      %get3A_1262 = arith.constant 0 : i32
      %get3A_1263 = arith.index_cast %get3A_1261 : i32 to index
      %get3A_1264 = arith.index_cast %get3A_1262 : i32 to index
      %get3A_1265 = arith.index_cast %mul3A_1215 : i32 to index
      %get3A_1266 = tpu.vector_load %arg7[%get3A_1263, %get3A_1264, %get3A_1265] {strides = array<i32>} : memref<2x2x2000xf32, #tpu.memory_space<vmem>>, vector<1x1x16xf32>,
      %get3A_1267 = vector.shape_cast %get3A_1266 : vector<1x1x16xf32> to vector<16xf32>
      %mul3A_1268 = arith.mulf %get3A_1260, %select_n3A_1228 : vector<16xf32>
      %sub3A_1269 = arith.subf %mul3A_1268, %get3A_1267 : vector<16xf32>
      %abs3A_1270 = math.absf %sub3A_1269 : vector<16xf32>
      %min3A_1271 = arith.constant 1.000000e+00 : f32
      %min3A_1272 = vector.broadcast %min3A_1271 : f32 to vector<16xf32>
      %min3A_1273 = arith.minimumf %abs3A_1270, %min3A_1272 : vector<16xf32>
      %add3A_1274 = arith.addf %abs3A_1270, %abs3A_1270 : vector<16xf32>
      %sub3A_1275 = arith.subf %add3A_1274, %min3A_1273 : vector<16xf32>
      %mul3A_1276 = arith.mulf %min3A_1273, %sub3A_1275 : vector<16xf32>
      %add3A_1277 = arith.addf %add3A_1149, %mul3A_1276 : vector<16xf32>
      %get3A_1278 = arith.constant 1 : i32
      %get3A_1279 = arith.index_cast %get3A_1278 : i32 to index
      %get3A_1280 = arith.index_cast %mul3A_1215 : i32 to index
      %get3A_1281 = tpu.vector_load %arg8[%get3A_1279, %get3A_1280] {strides = array<i32>} : memref<2x2000xf32, #tpu.memory_space<vmem>>, vector<1x16xf32>,
      %get3A_1282 = vector.shape_cast %get3A_1281 : vector<1x16xf32> to vector<16xf32>
      %eq3A_1283 = arith.constant 1.000000e+00 : f32
      %eq3A_1284 = vector.broadcast %eq3A_1283 : f32 to vector<16xf32>
      %eq3A_1285 = arith.cmpf oeq, %get3A_1282, %eq3A_1284 : vector<16xf32>
      %jit3A_1286 = arith.constant 1.000000e+00 : f32
      %jit3A_1287 = arith.constant 0.000000e+00 : f32
      %broadcast_in_dim3A_1288 = vector.broadcast %jit3A_1286 : f32 to vector<16xf32>
      %broadcast_in_dim3A_1289 = vector.broadcast %jit3A_1287 : f32 to vector<16xf32>
      %select_n3A_1290 = arith.select %eq3A_1285, %broadcast_in_dim3A_1288, %broadcast_in_dim3A_1289 : vector<16xi1>, vector<16xf32>
      %add3A_1291 = arith.addf %add3A_1229, %select_n3A_1290 : vector<16xf32>
      %get3A_1292 = arith.constant 0 : i32
      %get3A_1293 = arith.constant 1 : i32
      %get3A_1294 = arith.index_cast %get3A_1292 : i32 to index
      %get3A_1295 = arith.index_cast %get3A_1293 : i32 to index
      %get3A_1296 = arith.index_cast %mul3A_1215 : i32 to index
      %get3A_1297 = tpu.vector_load %arg6[%get3A_1294, %get3A_1295, %get3A_1296] {strides = array<i32>} : memref<2x2x2000xf32, #tpu.memory_space<vmem>>, vector<1x1x16xf32>,
      %get3A_1298 = vector.shape_cast %get3A_1297 : vector<1x1x16xf32> to vector<16xf32>
      %get3A_1299 = arith.constant 0 : i32
      %get3A_1300 = arith.constant 1 : i32
      %get3A_1301 = arith.index_cast %get3A_1299 : i32 to index
      %get3A_1302 = arith.index_cast %get3A_1300 : i32 to index
      %get3A_1303 = arith.index_cast %mul3A_1215 : i32 to index
      %get3A_1304 = tpu.vector_load %arg7[%get3A_1301, %get3A_1302, %get3A_1303] {strides = array<i32>} : memref<2x2x2000xf32, #tpu.memory_space<vmem>>, vector<1x1x16xf32>,
      %get3A_1305 = vector.shape_cast %get3A_1304 : vector<1x1x16xf32> to vector<16xf32>
      %mul3A_1306 = arith.mulf %get3A_1298, %select_n3A_1290 : vector<16xf32>
      %sub3A_1307 = arith.subf %mul3A_1306, %get3A_1305 : vector<16xf32>
      %abs3A_1308 = math.absf %sub3A_1307 : vector<16xf32>
      %min3A_1309 = arith.constant 1.000000e+00 : f32
      %min3A_1310 = vector.broadcast %min3A_1309 : f32 to vector<16xf32>
      %min3A_1311 = arith.minimumf %abs3A_1308, %min3A_1310 : vector<16xf32>
      %add3A_1312 = arith.addf %abs3A_1308, %abs3A_1308 : vector<16xf32>
      %sub3A_1313 = arith.subf %add3A_1312, %min3A_1311 : vector<16xf32>
      %mul3A_1314 = arith.mulf %min3A_1311, %sub3A_1313 : vector<16xf32>
      %add3A_1315 = arith.addf %add3A_1187, %mul3A_1314 : vector<16xf32>
      %get3A_1316 = arith.constant 1 : i32
      %get3A_1317 = arith.constant 1 : i32
      %get3A_1318 = arith.index_cast %get3A_1316 : i32 to index
      %get3A_1319 = arith.index_cast %get3A_1317 : i32 to index
      %get3A_1320 = arith.index_cast %mul3A_1215 : i32 to index
      %get3A_1321 = tpu.vector_load %arg6[%get3A_1318, %get3A_1319, %get3A_1320] {strides = array<i32>} : memref<2x2x2000xf32, #tpu.memory_space<vmem>>, vector<1x1x16xf32>,
      %get3A_1322 = vector.shape_cast %get3A_1321 : vector<1x1x16xf32> to vector<16xf32>
      %get3A_1323 = arith.constant 1 : i32
      %get3A_1324 = arith.constant 1 : i32
      %get3A_1325 = arith.index_cast %get3A_1323 : i32 to index
      %get3A_1326 = arith.index_cast %get3A_1324 : i32 to index
      %get3A_1327 = arith.index_cast %mul3A_1215 : i32 to index
      %get3A_1328 = tpu.vector_load %arg7[%get3A_1325, %get3A_1326, %get3A_1327] {strides = array<i32>} : memref<2x2x2000xf32, #tpu.memory_space<vmem>>, vector<1x1x16xf32>,
      %get3A_1329 = vector.shape_cast %get3A_1328 : vector<1x1x16xf32> to vector<16xf32>
      %mul3A_1330 = arith.mulf %get3A_1322, %select_n3A_1290 : vector<16xf32>
      %sub3A_1331 = arith.subf %mul3A_1330, %get3A_1329 : vector<16xf32>
      %abs3A_1332 = math.absf %sub3A_1331 : vector<16xf32>
      %min3A_1333 = arith.constant 1.000000e+00 : f32
      %min3A_1334 = vector.broadcast %min3A_1333 : f32 to vector<16xf32>
      %min3A_1335 = arith.minimumf %abs3A_1332, %min3A_1334 : vector<16xf32>
      %add3A_1336 = arith.addf %abs3A_1332, %abs3A_1332 : vector<16xf32>
      %sub3A_1337 = arith.subf %add3A_1336, %min3A_1335 : vector<16xf32>
      %mul3A_1338 = arith.mulf %min3A_1335, %sub3A_1337 : vector<16xf32>
      %add3A_1339 = arith.addf %add3A_1211, %mul3A_1338 : vector<16xf32>
      scf.yield %add3A_1253, %add3A_1277, %add3A_1315, %add3A_1339, %add3A_1291 : vector<16xf32>, vector<16xf32>, vector<16xf32>, vector<16xf32>, vector<16xf32>
    }
    %scan3A_105 = arith.constant 124 : i32
    %scan3A_106 = arith.addi %scan3A, %scan3A_105 : i32
    %mul3A_107 = arith.constant 16 : i32
    %mul3A_108 = arith.muli %scan3A_106, %mul3A_107 : i32
    %get3A = arith.constant 0 : i32
    %get3A_109 = arith.index_cast %get3A : i32 to index
    %get3A_110 = arith.index_cast %mul3A_108 : i32 to index
    %get3A_111 = tpu.vector_load %arg8[%get3A_109, %get3A_110] {strides = array<i32>} : memref<2x2000xf32, #tpu.memory_space<vmem>>, vector<1x16xf32>,
    %get3A_112 = vector.shape_cast %get3A_111 : vector<1x16xf32> to vector<16xf32>
    %eq3A = arith.constant 1.000000e+00 : f32
    %eq3A_113 = vector.broadcast %eq3A : f32 to vector<16xf32>
    %eq3A_114 = arith.cmpf oeq, %get3A_112, %eq3A_113 : vector<16xf32>
    %jit3A = arith.constant 1.000000e+00 : f32
    %jit3A_115 = arith.constant 0.000000e+00 : f32
    %broadcast_in_dim3A_116 = vector.broadcast %jit3A : f32 to vector<16xf32>
    %broadcast_in_dim3A_117 = vector.broadcast %jit3A_115 : f32 to vector<16xf32>
    %select_n3A = arith.select %eq3A_114, %broadcast_in_dim3A_116, %broadcast_in_dim3A_117 : vector<16xi1>, vector<16xf32>
    %add3A_118 = arith.addf %scan3A_104#4, %select_n3A : vector<16xf32>
    %get3A_119 = arith.constant 0 : i32
    %get3A_120 = arith.constant 0 : i32
    %get3A_121 = arith.index_cast %get3A_119 : i32 to index
    %get3A_122 = arith.index_cast %get3A_120 : i32 to index
    %get3A_123 = arith.index_cast %mul3A_108 : i32 to index
    %get3A_124 = tpu.vector_load %arg6[%get3A_121, %get3A_122, %get3A_123] {strides = array<i32>} : memref<2x2x2000xf32, #tpu.memory_space<vmem>>, vector<1x1x16xf32>,
    %get3A_125 = vector.shape_cast %get3A_124 : vector<1x1x16xf32> to vector<16xf32>
    %get3A_126 = arith.constant 0 : i32
    %get3A_127 = arith.constant 0 : i32
    %get3A_128 = arith.index_cast %get3A_126 : i32 to index
    %get3A_129 = arith.index_cast %get3A_127 : i32 to index
    %get3A_130 = arith.index_cast %mul3A_108 : i32 to index
    %get3A_131 = tpu.vector_load %arg7[%get3A_128, %get3A_129, %get3A_130] {strides = array<i32>} : memref<2x2x2000xf32, #tpu.memory_space<vmem>>, vector<1x1x16xf32>,
    %get3A_132 = vector.shape_cast %get3A_131 : vector<1x1x16xf32> to vector<16xf32>
    %mul3A_133 = arith.mulf %get3A_125, %select_n3A : vector<16xf32>
    %sub3A = arith.subf %mul3A_133, %get3A_132 : vector<16xf32>
    %abs3A = math.absf %sub3A : vector<16xf32>
    %min3A = arith.constant 1.000000e+00 : f32
    %min3A_134 = vector.broadcast %min3A : f32 to vector<16xf32>
    %min3A_135 = arith.minimumf %abs3A, %min3A_134 : vector<16xf32>
    %add3A_136 = arith.addf %abs3A, %abs3A : vector<16xf32>
    %sub3A_137 = arith.subf %add3A_136, %min3A_135 : vector<16xf32>
    %mul3A_138 = arith.mulf %min3A_135, %sub3A_137 : vector<16xf32>
    %add3A_139 = arith.addf %scan3A_104#0, %mul3A_138 : vector<16xf32>
    %get3A_140 = arith.constant 1 : i32
    %get3A_141 = arith.constant 0 : i32
    %get3A_142 = arith.index_cast %get3A_140 : i32 to index
    %get3A_143 = arith.index_cast %get3A_141 : i32 to index
    %get3A_144 = arith.index_cast %mul3A_108 : i32 to index
    %get3A_145 = tpu.vector_load %arg6[%get3A_142, %get3A_143, %get3A_144] {strides = array<i32>} : memref<2x2x2000xf32, #tpu.memory_space<vmem>>, vector<1x1x16xf32>,
    %get3A_146 = vector.shape_cast %get3A_145 : vector<1x1x16xf32> to vector<16xf32>
    %get3A_147 = arith.constant 1 : i32
    %get3A_148 = arith.constant 0 : i32
    %get3A_149 = arith.index_cast %get3A_147 : i32 to index
    %get3A_150 = arith.index_cast %get3A_148 : i32 to index
    %get3A_151 = arith.index_cast %mul3A_108 : i32 to index
    %get3A_152 = tpu.vector_load %arg7[%get3A_149, %get3A_150, %get3A_151] {strides = array<i32>} : memref<2x2x2000xf32, #tpu.memory_space<vmem>>, vector<1x1x16xf32>,
    %get3A_153 = vector.shape_cast %get3A_152 : vector<1x1x16xf32> to vector<16xf32>
    %mul3A_154 = arith.mulf %get3A_146, %select_n3A : vector<16xf32>
    %sub3A_155 = arith.subf %mul3A_154, %get3A_153 : vector<16xf32>
    %abs3A_156 = math.absf %sub3A_155 : vector<16xf32>
    %min3A_157 = arith.constant 1.000000e+00 : f32
    %min3A_158 = vector.broadcast %min3A_157 : f32 to vector<16xf32>
    %min3A_159 = arith.minimumf %abs3A_156, %min3A_158 : vector<16xf32>
    %add3A_160 = arith.addf %abs3A_156, %abs3A_156 : vector<16xf32>
    %sub3A_161 = arith.subf %add3A_160, %min3A_159 : vector<16xf32>
    %mul3A_162 = arith.mulf %min3A_159, %sub3A_161 : vector<16xf32>
    %add3A_163 = arith.addf %scan3A_104#1, %mul3A_162 : vector<16xf32>
    %get3A_164 = arith.constant 1 : i32
    %get3A_165 = arith.index_cast %get3A_164 : i32 to index
    %get3A_166 = arith.index_cast %mul3A_108 : i32 to index
    %get3A_167 = tpu.vector_load %arg8[%get3A_165, %get3A_166] {strides = array<i32>} : memref<2x2000xf32, #tpu.memory_space<vmem>>, vector<1x16xf32>,
    %get3A_168 = vector.shape_cast %get3A_167 : vector<1x16xf32> to vector<16xf32>
    %eq3A_169 = arith.constant 1.000000e+00 : f32
    %eq3A_170 = vector.broadcast %eq3A_169 : f32 to vector<16xf32>
    %eq3A_171 = arith.cmpf oeq, %get3A_168, %eq3A_170 : vector<16xf32>
    %jit3A_172 = arith.constant 1.000000e+00 : f32
    %jit3A_173 = arith.constant 0.000000e+00 : f32
    %broadcast_in_dim3A_174 = vector.broadcast %jit3A_172 : f32 to vector<16xf32>
    %broadcast_in_dim3A_175 = vector.broadcast %jit3A_173 : f32 to vector<16xf32>
    %select_n3A_176 = arith.select %eq3A_171, %broadcast_in_dim3A_174, %broadcast_in_dim3A_175 : vector<16xi1>, vector<16xf32>
    %add3A_177 = arith.addf %add3A_118, %select_n3A_176 : vector<16xf32>
    %get3A_178 = arith.constant 0 : i32
    %get3A_179 = arith.constant 1 : i32
    %get3A_180 = arith.index_cast %get3A_178 : i32 to index
    %get3A_181 = arith.index_cast %get3A_179 : i32 to index
    %get3A_182 = arith.index_cast %mul3A_108 : i32 to index
    %get3A_183 = tpu.vector_load %arg6[%get3A_180, %get3A_181, %get3A_182] {strides = array<i32>} : memref<2x2x2000xf32, #tpu.memory_space<vmem>>, vector<1x1x16xf32>,
    %get3A_184 = vector.shape_cast %get3A_183 : vector<1x1x16xf32> to vector<16xf32>
    %get3A_185 = arith.constant 0 : i32
    %get3A_186 = arith.constant 1 : i32
    %get3A_187 = arith.index_cast %get3A_185 : i32 to index
    %get3A_188 = arith.index_cast %get3A_186 : i32 to index
    %get3A_189 = arith.index_cast %mul3A_108 : i32 to index
    %get3A_190 = tpu.vector_load %arg7[%get3A_187, %get3A_188, %get3A_189] {strides = array<i32>} : memref<2x2x2000xf32, #tpu.memory_space<vmem>>, vector<1x1x16xf32>,
    %get3A_191 = vector.shape_cast %get3A_190 : vector<1x1x16xf32> to vector<16xf32>
    %mul3A_192 = arith.mulf %get3A_184, %select_n3A_176 : vector<16xf32>
    %sub3A_193 = arith.subf %mul3A_192, %get3A_191 : vector<16xf32>
    %abs3A_194 = math.absf %sub3A_193 : vector<16xf32>
    %min3A_195 = arith.constant 1.000000e+00 : f32
    %min3A_196 = vector.broadcast %min3A_195 : f32 to vector<16xf32>
    %min3A_197 = arith.minimumf %abs3A_194, %min3A_196 : vector<16xf32>
    %add3A_198 = arith.addf %abs3A_194, %abs3A_194 : vector<16xf32>
    %sub3A_199 = arith.subf %add3A_198, %min3A_197 : vector<16xf32>
    %mul3A_200 = arith.mulf %min3A_197, %sub3A_199 : vector<16xf32>
    %add3A_201 = arith.addf %scan3A_104#2, %mul3A_200 : vector<16xf32>
    %get3A_202 = arith.constant 1 : i32
    %get3A_203 = arith.constant 1 : i32
    %get3A_204 = arith.index_cast %get3A_202 : i32 to index
    %get3A_205 = arith.index_cast %get3A_203 : i32 to index
    %get3A_206 = arith.index_cast %mul3A_108 : i32 to index
    %get3A_207 = tpu.vector_load %arg6[%get3A_204, %get3A_205, %get3A_206] {strides = array<i32>} : memref<2x2x2000xf32, #tpu.memory_space<vmem>>, vector<1x1x16xf32>,
    %get3A_208 = vector.shape_cast %get3A_207 : vector<1x1x16xf32> to vector<16xf32>
    %get3A_209 = arith.constant 1 : i32
    %get3A_210 = arith.constant 1 : i32
    %get3A_211 = arith.index_cast %get3A_209 : i32 to index
    %get3A_212 = arith.index_cast %get3A_210 : i32 to index
    %get3A_213 = arith.index_cast %mul3A_108 : i32 to index
    %get3A_214 = tpu.vector_load %arg7[%get3A_211, %get3A_212, %get3A_213] {strides = array<i32>} : memref<2x2x2000xf32, #tpu.memory_space<vmem>>, vector<1x1x16xf32>,
    %get3A_215 = vector.shape_cast %get3A_214 : vector<1x1x16xf32> to vector<16xf32>
    %mul3A_216 = arith.mulf %get3A_208, %select_n3A_176 : vector<16xf32>
    %sub3A_217 = arith.subf %mul3A_216, %get3A_215 : vector<16xf32>
    %abs3A_218 = math.absf %sub3A_217 : vector<16xf32>
    %min3A_219 = arith.constant 1.000000e+00 : f32
    %min3A_220 = vector.broadcast %min3A_219 : f32 to vector<16xf32>
    %min3A_221 = arith.minimumf %abs3A_218, %min3A_220 : vector<16xf32>
    %add3A_222 = arith.addf %abs3A_218, %abs3A_218 : vector<16xf32>
    %sub3A_223 = arith.subf %add3A_222, %min3A_221 : vector<16xf32>
    %mul3A_224 = arith.mulf %min3A_221, %sub3A_223 : vector<16xf32>
    %add3A_225 = arith.addf %scan3A_104#3, %mul3A_224 : vector<16xf32>
    %scan3A_226 = arith.constant 125 : i32
    %add3A_227 = arith.constant 64 : i32
    %add3A_228 = arith.addi %add3A, %add3A_227 : i32
    %mul3A_229 = arith.constant 2 : i32
    %mul3A_230 = arith.muli %mul3A_229, %add3A_228 : i32
    %add3A_231 = arith.constant 4 : i32
    %add3A_232 = arith.addi %add3A_231, %mul3A_230 : i32
    %mul3A_233 = arith.constant 2 : i32
    %mul3A_234 = arith.muli %mul3A_233, %add3A_228 : i32
    %add3A_235 = arith.constant 4 : i32
    %add3A_236 = arith.addi %add3A_235, %mul3A_234 : i32
    %shift_right_arithmetic3A_237 = arith.constant 1 : i32
    %shift_right_arithmetic3A_238 = arith.shrsi %add3A_228, %shift_right_arithmetic3A_237 : i32
    %add3A_239 = arith.constant 1 : i32
    %add3A_240 = arith.addi %add3A_239, %shift_right_arithmetic3A_238 : i32
    %dma_start3A_241 = arith.constant 0 : i32
    %dma_start3A_242 = arith.constant 0 : i32
    %dma_start3A_243 = tpu.memref_slice %arg2[%add3A_232, %dma_start3A_241, %dma_start3A_242] : memref<324x2x2000xf32, #tpu.memory_space<hbm>> -> memref<2x2x2000xf32, #tpu.memory_space<hbm>>
    %dma_start3A_244 = arith.constant 0 : i32
    %dma_start3A_245 = arith.constant 0 : i32
    %dma_start3A_246 = tpu.memref_slice %arg2[%add3A_232, %dma_start3A_244, %dma_start3A_245] : memref<324x2x2000xf32, #tpu.memory_space<hbm>> -> memref<2x2x2000xf32, #tpu.memory_space<hbm>>
    tpu.enqueue_dma source(%dma_start3A_246 : memref<2x2x2000xf32, #tpu.memory_space<hbm>>) target(%arg6 : memref<2x2x2000xf32, #tpu.memory_space<vmem>>) target_semaphore(%arg13 : memref<!tpu.dma_semaphore, #tpu.memory_space<semaphore_mem>>)
    %dma_start3A_247 = arith.constant 0 : i32
    %dma_start3A_248 = arith.constant 0 : i32
    %dma_start3A_249 = tpu.memref_slice %arg3[%add3A_236, %dma_start3A_247, %dma_start3A_248] : memref<324x2x2000xf32, #tpu.memory_space<hbm>> -> memref<2x2x2000xf32, #tpu.memory_space<hbm>>
    %dma_start3A_250 = arith.constant 0 : i32
    %dma_start3A_251 = arith.constant 0 : i32
    %dma_start3A_252 = tpu.memref_slice %arg3[%add3A_236, %dma_start3A_250, %dma_start3A_251] : memref<324x2x2000xf32, #tpu.memory_space<hbm>> -> memref<2x2x2000xf32, #tpu.memory_space<hbm>>
    tpu.enqueue_dma source(%dma_start3A_252 : memref<2x2x2000xf32, #tpu.memory_space<hbm>>) target(%arg7 : memref<2x2x2000xf32, #tpu.memory_space<vmem>>) target_semaphore(%arg13 : memref<!tpu.dma_semaphore, #tpu.memory_space<semaphore_mem>>)
    %dma_start3A_253 = arith.constant 0 : i32
    %dma_start3A_254 = arith.constant 0 : i32
    %dma_start3A_255 = tpu.memref_slice %arg4[%add3A_240, %dma_start3A_253, %dma_start3A_254] : memref<81x2x2000xf32, #tpu.memory_space<hbm>> -> memref<1x2x2000xf32, #tpu.memory_space<hbm>>
    %dma_start3A_256 = tpu.memref_squeeze %dma_start3A_255 : memref<1x2x2000xf32, #tpu.memory_space<hbm>> -> memref<2x2000xf32, #tpu.memory_space<hbm>>
    %dma_start3A_257 = arith.constant 0 : i32
    %dma_start3A_258 = arith.constant 0 : i32
    %dma_start3A_259 = tpu.memref_slice %arg4[%add3A_240, %dma_start3A_257, %dma_start3A_258] : memref<81x2x2000xf32, #tpu.memory_space<hbm>> -> memref<1x2x2000xf32, #tpu.memory_space<hbm>>
    %dma_start3A_260 = tpu.memref_squeeze %dma_start3A_259 : memref<1x2x2000xf32, #tpu.memory_space<hbm>> -> memref<2x2000xf32, #tpu.memory_space<hbm>>
    tpu.enqueue_dma source(%dma_start3A_260 : memref<2x2000xf32, #tpu.memory_space<hbm>>) target(%arg8 : memref<2x2000xf32, #tpu.memory_space<vmem>>) target_semaphore(%arg13 : memref<!tpu.dma_semaphore, #tpu.memory_space<semaphore_mem>>)
    %add3A_261 = arith.constant 32 : i32
    %add3A_262 = arith.addi %add3A, %add3A_261 : i32
    %mul3A_263 = arith.constant 2 : i32
    %mul3A_264 = arith.muli %mul3A_263, %add3A_262 : i32
    %add3A_265 = arith.constant 4 : i32
    %add3A_266 = arith.addi %add3A_265, %mul3A_264 : i32
    %mul3A_267 = arith.constant 2 : i32
    %mul3A_268 = arith.muli %mul3A_267, %add3A_262 : i32
    %add3A_269 = arith.constant 4 : i32
    %add3A_270 = arith.addi %add3A_269, %mul3A_268 : i32
    %shift_right_arithmetic3A_271 = arith.constant 1 : i32
    %shift_right_arithmetic3A_272 = arith.shrsi %add3A_262, %shift_right_arithmetic3A_271 : i32
    %add3A_273 = arith.constant 1 : i32
    %add3A_274 = arith.addi %add3A_273, %shift_right_arithmetic3A_272 : i32
    %dma_wait3A_275 = arith.constant 0 : i32
    %dma_wait3A_276 = arith.constant 0 : i32
    %dma_wait3A_277 = tpu.memref_slice %arg2[%add3A_266, %dma_wait3A_275, %dma_wait3A_276] : memref<324x2x2000xf32, #tpu.memory_space<hbm>> -> memref<2x2x2000xf32, #tpu.memory_space<hbm>>
    %dma_wait3A_278 = arith.constant 0 : i32
    %dma_wait3A_279 = arith.constant 0 : i32
    %dma_wait3A_280 = tpu.memref_slice %arg2[%add3A_266, %dma_wait3A_278, %dma_wait3A_279] : memref<324x2x2000xf32, #tpu.memory_space<hbm>> -> memref<2x2x2000xf32, #tpu.memory_space<hbm>>
    tpu.wait_dma2 semaphore(%arg14 : memref<!tpu.dma_semaphore, #tpu.memory_space<semaphore_mem>>) src(%dma_wait3A_280 : memref<2x2x2000xf32, #tpu.memory_space<hbm>>) dst(%arg9 : memref<2x2x2000xf32, #tpu.memory_space<vmem>>)
    %dma_wait3A_281 = arith.constant 0 : i32
    %dma_wait3A_282 = arith.constant 0 : i32
    %dma_wait3A_283 = tpu.memref_slice %arg3[%add3A_270, %dma_wait3A_281, %dma_wait3A_282] : memref<324x2x2000xf32, #tpu.memory_space<hbm>> -> memref<2x2x2000xf32, #tpu.memory_space<hbm>>
    %dma_wait3A_284 = arith.constant 0 : i32
    %dma_wait3A_285 = arith.constant 0 : i32
    %dma_wait3A_286 = tpu.memref_slice %arg3[%add3A_270, %dma_wait3A_284, %dma_wait3A_285] : memref<324x2x2000xf32, #tpu.memory_space<hbm>> -> memref<2x2x2000xf32, #tpu.memory_space<hbm>>
    tpu.wait_dma2 semaphore(%arg14 : memref<!tpu.dma_semaphore, #tpu.memory_space<semaphore_mem>>) src(%dma_wait3A_286 : memref<2x2x2000xf32, #tpu.memory_space<hbm>>) dst(%arg10 : memref<2x2x2000xf32, #tpu.memory_space<vmem>>)
    %dma_wait3A_287 = arith.constant 0 : i32
    %dma_wait3A_288 = arith.constant 0 : i32
    %dma_wait3A_289 = tpu.memref_slice %arg4[%add3A_274, %dma_wait3A_287, %dma_wait3A_288] : memref<81x2x2000xf32, #tpu.memory_space<hbm>> -> memref<1x2x2000xf32, #tpu.memory_space<hbm>>
    %dma_wait3A_290 = tpu.memref_squeeze %dma_wait3A_289 : memref<1x2x2000xf32, #tpu.memory_space<hbm>> -> memref<2x2000xf32, #tpu.memory_space<hbm>>
    %dma_wait3A_291 = arith.constant 0 : i32
    %dma_wait3A_292 = arith.constant 0 : i32
    %dma_wait3A_293 = tpu.memref_slice %arg4[%add3A_274, %dma_wait3A_291, %dma_wait3A_292] : memref<81x2x2000xf32, #tpu.memory_space<hbm>> -> memref<1x2x2000xf32, #tpu.memory_space<hbm>>
    %dma_wait3A_294 = tpu.memref_squeeze %dma_wait3A_293 : memref<1x2x2000xf32, #tpu.memory_space<hbm>> -> memref<2x2000xf32, #tpu.memory_space<hbm>>
    tpu.wait_dma2 semaphore(%arg14 : memref<!tpu.dma_semaphore, #tpu.memory_space<semaphore_mem>>) src(%dma_wait3A_294 : memref<2x2000xf32, #tpu.memory_space<hbm>>) dst(%arg11 : memref<2x2000xf32, #tpu.memory_space<vmem>>)
    %scan3A_295 = arith.constant 0 : i32
    %scan3A_296 = arith.constant 124 : i32
    %scan3A_297 = arith.addi %scan3A_295, %scan3A_296 : i32
    %scan3A_298 = arith.constant 2 : i32
    %scan3A_299:5 = scf.for %scan3A_1080 = %scan3A_295 to %scan3A_297 step %scan3A_298 iter_args(%scan3A_1081 = %add3A_139, %scan3A_1082 = %add3A_163, %scan3A_1083 = %add3A_201, %scan3A_1084 = %add3A_225, %scan3A_1085 = %add3A_177) -> (vector<16xf32>, vector<16xf32>, vector<16xf32>, vector<16xf32>, vector<16xf32>)  : i32 {
      %mul3A_1086 = arith.constant 16 : i32
      %mul3A_1087 = arith.muli %scan3A_1080, %mul3A_1086 : i32
      %get3A_1088 = arith.constant 0 : i32
      %get3A_1089 = arith.index_cast %get3A_1088 : i32 to index
      %get3A_1090 = arith.index_cast %mul3A_1087 : i32 to index
      %get3A_1091 = tpu.vector_load %arg11[%get3A_1089, %get3A_1090] {strides = array<i32>} : memref<2x2000xf32, #tpu.memory_space<vmem>>, vector<1x16xf32>,
      %get3A_1092 = vector.shape_cast %get3A_1091 : vector<1x16xf32> to vector<16xf32>
      %eq3A_1093 = arith.constant 1.000000e+00 : f32
      %eq3A_1094 = vector.broadcast %eq3A_1093 : f32 to vector<16xf32>
      %eq3A_1095 = arith.cmpf oeq, %get3A_1092, %eq3A_1094 : vector<16xf32>
      %jit3A_1096 = arith.constant 1.000000e+00 : f32
      %jit3A_1097 = arith.constant 0.000000e+00 : f32
      %broadcast_in_dim3A_1098 = vector.broadcast %jit3A_1096 : f32 to vector<16xf32>
      %broadcast_in_dim3A_1099 = vector.broadcast %jit3A_1097 : f32 to vector<16xf32>
      %select_n3A_1100 = arith.select %eq3A_1095, %broadcast_in_dim3A_1098, %broadcast_in_dim3A_1099 : vector<16xi1>, vector<16xf32>
      %add3A_1101 = arith.addf %scan3A_1085, %select_n3A_1100 : vector<16xf32>
      %get3A_1102 = arith.constant 0 : i32
      %get3A_1103 = arith.constant 0 : i32
      %get3A_1104 = arith.index_cast %get3A_1102 : i32 to index
      %get3A_1105 = arith.index_cast %get3A_1103 : i32 to index
      %get3A_1106 = arith.index_cast %mul3A_1087 : i32 to index
      %get3A_1107 = tpu.vector_load %arg9[%get3A_1104, %get3A_1105, %get3A_1106] {strides = array<i32>} : memref<2x2x2000xf32, #tpu.memory_space<vmem>>, vector<1x1x16xf32>,
      %get3A_1108 = vector.shape_cast %get3A_1107 : vector<1x1x16xf32> to vector<16xf32>
      %get3A_1109 = arith.constant 0 : i32
      %get3A_1110 = arith.constant 0 : i32
      %get3A_1111 = arith.index_cast %get3A_1109 : i32 to index
      %get3A_1112 = arith.index_cast %get3A_1110 : i32 to index
      %get3A_1113 = arith.index_cast %mul3A_1087 : i32 to index
      %get3A_1114 = tpu.vector_load %arg10[%get3A_1111, %get3A_1112, %get3A_1113] {strides = array<i32>} : memref<2x2x2000xf32, #tpu.memory_space<vmem>>, vector<1x1x16xf32>,
      %get3A_1115 = vector.shape_cast %get3A_1114 : vector<1x1x16xf32> to vector<16xf32>
      %mul3A_1116 = arith.mulf %get3A_1108, %select_n3A_1100 : vector<16xf32>
      %sub3A_1117 = arith.subf %mul3A_1116, %get3A_1115 : vector<16xf32>
      %abs3A_1118 = math.absf %sub3A_1117 : vector<16xf32>
      %min3A_1119 = arith.constant 1.000000e+00 : f32
      %min3A_1120 = vector.broadcast %min3A_1119 : f32 to vector<16xf32>
      %min3A_1121 = arith.minimumf %abs3A_1118, %min3A_1120 : vector<16xf32>
      %add3A_1122 = arith.addf %abs3A_1118, %abs3A_1118 : vector<16xf32>
      %sub3A_1123 = arith.subf %add3A_1122, %min3A_1121 : vector<16xf32>
      %mul3A_1124 = arith.mulf %min3A_1121, %sub3A_1123 : vector<16xf32>
      %add3A_1125 = arith.addf %scan3A_1081, %mul3A_1124 : vector<16xf32>
      %get3A_1126 = arith.constant 1 : i32
      %get3A_1127 = arith.constant 0 : i32
      %get3A_1128 = arith.index_cast %get3A_1126 : i32 to index
      %get3A_1129 = arith.index_cast %get3A_1127 : i32 to index
      %get3A_1130 = arith.index_cast %mul3A_1087 : i32 to index
      %get3A_1131 = tpu.vector_load %arg9[%get3A_1128, %get3A_1129, %get3A_1130] {strides = array<i32>} : memref<2x2x2000xf32, #tpu.memory_space<vmem>>, vector<1x1x16xf32>,
      %get3A_1132 = vector.shape_cast %get3A_1131 : vector<1x1x16xf32> to vector<16xf32>
      %get3A_1133 = arith.constant 1 : i32
      %get3A_1134 = arith.constant 0 : i32
      %get3A_1135 = arith.index_cast %get3A_1133 : i32 to index
      %get3A_1136 = arith.index_cast %get3A_1134 : i32 to index
      %get3A_1137 = arith.index_cast %mul3A_1087 : i32 to index
      %get3A_1138 = tpu.vector_load %arg10[%get3A_1135, %get3A_1136, %get3A_1137] {strides = array<i32>} : memref<2x2x2000xf32, #tpu.memory_space<vmem>>, vector<1x1x16xf32>,
      %get3A_1139 = vector.shape_cast %get3A_1138 : vector<1x1x16xf32> to vector<16xf32>
      %mul3A_1140 = arith.mulf %get3A_1132, %select_n3A_1100 : vector<16xf32>
      %sub3A_1141 = arith.subf %mul3A_1140, %get3A_1139 : vector<16xf32>
      %abs3A_1142 = math.absf %sub3A_1141 : vector<16xf32>
      %min3A_1143 = arith.constant 1.000000e+00 : f32
      %min3A_1144 = vector.broadcast %min3A_1143 : f32 to vector<16xf32>
      %min3A_1145 = arith.minimumf %abs3A_1142, %min3A_1144 : vector<16xf32>
      %add3A_1146 = arith.addf %abs3A_1142, %abs3A_1142 : vector<16xf32>
      %sub3A_1147 = arith.subf %add3A_1146, %min3A_1145 : vector<16xf32>
      %mul3A_1148 = arith.mulf %min3A_1145, %sub3A_1147 : vector<16xf32>
      %add3A_1149 = arith.addf %scan3A_1082, %mul3A_1148 : vector<16xf32>
      %get3A_1150 = arith.constant 1 : i32
      %get3A_1151 = arith.index_cast %get3A_1150 : i32 to index
      %get3A_1152 = arith.index_cast %mul3A_1087 : i32 to index
      %get3A_1153 = tpu.vector_load %arg11[%get3A_1151, %get3A_1152] {strides = array<i32>} : memref<2x2000xf32, #tpu.memory_space<vmem>>, vector<1x16xf32>,
      %get3A_1154 = vector.shape_cast %get3A_1153 : vector<1x16xf32> to vector<16xf32>
      %eq3A_1155 = arith.constant 1.000000e+00 : f32
      %eq3A_1156 = vector.broadcast %eq3A_1155 : f32 to vector<16xf32>
      %eq3A_1157 = arith.cmpf oeq, %get3A_1154, %eq3A_1156 : vector<16xf32>
      %jit3A_1158 = arith.constant 1.000000e+00 : f32
      %jit3A_1159 = arith.constant 0.000000e+00 : f32
      %broadcast_in_dim3A_1160 = vector.broadcast %jit3A_1158 : f32 to vector<16xf32>
      %broadcast_in_dim3A_1161 = vector.broadcast %jit3A_1159 : f32 to vector<16xf32>
      %select_n3A_1162 = arith.select %eq3A_1157, %broadcast_in_dim3A_1160, %broadcast_in_dim3A_1161 : vector<16xi1>, vector<16xf32>
      %add3A_1163 = arith.addf %add3A_1101, %select_n3A_1162 : vector<16xf32>
      %get3A_1164 = arith.constant 0 : i32
      %get3A_1165 = arith.constant 1 : i32
      %get3A_1166 = arith.index_cast %get3A_1164 : i32 to index
      %get3A_1167 = arith.index_cast %get3A_1165 : i32 to index
      %get3A_1168 = arith.index_cast %mul3A_1087 : i32 to index
      %get3A_1169 = tpu.vector_load %arg9[%get3A_1166, %get3A_1167, %get3A_1168] {strides = array<i32>} : memref<2x2x2000xf32, #tpu.memory_space<vmem>>, vector<1x1x16xf32>,
      %get3A_1170 = vector.shape_cast %get3A_1169 : vector<1x1x16xf32> to vector<16xf32>
      %get3A_1171 = arith.constant 0 : i32
      %get3A_1172 = arith.constant 1 : i32
      %get3A_1173 = arith.index_cast %get3A_1171 : i32 to index
      %get3A_1174 = arith.index_cast %get3A_1172 : i32 to index
      %get3A_1175 = arith.index_cast %mul3A_1087 : i32 to index
      %get3A_1176 = tpu.vector_load %arg10[%get3A_1173, %get3A_1174, %get3A_1175] {strides = array<i32>} : memref<2x2x2000xf32, #tpu.memory_space<vmem>>, vector<1x1x16xf32>,
      %get3A_1177 = vector.shape_cast %get3A_1176 : vector<1x1x16xf32> to vector<16xf32>
      %mul3A_1178 = arith.mulf %get3A_1170, %select_n3A_1162 : vector<16xf32>
      %sub3A_1179 = arith.subf %mul3A_1178, %get3A_1177 : vector<16xf32>
      %abs3A_1180 = math.absf %sub3A_1179 : vector<16xf32>
      %min3A_1181 = arith.constant 1.000000e+00 : f32
      %min3A_1182 = vector.broadcast %min3A_1181 : f32 to vector<16xf32>
      %min3A_1183 = arith.minimumf %abs3A_1180, %min3A_1182 : vector<16xf32>
      %add3A_1184 = arith.addf %abs3A_1180, %abs3A_1180 : vector<16xf32>
      %sub3A_1185 = arith.subf %add3A_1184, %min3A_1183 : vector<16xf32>
      %mul3A_1186 = arith.mulf %min3A_1183, %sub3A_1185 : vector<16xf32>
      %add3A_1187 = arith.addf %scan3A_1083, %mul3A_1186 : vector<16xf32>
      %get3A_1188 = arith.constant 1 : i32
      %get3A_1189 = arith.constant 1 : i32
      %get3A_1190 = arith.index_cast %get3A_1188 : i32 to index
      %get3A_1191 = arith.index_cast %get3A_1189 : i32 to index
      %get3A_1192 = arith.index_cast %mul3A_1087 : i32 to index
      %get3A_1193 = tpu.vector_load %arg9[%get3A_1190, %get3A_1191, %get3A_1192] {strides = array<i32>} : memref<2x2x2000xf32, #tpu.memory_space<vmem>>, vector<1x1x16xf32>,
      %get3A_1194 = vector.shape_cast %get3A_1193 : vector<1x1x16xf32> to vector<16xf32>
      %get3A_1195 = arith.constant 1 : i32
      %get3A_1196 = arith.constant 1 : i32
      %get3A_1197 = arith.index_cast %get3A_1195 : i32 to index
      %get3A_1198 = arith.index_cast %get3A_1196 : i32 to index
      %get3A_1199 = arith.index_cast %mul3A_1087 : i32 to index
      %get3A_1200 = tpu.vector_load %arg10[%get3A_1197, %get3A_1198, %get3A_1199] {strides = array<i32>} : memref<2x2x2000xf32, #tpu.memory_space<vmem>>, vector<1x1x16xf32>,
      %get3A_1201 = vector.shape_cast %get3A_1200 : vector<1x1x16xf32> to vector<16xf32>
      %mul3A_1202 = arith.mulf %get3A_1194, %select_n3A_1162 : vector<16xf32>
      %sub3A_1203 = arith.subf %mul3A_1202, %get3A_1201 : vector<16xf32>
      %abs3A_1204 = math.absf %sub3A_1203 : vector<16xf32>
      %min3A_1205 = arith.constant 1.000000e+00 : f32
      %min3A_1206 = vector.broadcast %min3A_1205 : f32 to vector<16xf32>
      %min3A_1207 = arith.minimumf %abs3A_1204, %min3A_1206 : vector<16xf32>
      %add3A_1208 = arith.addf %abs3A_1204, %abs3A_1204 : vector<16xf32>
      %sub3A_1209 = arith.subf %add3A_1208, %min3A_1207 : vector<16xf32>
      %mul3A_1210 = arith.mulf %min3A_1207, %sub3A_1209 : vector<16xf32>
      %add3A_1211 = arith.addf %scan3A_1084, %mul3A_1210 : vector<16xf32>
      %scan3A_1212 = arith.constant 1 : i32
      %scan3A_1213 = arith.addi %scan3A_1080, %scan3A_1212 : i32
      %mul3A_1214 = arith.constant 16 : i32
      %mul3A_1215 = arith.muli %scan3A_1213, %mul3A_1214 : i32
      %get3A_1216 = arith.constant 0 : i32
      %get3A_1217 = arith.index_cast %get3A_1216 : i32 to index
      %get3A_1218 = arith.index_cast %mul3A_1215 : i32 to index
      %get3A_1219 = tpu.vector_load %arg11[%get3A_1217, %get3A_1218] {strides = array<i32>} : memref<2x2000xf32, #tpu.memory_space<vmem>>, vector<1x16xf32>,
      %get3A_1220 = vector.shape_cast %get3A_1219 : vector<1x16xf32> to vector<16xf32>
      %eq3A_1221 = arith.constant 1.000000e+00 : f32
      %eq3A_1222 = vector.broadcast %eq3A_1221 : f32 to vector<16xf32>
      %eq3A_1223 = arith.cmpf oeq, %get3A_1220, %eq3A_1222 : vector<16xf32>
      %jit3A_1224 = arith.constant 1.000000e+00 : f32
      %jit3A_1225 = arith.constant 0.000000e+00 : f32
      %broadcast_in_dim3A_1226 = vector.broadcast %jit3A_1224 : f32 to vector<16xf32>
      %broadcast_in_dim3A_1227 = vector.broadcast %jit3A_1225 : f32 to vector<16xf32>
      %select_n3A_1228 = arith.select %eq3A_1223, %broadcast_in_dim3A_1226, %broadcast_in_dim3A_1227 : vector<16xi1>, vector<16xf32>
      %add3A_1229 = arith.addf %add3A_1163, %select_n3A_1228 : vector<16xf32>
      %get3A_1230 = arith.constant 0 : i32
      %get3A_1231 = arith.constant 0 : i32
      %get3A_1232 = arith.index_cast %get3A_1230 : i32 to index
      %get3A_1233 = arith.index_cast %get3A_1231 : i32 to index
      %get3A_1234 = arith.index_cast %mul3A_1215 : i32 to index
      %get3A_1235 = tpu.vector_load %arg9[%get3A_1232, %get3A_1233, %get3A_1234] {strides = array<i32>} : memref<2x2x2000xf32, #tpu.memory_space<vmem>>, vector<1x1x16xf32>,
      %get3A_1236 = vector.shape_cast %get3A_1235 : vector<1x1x16xf32> to vector<16xf32>
      %get3A_1237 = arith.constant 0 : i32
      %get3A_1238 = arith.constant 0 : i32
      %get3A_1239 = arith.index_cast %get3A_1237 : i32 to index
      %get3A_1240 = arith.index_cast %get3A_1238 : i32 to index
      %get3A_1241 = arith.index_cast %mul3A_1215 : i32 to index
      %get3A_1242 = tpu.vector_load %arg10[%get3A_1239, %get3A_1240, %get3A_1241] {strides = array<i32>} : memref<2x2x2000xf32, #tpu.memory_space<vmem>>, vector<1x1x16xf32>,
      %get3A_1243 = vector.shape_cast %get3A_1242 : vector<1x1x16xf32> to vector<16xf32>
      %mul3A_1244 = arith.mulf %get3A_1236, %select_n3A_1228 : vector<16xf32>
      %sub3A_1245 = arith.subf %mul3A_1244, %get3A_1243 : vector<16xf32>
      %abs3A_1246 = math.absf %sub3A_1245 : vector<16xf32>
      %min3A_1247 = arith.constant 1.000000e+00 : f32
      %min3A_1248 = vector.broadcast %min3A_1247 : f32 to vector<16xf32>
      %min3A_1249 = arith.minimumf %abs3A_1246, %min3A_1248 : vector<16xf32>
      %add3A_1250 = arith.addf %abs3A_1246, %abs3A_1246 : vector<16xf32>
      %sub3A_1251 = arith.subf %add3A_1250, %min3A_1249 : vector<16xf32>
      %mul3A_1252 = arith.mulf %min3A_1249, %sub3A_1251 : vector<16xf32>
      %add3A_1253 = arith.addf %add3A_1125, %mul3A_1252 : vector<16xf32>
      %get3A_1254 = arith.constant 1 : i32
      %get3A_1255 = arith.constant 0 : i32
      %get3A_1256 = arith.index_cast %get3A_1254 : i32 to index
      %get3A_1257 = arith.index_cast %get3A_1255 : i32 to index
      %get3A_1258 = arith.index_cast %mul3A_1215 : i32 to index
      %get3A_1259 = tpu.vector_load %arg9[%get3A_1256, %get3A_1257, %get3A_1258] {strides = array<i32>} : memref<2x2x2000xf32, #tpu.memory_space<vmem>>, vector<1x1x16xf32>,
      %get3A_1260 = vector.shape_cast %get3A_1259 : vector<1x1x16xf32> to vector<16xf32>
      %get3A_1261 = arith.constant 1 : i32
      %get3A_1262 = arith.constant 0 : i32
      %get3A_1263 = arith.index_cast %get3A_1261 : i32 to index
      %get3A_1264 = arith.index_cast %get3A_1262 : i32 to index
      %get3A_1265 = arith.index_cast %mul3A_1215 : i32 to index
      %get3A_1266 = tpu.vector_load %arg10[%get3A_1263, %get3A_1264, %get3A_1265] {strides = array<i32>} : memref<2x2x2000xf32, #tpu.memory_space<vmem>>, vector<1x1x16xf32>,
      %get3A_1267 = vector.shape_cast %get3A_1266 : vector<1x1x16xf32> to vector<16xf32>
      %mul3A_1268 = arith.mulf %get3A_1260, %select_n3A_1228 : vector<16xf32>
      %sub3A_1269 = arith.subf %mul3A_1268, %get3A_1267 : vector<16xf32>
      %abs3A_1270 = math.absf %sub3A_1269 : vector<16xf32>
      %min3A_1271 = arith.constant 1.000000e+00 : f32
      %min3A_1272 = vector.broadcast %min3A_1271 : f32 to vector<16xf32>
      %min3A_1273 = arith.minimumf %abs3A_1270, %min3A_1272 : vector<16xf32>
      %add3A_1274 = arith.addf %abs3A_1270, %abs3A_1270 : vector<16xf32>
      %sub3A_1275 = arith.subf %add3A_1274, %min3A_1273 : vector<16xf32>
      %mul3A_1276 = arith.mulf %min3A_1273, %sub3A_1275 : vector<16xf32>
      %add3A_1277 = arith.addf %add3A_1149, %mul3A_1276 : vector<16xf32>
      %get3A_1278 = arith.constant 1 : i32
      %get3A_1279 = arith.index_cast %get3A_1278 : i32 to index
      %get3A_1280 = arith.index_cast %mul3A_1215 : i32 to index
      %get3A_1281 = tpu.vector_load %arg11[%get3A_1279, %get3A_1280] {strides = array<i32>} : memref<2x2000xf32, #tpu.memory_space<vmem>>, vector<1x16xf32>,
      %get3A_1282 = vector.shape_cast %get3A_1281 : vector<1x16xf32> to vector<16xf32>
      %eq3A_1283 = arith.constant 1.000000e+00 : f32
      %eq3A_1284 = vector.broadcast %eq3A_1283 : f32 to vector<16xf32>
      %eq3A_1285 = arith.cmpf oeq, %get3A_1282, %eq3A_1284 : vector<16xf32>
      %jit3A_1286 = arith.constant 1.000000e+00 : f32
      %jit3A_1287 = arith.constant 0.000000e+00 : f32
      %broadcast_in_dim3A_1288 = vector.broadcast %jit3A_1286 : f32 to vector<16xf32>
      %broadcast_in_dim3A_1289 = vector.broadcast %jit3A_1287 : f32 to vector<16xf32>
      %select_n3A_1290 = arith.select %eq3A_1285, %broadcast_in_dim3A_1288, %broadcast_in_dim3A_1289 : vector<16xi1>, vector<16xf32>
      %add3A_1291 = arith.addf %add3A_1229, %select_n3A_1290 : vector<16xf32>
      %get3A_1292 = arith.constant 0 : i32
      %get3A_1293 = arith.constant 1 : i32
      %get3A_1294 = arith.index_cast %get3A_1292 : i32 to index
      %get3A_1295 = arith.index_cast %get3A_1293 : i32 to index
      %get3A_1296 = arith.index_cast %mul3A_1215 : i32 to index
      %get3A_1297 = tpu.vector_load %arg9[%get3A_1294, %get3A_1295, %get3A_1296] {strides = array<i32>} : memref<2x2x2000xf32, #tpu.memory_space<vmem>>, vector<1x1x16xf32>,
      %get3A_1298 = vector.shape_cast %get3A_1297 : vector<1x1x16xf32> to vector<16xf32>
      %get3A_1299 = arith.constant 0 : i32
      %get3A_1300 = arith.constant 1 : i32
      %get3A_1301 = arith.index_cast %get3A_1299 : i32 to index
      %get3A_1302 = arith.index_cast %get3A_1300 : i32 to index
      %get3A_1303 = arith.index_cast %mul3A_1215 : i32 to index
      %get3A_1304 = tpu.vector_load %arg10[%get3A_1301, %get3A_1302, %get3A_1303] {strides = array<i32>} : memref<2x2x2000xf32, #tpu.memory_space<vmem>>, vector<1x1x16xf32>,
      %get3A_1305 = vector.shape_cast %get3A_1304 : vector<1x1x16xf32> to vector<16xf32>
      %mul3A_1306 = arith.mulf %get3A_1298, %select_n3A_1290 : vector<16xf32>
      %sub3A_1307 = arith.subf %mul3A_1306, %get3A_1305 : vector<16xf32>
      %abs3A_1308 = math.absf %sub3A_1307 : vector<16xf32>
      %min3A_1309 = arith.constant 1.000000e+00 : f32
      %min3A_1310 = vector.broadcast %min3A_1309 : f32 to vector<16xf32>
      %min3A_1311 = arith.minimumf %abs3A_1308, %min3A_1310 : vector<16xf32>
      %add3A_1312 = arith.addf %abs3A_1308, %abs3A_1308 : vector<16xf32>
      %sub3A_1313 = arith.subf %add3A_1312, %min3A_1311 : vector<16xf32>
      %mul3A_1314 = arith.mulf %min3A_1311, %sub3A_1313 : vector<16xf32>
      %add3A_1315 = arith.addf %add3A_1187, %mul3A_1314 : vector<16xf32>
      %get3A_1316 = arith.constant 1 : i32
      %get3A_1317 = arith.constant 1 : i32
      %get3A_1318 = arith.index_cast %get3A_1316 : i32 to index
      %get3A_1319 = arith.index_cast %get3A_1317 : i32 to index
      %get3A_1320 = arith.index_cast %mul3A_1215 : i32 to index
      %get3A_1321 = tpu.vector_load %arg9[%get3A_1318, %get3A_1319, %get3A_1320] {strides = array<i32>} : memref<2x2x2000xf32, #tpu.memory_space<vmem>>, vector<1x1x16xf32>,
      %get3A_1322 = vector.shape_cast %get3A_1321 : vector<1x1x16xf32> to vector<16xf32>
      %get3A_1323 = arith.constant 1 : i32
      %get3A_1324 = arith.constant 1 : i32
      %get3A_1325 = arith.index_cast %get3A_1323 : i32 to index
      %get3A_1326 = arith.index_cast %get3A_1324 : i32 to index
      %get3A_1327 = arith.index_cast %mul3A_1215 : i32 to index
      %get3A_1328 = tpu.vector_load %arg10[%get3A_1325, %get3A_1326, %get3A_1327] {strides = array<i32>} : memref<2x2x2000xf32, #tpu.memory_space<vmem>>, vector<1x1x16xf32>,
      %get3A_1329 = vector.shape_cast %get3A_1328 : vector<1x1x16xf32> to vector<16xf32>
      %mul3A_1330 = arith.mulf %get3A_1322, %select_n3A_1290 : vector<16xf32>
      %sub3A_1331 = arith.subf %mul3A_1330, %get3A_1329 : vector<16xf32>
      %abs3A_1332 = math.absf %sub3A_1331 : vector<16xf32>
      %min3A_1333 = arith.constant 1.000000e+00 : f32
      %min3A_1334 = vector.broadcast %min3A_1333 : f32 to vector<16xf32>
      %min3A_1335 = arith.minimumf %abs3A_1332, %min3A_1334 : vector<16xf32>
      %add3A_1336 = arith.addf %abs3A_1332, %abs3A_1332 : vector<16xf32>
      %sub3A_1337 = arith.subf %add3A_1336, %min3A_1335 : vector<16xf32>
      %mul3A_1338 = arith.mulf %min3A_1335, %sub3A_1337 : vector<16xf32>
      %add3A_1339 = arith.addf %add3A_1211, %mul3A_1338 : vector<16xf32>
      scf.yield %add3A_1253, %add3A_1277, %add3A_1315, %add3A_1339, %add3A_1291 : vector<16xf32>, vector<16xf32>, vector<16xf32>, vector<16xf32>, vector<16xf32>
    }
    %scan3A_300 = arith.constant 124 : i32
    %scan3A_301 = arith.addi %scan3A_295, %scan3A_300 : i32
    %mul3A_302 = arith.constant 16 : i32
    %mul3A_303 = arith.muli %scan3A_301, %mul3A_302 : i32
    %get3A_304 = arith.constant 0 : i32
    %get3A_305 = arith.index_cast %get3A_304 : i32 to index
    %get3A_306 = arith.index_cast %mul3A_303 : i32 to index
    %get3A_307 = tpu.vector_load %arg11[%get3A_305, %get3A_306] {strides = array<i32>} : memref<2x2000xf32, #tpu.memory_space<vmem>>, vector<1x16xf32>,
    %get3A_308 = vector.shape_cast %get3A_307 : vector<1x16xf32> to vector<16xf32>
    %eq3A_309 = arith.constant 1.000000e+00 : f32
    %eq3A_310 = vector.broadcast %eq3A_309 : f32 to vector<16xf32>
    %eq3A_311 = arith.cmpf oeq, %get3A_308, %eq3A_310 : vector<16xf32>
    %jit3A_312 = arith.constant 1.000000e+00 : f32
    %jit3A_313 = arith.constant 0.000000e+00 : f32
    %broadcast_in_dim3A_314 = vector.broadcast %jit3A_312 : f32 to vector<16xf32>
    %broadcast_in_dim3A_315 = vector.broadcast %jit3A_313 : f32 to vector<16xf32>
    %select_n3A_316 = arith.select %eq3A_311, %broadcast_in_dim3A_314, %broadcast_in_dim3A_315 : vector<16xi1>, vector<16xf32>
    %add3A_317 = arith.addf %scan3A_299#4, %select_n3A_316 : vector<16xf32>
    %get3A_318 = arith.constant 0 : i32
    %get3A_319 = arith.constant 0 : i32
    %get3A_320 = arith.index_cast %get3A_318 : i32 to index
    %get3A_321 = arith.index_cast %get3A_319 : i32 to index
    %get3A_322 = arith.index_cast %mul3A_303 : i32 to index
    %get3A_323 = tpu.vector_load %arg9[%get3A_320, %get3A_321, %get3A_322] {strides = array<i32>} : memref<2x2x2000xf32, #tpu.memory_space<vmem>>, vector<1x1x16xf32>,
    %get3A_324 = vector.shape_cast %get3A_323 : vector<1x1x16xf32> to vector<16xf32>
    %get3A_325 = arith.constant 0 : i32
    %get3A_326 = arith.constant 0 : i32
    %get3A_327 = arith.index_cast %get3A_325 : i32 to index
    %get3A_328 = arith.index_cast %get3A_326 : i32 to index
    %get3A_329 = arith.index_cast %mul3A_303 : i32 to index
    %get3A_330 = tpu.vector_load %arg10[%get3A_327, %get3A_328, %get3A_329] {strides = array<i32>} : memref<2x2x2000xf32, #tpu.memory_space<vmem>>, vector<1x1x16xf32>,
    %get3A_331 = vector.shape_cast %get3A_330 : vector<1x1x16xf32> to vector<16xf32>
    %mul3A_332 = arith.mulf %get3A_324, %select_n3A_316 : vector<16xf32>
    %sub3A_333 = arith.subf %mul3A_332, %get3A_331 : vector<16xf32>
    %abs3A_334 = math.absf %sub3A_333 : vector<16xf32>
    %min3A_335 = arith.constant 1.000000e+00 : f32
    %min3A_336 = vector.broadcast %min3A_335 : f32 to vector<16xf32>
    %min3A_337 = arith.minimumf %abs3A_334, %min3A_336 : vector<16xf32>
    %add3A_338 = arith.addf %abs3A_334, %abs3A_334 : vector<16xf32>
    %sub3A_339 = arith.subf %add3A_338, %min3A_337 : vector<16xf32>
    %mul3A_340 = arith.mulf %min3A_337, %sub3A_339 : vector<16xf32>
    %add3A_341 = arith.addf %scan3A_299#0, %mul3A_340 : vector<16xf32>
    %get3A_342 = arith.constant 1 : i32
    %get3A_343 = arith.constant 0 : i32
    %get3A_344 = arith.index_cast %get3A_342 : i32 to index
    %get3A_345 = arith.index_cast %get3A_343 : i32 to index
    %get3A_346 = arith.index_cast %mul3A_303 : i32 to index
    %get3A_347 = tpu.vector_load %arg9[%get3A_344, %get3A_345, %get3A_346] {strides = array<i32>} : memref<2x2x2000xf32, #tpu.memory_space<vmem>>, vector<1x1x16xf32>,
    %get3A_348 = vector.shape_cast %get3A_347 : vector<1x1x16xf32> to vector<16xf32>
    %get3A_349 = arith.constant 1 : i32
    %get3A_350 = arith.constant 0 : i32
    %get3A_351 = arith.index_cast %get3A_349 : i32 to index
    %get3A_352 = arith.index_cast %get3A_350 : i32 to index
    %get3A_353 = arith.index_cast %mul3A_303 : i32 to index
    %get3A_354 = tpu.vector_load %arg10[%get3A_351, %get3A_352, %get3A_353] {strides = array<i32>} : memref<2x2x2000xf32, #tpu.memory_space<vmem>>, vector<1x1x16xf32>,
    %get3A_355 = vector.shape_cast %get3A_354 : vector<1x1x16xf32> to vector<16xf32>
    %mul3A_356 = arith.mulf %get3A_348, %select_n3A_316 : vector<16xf32>
    %sub3A_357 = arith.subf %mul3A_356, %get3A_355 : vector<16xf32>
    %abs3A_358 = math.absf %sub3A_357 : vector<16xf32>
    %min3A_359 = arith.constant 1.000000e+00 : f32
    %min3A_360 = vector.broadcast %min3A_359 : f32 to vector<16xf32>
    %min3A_361 = arith.minimumf %abs3A_358, %min3A_360 : vector<16xf32>
    %add3A_362 = arith.addf %abs3A_358, %abs3A_358 : vector<16xf32>
    %sub3A_363 = arith.subf %add3A_362, %min3A_361 : vector<16xf32>
    %mul3A_364 = arith.mulf %min3A_361, %sub3A_363 : vector<16xf32>
    %add3A_365 = arith.addf %scan3A_299#1, %mul3A_364 : vector<16xf32>
    %get3A_366 = arith.constant 1 : i32
    %get3A_367 = arith.index_cast %get3A_366 : i32 to index
    %get3A_368 = arith.index_cast %mul3A_303 : i32 to index
    %get3A_369 = tpu.vector_load %arg11[%get3A_367, %get3A_368] {strides = array<i32>} : memref<2x2000xf32, #tpu.memory_space<vmem>>, vector<1x16xf32>,
    %get3A_370 = vector.shape_cast %get3A_369 : vector<1x16xf32> to vector<16xf32>
    %eq3A_371 = arith.constant 1.000000e+00 : f32
    %eq3A_372 = vector.broadcast %eq3A_371 : f32 to vector<16xf32>
    %eq3A_373 = arith.cmpf oeq, %get3A_370, %eq3A_372 : vector<16xf32>
    %jit3A_374 = arith.constant 1.000000e+00 : f32
    %jit3A_375 = arith.constant 0.000000e+00 : f32
    %broadcast_in_dim3A_376 = vector.broadcast %jit3A_374 : f32 to vector<16xf32>
    %broadcast_in_dim3A_377 = vector.broadcast %jit3A_375 : f32 to vector<16xf32>
    %select_n3A_378 = arith.select %eq3A_373, %broadcast_in_dim3A_376, %broadcast_in_dim3A_377 : vector<16xi1>, vector<16xf32>
    %add3A_379 = arith.addf %add3A_317, %select_n3A_378 : vector<16xf32>
    %get3A_380 = arith.constant 0 : i32
    %get3A_381 = arith.constant 1 : i32
    %get3A_382 = arith.index_cast %get3A_380 : i32 to index
    %get3A_383 = arith.index_cast %get3A_381 : i32 to index
    %get3A_384 = arith.index_cast %mul3A_303 : i32 to index
    %get3A_385 = tpu.vector_load %arg9[%get3A_382, %get3A_383, %get3A_384] {strides = array<i32>} : memref<2x2x2000xf32, #tpu.memory_space<vmem>>, vector<1x1x16xf32>,
    %get3A_386 = vector.shape_cast %get3A_385 : vector<1x1x16xf32> to vector<16xf32>
    %get3A_387 = arith.constant 0 : i32
    %get3A_388 = arith.constant 1 : i32
    %get3A_389 = arith.index_cast %get3A_387 : i32 to index
    %get3A_390 = arith.index_cast %get3A_388 : i32 to index
    %get3A_391 = arith.index_cast %mul3A_303 : i32 to index
    %get3A_392 = tpu.vector_load %arg10[%get3A_389, %get3A_390, %get3A_391] {strides = array<i32>} : memref<2x2x2000xf32, #tpu.memory_space<vmem>>, vector<1x1x16xf32>,
    %get3A_393 = vector.shape_cast %get3A_392 : vector<1x1x16xf32> to vector<16xf32>
    %mul3A_394 = arith.mulf %get3A_386, %select_n3A_378 : vector<16xf32>
    %sub3A_395 = arith.subf %mul3A_394, %get3A_393 : vector<16xf32>
    %abs3A_396 = math.absf %sub3A_395 : vector<16xf32>
    %min3A_397 = arith.constant 1.000000e+00 : f32
    %min3A_398 = vector.broadcast %min3A_397 : f32 to vector<16xf32>
    %min3A_399 = arith.minimumf %abs3A_396, %min3A_398 : vector<16xf32>
    %add3A_400 = arith.addf %abs3A_396, %abs3A_396 : vector<16xf32>
    %sub3A_401 = arith.subf %add3A_400, %min3A_399 : vector<16xf32>
    %mul3A_402 = arith.mulf %min3A_399, %sub3A_401 : vector<16xf32>
    %add3A_403 = arith.addf %scan3A_299#2, %mul3A_402 : vector<16xf32>
    %get3A_404 = arith.constant 1 : i32
    %get3A_405 = arith.constant 1 : i32
    %get3A_406 = arith.index_cast %get3A_404 : i32 to index
    %get3A_407 = arith.index_cast %get3A_405 : i32 to index
    %get3A_408 = arith.index_cast %mul3A_303 : i32 to index
    %get3A_409 = tpu.vector_load %arg9[%get3A_406, %get3A_407, %get3A_408] {strides = array<i32>} : memref<2x2x2000xf32, #tpu.memory_space<vmem>>, vector<1x1x16xf32>,
    %get3A_410 = vector.shape_cast %get3A_409 : vector<1x1x16xf32> to vector<16xf32>
    %get3A_411 = arith.constant 1 : i32
    %get3A_412 = arith.constant 1 : i32
    %get3A_413 = arith.index_cast %get3A_411 : i32 to index
    %get3A_414 = arith.index_cast %get3A_412 : i32 to index
    %get3A_415 = arith.index_cast %mul3A_303 : i32 to index
    %get3A_416 = tpu.vector_load %arg10[%get3A_413, %get3A_414, %get3A_415] {strides = array<i32>} : memref<2x2x2000xf32, #tpu.memory_space<vmem>>, vector<1x1x16xf32>,
    %get3A_417 = vector.shape_cast %get3A_416 : vector<1x1x16xf32> to vector<16xf32>
    %mul3A_418 = arith.mulf %get3A_410, %select_n3A_378 : vector<16xf32>
    %sub3A_419 = arith.subf %mul3A_418, %get3A_417 : vector<16xf32>
    %abs3A_420 = math.absf %sub3A_419 : vector<16xf32>
    %min3A_421 = arith.constant 1.000000e+00 : f32
    %min3A_422 = vector.broadcast %min3A_421 : f32 to vector<16xf32>
    %min3A_423 = arith.minimumf %abs3A_420, %min3A_422 : vector<16xf32>
    %add3A_424 = arith.addf %abs3A_420, %abs3A_420 : vector<16xf32>
    %sub3A_425 = arith.subf %add3A_424, %min3A_423 : vector<16xf32>
    %mul3A_426 = arith.mulf %min3A_423, %sub3A_425 : vector<16xf32>
    %add3A_427 = arith.addf %scan3A_299#3, %mul3A_426 : vector<16xf32>
    %scan3A_428 = arith.constant 125 : i32
    %add3A_429 = arith.constant 96 : i32
    %add3A_430 = arith.addi %add3A, %add3A_429 : i32
    %mul3A_431 = arith.constant 2 : i32
    %mul3A_432 = arith.muli %mul3A_431, %add3A_430 : i32
    %add3A_433 = arith.constant 4 : i32
    %add3A_434 = arith.addi %add3A_433, %mul3A_432 : i32
    %mul3A_435 = arith.constant 2 : i32
    %mul3A_436 = arith.muli %mul3A_435, %add3A_430 : i32
    %add3A_437 = arith.constant 4 : i32
    %add3A_438 = arith.addi %add3A_437, %mul3A_436 : i32
    %shift_right_arithmetic3A_439 = arith.constant 1 : i32
    %shift_right_arithmetic3A_440 = arith.shrsi %add3A_430, %shift_right_arithmetic3A_439 : i32
    %add3A_441 = arith.constant 1 : i32
    %add3A_442 = arith.addi %add3A_441, %shift_right_arithmetic3A_440 : i32
    %dma_start3A_443 = arith.constant 0 : i32
    %dma_start3A_444 = arith.constant 0 : i32
    %dma_start3A_445 = tpu.memref_slice %arg2[%add3A_434, %dma_start3A_443, %dma_start3A_444] : memref<324x2x2000xf32, #tpu.memory_space<hbm>> -> memref<2x2x2000xf32, #tpu.memory_space<hbm>>
    %dma_start3A_446 = arith.constant 0 : i32
    %dma_start3A_447 = arith.constant 0 : i32
    %dma_start3A_448 = tpu.memref_slice %arg2[%add3A_434, %dma_start3A_446, %dma_start3A_447] : memref<324x2x2000xf32, #tpu.memory_space<hbm>> -> memref<2x2x2000xf32, #tpu.memory_space<hbm>>
    tpu.enqueue_dma source(%dma_start3A_448 : memref<2x2x2000xf32, #tpu.memory_space<hbm>>) target(%arg9 : memref<2x2x2000xf32, #tpu.memory_space<vmem>>) target_semaphore(%arg14 : memref<!tpu.dma_semaphore, #tpu.memory_space<semaphore_mem>>)
    %dma_start3A_449 = arith.constant 0 : i32
    %dma_start3A_450 = arith.constant 0 : i32
    %dma_start3A_451 = tpu.memref_slice %arg3[%add3A_438, %dma_start3A_449, %dma_start3A_450] : memref<324x2x2000xf32, #tpu.memory_space<hbm>> -> memref<2x2x2000xf32, #tpu.memory_space<hbm>>
    %dma_start3A_452 = arith.constant 0 : i32
    %dma_start3A_453 = arith.constant 0 : i32
    %dma_start3A_454 = tpu.memref_slice %arg3[%add3A_438, %dma_start3A_452, %dma_start3A_453] : memref<324x2x2000xf32, #tpu.memory_space<hbm>> -> memref<2x2x2000xf32, #tpu.memory_space<hbm>>
    tpu.enqueue_dma source(%dma_start3A_454 : memref<2x2x2000xf32, #tpu.memory_space<hbm>>) target(%arg10 : memref<2x2x2000xf32, #tpu.memory_space<vmem>>) target_semaphore(%arg14 : memref<!tpu.dma_semaphore, #tpu.memory_space<semaphore_mem>>)
    %dma_start3A_455 = arith.constant 0 : i32
    %dma_start3A_456 = arith.constant 0 : i32
    %dma_start3A_457 = tpu.memref_slice %arg4[%add3A_442, %dma_start3A_455, %dma_start3A_456] : memref<81x2x2000xf32, #tpu.memory_space<hbm>> -> memref<1x2x2000xf32, #tpu.memory_space<hbm>>
    %dma_start3A_458 = tpu.memref_squeeze %dma_start3A_457 : memref<1x2x2000xf32, #tpu.memory_space<hbm>> -> memref<2x2000xf32, #tpu.memory_space<hbm>>
    %dma_start3A_459 = arith.constant 0 : i32
    %dma_start3A_460 = arith.constant 0 : i32
    %dma_start3A_461 = tpu.memref_slice %arg4[%add3A_442, %dma_start3A_459, %dma_start3A_460] : memref<81x2x2000xf32, #tpu.memory_space<hbm>> -> memref<1x2x2000xf32, #tpu.memory_space<hbm>>
    %dma_start3A_462 = tpu.memref_squeeze %dma_start3A_461 : memref<1x2x2000xf32, #tpu.memory_space<hbm>> -> memref<2x2000xf32, #tpu.memory_space<hbm>>
    tpu.enqueue_dma source(%dma_start3A_462 : memref<2x2000xf32, #tpu.memory_space<hbm>>) target(%arg11 : memref<2x2000xf32, #tpu.memory_space<vmem>>) target_semaphore(%arg14 : memref<!tpu.dma_semaphore, #tpu.memory_space<semaphore_mem>>)
    %add3A_463 = arith.constant 64 : i32
    %add3A_464 = arith.addi %add3A, %add3A_463 : i32
    %mul3A_465 = arith.constant 2 : i32
    %mul3A_466 = arith.muli %mul3A_465, %add3A_464 : i32
    %add3A_467 = arith.constant 4 : i32
    %add3A_468 = arith.addi %add3A_467, %mul3A_466 : i32
    %mul3A_469 = arith.constant 2 : i32
    %mul3A_470 = arith.muli %mul3A_469, %add3A_464 : i32
    %add3A_471 = arith.constant 4 : i32
    %add3A_472 = arith.addi %add3A_471, %mul3A_470 : i32
    %shift_right_arithmetic3A_473 = arith.constant 1 : i32
    %shift_right_arithmetic3A_474 = arith.shrsi %add3A_464, %shift_right_arithmetic3A_473 : i32
    %add3A_475 = arith.constant 1 : i32
    %add3A_476 = arith.addi %add3A_475, %shift_right_arithmetic3A_474 : i32
    %dma_wait3A_477 = arith.constant 0 : i32
    %dma_wait3A_478 = arith.constant 0 : i32
    %dma_wait3A_479 = tpu.memref_slice %arg2[%add3A_468, %dma_wait3A_477, %dma_wait3A_478] : memref<324x2x2000xf32, #tpu.memory_space<hbm>> -> memref<2x2x2000xf32, #tpu.memory_space<hbm>>
    %dma_wait3A_480 = arith.constant 0 : i32
    %dma_wait3A_481 = arith.constant 0 : i32
    %dma_wait3A_482 = tpu.memref_slice %arg2[%add3A_468, %dma_wait3A_480, %dma_wait3A_481] : memref<324x2x2000xf32, #tpu.memory_space<hbm>> -> memref<2x2x2000xf32, #tpu.memory_space<hbm>>
    tpu.wait_dma2 semaphore(%arg13 : memref<!tpu.dma_semaphore, #tpu.memory_space<semaphore_mem>>) src(%dma_wait3A_482 : memref<2x2x2000xf32, #tpu.memory_space<hbm>>) dst(%arg6 : memref<2x2x2000xf32, #tpu.memory_space<vmem>>)
    %dma_wait3A_483 = arith.constant 0 : i32
    %dma_wait3A_484 = arith.constant 0 : i32
    %dma_wait3A_485 = tpu.memref_slice %arg3[%add3A_472, %dma_wait3A_483, %dma_wait3A_484] : memref<324x2x2000xf32, #tpu.memory_space<hbm>> -> memref<2x2x2000xf32, #tpu.memory_space<hbm>>
    %dma_wait3A_486 = arith.constant 0 : i32
    %dma_wait3A_487 = arith.constant 0 : i32
    %dma_wait3A_488 = tpu.memref_slice %arg3[%add3A_472, %dma_wait3A_486, %dma_wait3A_487] : memref<324x2x2000xf32, #tpu.memory_space<hbm>> -> memref<2x2x2000xf32, #tpu.memory_space<hbm>>
    tpu.wait_dma2 semaphore(%arg13 : memref<!tpu.dma_semaphore, #tpu.memory_space<semaphore_mem>>) src(%dma_wait3A_488 : memref<2x2x2000xf32, #tpu.memory_space<hbm>>) dst(%arg7 : memref<2x2x2000xf32, #tpu.memory_space<vmem>>)
    %dma_wait3A_489 = arith.constant 0 : i32
    %dma_wait3A_490 = arith.constant 0 : i32
    %dma_wait3A_491 = tpu.memref_slice %arg4[%add3A_476, %dma_wait3A_489, %dma_wait3A_490] : memref<81x2x2000xf32, #tpu.memory_space<hbm>> -> memref<1x2x2000xf32, #tpu.memory_space<hbm>>
    %dma_wait3A_492 = tpu.memref_squeeze %dma_wait3A_491 : memref<1x2x2000xf32, #tpu.memory_space<hbm>> -> memref<2x2000xf32, #tpu.memory_space<hbm>>
    %dma_wait3A_493 = arith.constant 0 : i32
    %dma_wait3A_494 = arith.constant 0 : i32
    %dma_wait3A_495 = tpu.memref_slice %arg4[%add3A_476, %dma_wait3A_493, %dma_wait3A_494] : memref<81x2x2000xf32, #tpu.memory_space<hbm>> -> memref<1x2x2000xf32, #tpu.memory_space<hbm>>
    %dma_wait3A_496 = tpu.memref_squeeze %dma_wait3A_495 : memref<1x2x2000xf32, #tpu.memory_space<hbm>> -> memref<2x2000xf32, #tpu.memory_space<hbm>>
    tpu.wait_dma2 semaphore(%arg13 : memref<!tpu.dma_semaphore, #tpu.memory_space<semaphore_mem>>) src(%dma_wait3A_496 : memref<2x2000xf32, #tpu.memory_space<hbm>>) dst(%arg8 : memref<2x2000xf32, #tpu.memory_space<vmem>>)
    %scan3A_497 = arith.constant 0 : i32
    %scan3A_498 = arith.constant 124 : i32
    %scan3A_499 = arith.addi %scan3A_497, %scan3A_498 : i32
    %scan3A_500 = arith.constant 2 : i32
    %scan3A_501:5 = scf.for %scan3A_1080 = %scan3A_497 to %scan3A_499 step %scan3A_500 iter_args(%scan3A_1081 = %add3A_341, %scan3A_1082 = %add3A_365, %scan3A_1083 = %add3A_403, %scan3A_1084 = %add3A_427, %scan3A_1085 = %add3A_379) -> (vector<16xf32>, vector<16xf32>, vector<16xf32>, vector<16xf32>, vector<16xf32>)  : i32 {
      %mul3A_1086 = arith.constant 16 : i32
      %mul3A_1087 = arith.muli %scan3A_1080, %mul3A_1086 : i32
      %get3A_1088 = arith.constant 0 : i32
      %get3A_1089 = arith.index_cast %get3A_1088 : i32 to index
      %get3A_1090 = arith.index_cast %mul3A_1087 : i32 to index
      %get3A_1091 = tpu.vector_load %arg8[%get3A_1089, %get3A_1090] {strides = array<i32>} : memref<2x2000xf32, #tpu.memory_space<vmem>>, vector<1x16xf32>,
      %get3A_1092 = vector.shape_cast %get3A_1091 : vector<1x16xf32> to vector<16xf32>
      %eq3A_1093 = arith.constant 1.000000e+00 : f32
      %eq3A_1094 = vector.broadcast %eq3A_1093 : f32 to vector<16xf32>
      %eq3A_1095 = arith.cmpf oeq, %get3A_1092, %eq3A_1094 : vector<16xf32>
      %jit3A_1096 = arith.constant 1.000000e+00 : f32
      %jit3A_1097 = arith.constant 0.000000e+00 : f32
      %broadcast_in_dim3A_1098 = vector.broadcast %jit3A_1096 : f32 to vector<16xf32>
      %broadcast_in_dim3A_1099 = vector.broadcast %jit3A_1097 : f32 to vector<16xf32>
      %select_n3A_1100 = arith.select %eq3A_1095, %broadcast_in_dim3A_1098, %broadcast_in_dim3A_1099 : vector<16xi1>, vector<16xf32>
      %add3A_1101 = arith.addf %scan3A_1085, %select_n3A_1100 : vector<16xf32>
      %get3A_1102 = arith.constant 0 : i32
      %get3A_1103 = arith.constant 0 : i32
      %get3A_1104 = arith.index_cast %get3A_1102 : i32 to index
      %get3A_1105 = arith.index_cast %get3A_1103 : i32 to index
      %get3A_1106 = arith.index_cast %mul3A_1087 : i32 to index
      %get3A_1107 = tpu.vector_load %arg6[%get3A_1104, %get3A_1105, %get3A_1106] {strides = array<i32>} : memref<2x2x2000xf32, #tpu.memory_space<vmem>>, vector<1x1x16xf32>,
      %get3A_1108 = vector.shape_cast %get3A_1107 : vector<1x1x16xf32> to vector<16xf32>
      %get3A_1109 = arith.constant 0 : i32
      %get3A_1110 = arith.constant 0 : i32
      %get3A_1111 = arith.index_cast %get3A_1109 : i32 to index
      %get3A_1112 = arith.index_cast %get3A_1110 : i32 to index
      %get3A_1113 = arith.index_cast %mul3A_1087 : i32 to index
      %get3A_1114 = tpu.vector_load %arg7[%get3A_1111, %get3A_1112, %get3A_1113] {strides = array<i32>} : memref<2x2x2000xf32, #tpu.memory_space<vmem>>, vector<1x1x16xf32>,
      %get3A_1115 = vector.shape_cast %get3A_1114 : vector<1x1x16xf32> to vector<16xf32>
      %mul3A_1116 = arith.mulf %get3A_1108, %select_n3A_1100 : vector<16xf32>
      %sub3A_1117 = arith.subf %mul3A_1116, %get3A_1115 : vector<16xf32>
      %abs3A_1118 = math.absf %sub3A_1117 : vector<16xf32>
      %min3A_1119 = arith.constant 1.000000e+00 : f32
      %min3A_1120 = vector.broadcast %min3A_1119 : f32 to vector<16xf32>
      %min3A_1121 = arith.minimumf %abs3A_1118, %min3A_1120 : vector<16xf32>
      %add3A_1122 = arith.addf %abs3A_1118, %abs3A_1118 : vector<16xf32>
      %sub3A_1123 = arith.subf %add3A_1122, %min3A_1121 : vector<16xf32>
      %mul3A_1124 = arith.mulf %min3A_1121, %sub3A_1123 : vector<16xf32>
      %add3A_1125 = arith.addf %scan3A_1081, %mul3A_1124 : vector<16xf32>
      %get3A_1126 = arith.constant 1 : i32
      %get3A_1127 = arith.constant 0 : i32
      %get3A_1128 = arith.index_cast %get3A_1126 : i32 to index
      %get3A_1129 = arith.index_cast %get3A_1127 : i32 to index
      %get3A_1130 = arith.index_cast %mul3A_1087 : i32 to index
      %get3A_1131 = tpu.vector_load %arg6[%get3A_1128, %get3A_1129, %get3A_1130] {strides = array<i32>} : memref<2x2x2000xf32, #tpu.memory_space<vmem>>, vector<1x1x16xf32>,
      %get3A_1132 = vector.shape_cast %get3A_1131 : vector<1x1x16xf32> to vector<16xf32>
      %get3A_1133 = arith.constant 1 : i32
      %get3A_1134 = arith.constant 0 : i32
      %get3A_1135 = arith.index_cast %get3A_1133 : i32 to index
      %get3A_1136 = arith.index_cast %get3A_1134 : i32 to index
      %get3A_1137 = arith.index_cast %mul3A_1087 : i32 to index
      %get3A_1138 = tpu.vector_load %arg7[%get3A_1135, %get3A_1136, %get3A_1137] {strides = array<i32>} : memref<2x2x2000xf32, #tpu.memory_space<vmem>>, vector<1x1x16xf32>,
      %get3A_1139 = vector.shape_cast %get3A_1138 : vector<1x1x16xf32> to vector<16xf32>
      %mul3A_1140 = arith.mulf %get3A_1132, %select_n3A_1100 : vector<16xf32>
      %sub3A_1141 = arith.subf %mul3A_1140, %get3A_1139 : vector<16xf32>
      %abs3A_1142 = math.absf %sub3A_1141 : vector<16xf32>
      %min3A_1143 = arith.constant 1.000000e+00 : f32
      %min3A_1144 = vector.broadcast %min3A_1143 : f32 to vector<16xf32>
      %min3A_1145 = arith.minimumf %abs3A_1142, %min3A_1144 : vector<16xf32>
      %add3A_1146 = arith.addf %abs3A_1142, %abs3A_1142 : vector<16xf32>
      %sub3A_1147 = arith.subf %add3A_1146, %min3A_1145 : vector<16xf32>
      %mul3A_1148 = arith.mulf %min3A_1145, %sub3A_1147 : vector<16xf32>
      %add3A_1149 = arith.addf %scan3A_1082, %mul3A_1148 : vector<16xf32>
      %get3A_1150 = arith.constant 1 : i32
      %get3A_1151 = arith.index_cast %get3A_1150 : i32 to index
      %get3A_1152 = arith.index_cast %mul3A_1087 : i32 to index
      %get3A_1153 = tpu.vector_load %arg8[%get3A_1151, %get3A_1152] {strides = array<i32>} : memref<2x2000xf32, #tpu.memory_space<vmem>>, vector<1x16xf32>,
      %get3A_1154 = vector.shape_cast %get3A_1153 : vector<1x16xf32> to vector<16xf32>
      %eq3A_1155 = arith.constant 1.000000e+00 : f32
      %eq3A_1156 = vector.broadcast %eq3A_1155 : f32 to vector<16xf32>
      %eq3A_1157 = arith.cmpf oeq, %get3A_1154, %eq3A_1156 : vector<16xf32>
      %jit3A_1158 = arith.constant 1.000000e+00 : f32
      %jit3A_1159 = arith.constant 0.000000e+00 : f32
      %broadcast_in_dim3A_1160 = vector.broadcast %jit3A_1158 : f32 to vector<16xf32>
      %broadcast_in_dim3A_1161 = vector.broadcast %jit3A_1159 : f32 to vector<16xf32>
      %select_n3A_1162 = arith.select %eq3A_1157, %broadcast_in_dim3A_1160, %broadcast_in_dim3A_1161 : vector<16xi1>, vector<16xf32>
      %add3A_1163 = arith.addf %add3A_1101, %select_n3A_1162 : vector<16xf32>
      %get3A_1164 = arith.constant 0 : i32
      %get3A_1165 = arith.constant 1 : i32
      %get3A_1166 = arith.index_cast %get3A_1164 : i32 to index
      %get3A_1167 = arith.index_cast %get3A_1165 : i32 to index
      %get3A_1168 = arith.index_cast %mul3A_1087 : i32 to index
      %get3A_1169 = tpu.vector_load %arg6[%get3A_1166, %get3A_1167, %get3A_1168] {strides = array<i32>} : memref<2x2x2000xf32, #tpu.memory_space<vmem>>, vector<1x1x16xf32>,
      %get3A_1170 = vector.shape_cast %get3A_1169 : vector<1x1x16xf32> to vector<16xf32>
      %get3A_1171 = arith.constant 0 : i32
      %get3A_1172 = arith.constant 1 : i32
      %get3A_1173 = arith.index_cast %get3A_1171 : i32 to index
      %get3A_1174 = arith.index_cast %get3A_1172 : i32 to index
      %get3A_1175 = arith.index_cast %mul3A_1087 : i32 to index
      %get3A_1176 = tpu.vector_load %arg7[%get3A_1173, %get3A_1174, %get3A_1175] {strides = array<i32>} : memref<2x2x2000xf32, #tpu.memory_space<vmem>>, vector<1x1x16xf32>,
      %get3A_1177 = vector.shape_cast %get3A_1176 : vector<1x1x16xf32> to vector<16xf32>
      %mul3A_1178 = arith.mulf %get3A_1170, %select_n3A_1162 : vector<16xf32>
      %sub3A_1179 = arith.subf %mul3A_1178, %get3A_1177 : vector<16xf32>
      %abs3A_1180 = math.absf %sub3A_1179 : vector<16xf32>
      %min3A_1181 = arith.constant 1.000000e+00 : f32
      %min3A_1182 = vector.broadcast %min3A_1181 : f32 to vector<16xf32>
      %min3A_1183 = arith.minimumf %abs3A_1180, %min3A_1182 : vector<16xf32>
      %add3A_1184 = arith.addf %abs3A_1180, %abs3A_1180 : vector<16xf32>
      %sub3A_1185 = arith.subf %add3A_1184, %min3A_1183 : vector<16xf32>
      %mul3A_1186 = arith.mulf %min3A_1183, %sub3A_1185 : vector<16xf32>
      %add3A_1187 = arith.addf %scan3A_1083, %mul3A_1186 : vector<16xf32>
      %get3A_1188 = arith.constant 1 : i32
      %get3A_1189 = arith.constant 1 : i32
      %get3A_1190 = arith.index_cast %get3A_1188 : i32 to index
      %get3A_1191 = arith.index_cast %get3A_1189 : i32 to index
      %get3A_1192 = arith.index_cast %mul3A_1087 : i32 to index
      %get3A_1193 = tpu.vector_load %arg6[%get3A_1190, %get3A_1191, %get3A_1192] {strides = array<i32>} : memref<2x2x2000xf32, #tpu.memory_space<vmem>>, vector<1x1x16xf32>,
      %get3A_1194 = vector.shape_cast %get3A_1193 : vector<1x1x16xf32> to vector<16xf32>
      %get3A_1195 = arith.constant 1 : i32
      %get3A_1196 = arith.constant 1 : i32
      %get3A_1197 = arith.index_cast %get3A_1195 : i32 to index
      %get3A_1198 = arith.index_cast %get3A_1196 : i32 to index
      %get3A_1199 = arith.index_cast %mul3A_1087 : i32 to index
      %get3A_1200 = tpu.vector_load %arg7[%get3A_1197, %get3A_1198, %get3A_1199] {strides = array<i32>} : memref<2x2x2000xf32, #tpu.memory_space<vmem>>, vector<1x1x16xf32>,
      %get3A_1201 = vector.shape_cast %get3A_1200 : vector<1x1x16xf32> to vector<16xf32>
      %mul3A_1202 = arith.mulf %get3A_1194, %select_n3A_1162 : vector<16xf32>
      %sub3A_1203 = arith.subf %mul3A_1202, %get3A_1201 : vector<16xf32>
      %abs3A_1204 = math.absf %sub3A_1203 : vector<16xf32>
      %min3A_1205 = arith.constant 1.000000e+00 : f32
      %min3A_1206 = vector.broadcast %min3A_1205 : f32 to vector<16xf32>
      %min3A_1207 = arith.minimumf %abs3A_1204, %min3A_1206 : vector<16xf32>
      %add3A_1208 = arith.addf %abs3A_1204, %abs3A_1204 : vector<16xf32>
      %sub3A_1209 = arith.subf %add3A_1208, %min3A_1207 : vector<16xf32>
      %mul3A_1210 = arith.mulf %min3A_1207, %sub3A_1209 : vector<16xf32>
      %add3A_1211 = arith.addf %scan3A_1084, %mul3A_1210 : vector<16xf32>
      %scan3A_1212 = arith.constant 1 : i32
      %scan3A_1213 = arith.addi %scan3A_1080, %scan3A_1212 : i32
      %mul3A_1214 = arith.constant 16 : i32
      %mul3A_1215 = arith.muli %scan3A_1213, %mul3A_1214 : i32
      %get3A_1216 = arith.constant 0 : i32
      %get3A_1217 = arith.index_cast %get3A_1216 : i32 to index
      %get3A_1218 = arith.index_cast %mul3A_1215 : i32 to index
      %get3A_1219 = tpu.vector_load %arg8[%get3A_1217, %get3A_1218] {strides = array<i32>} : memref<2x2000xf32, #tpu.memory_space<vmem>>, vector<1x16xf32>,
      %get3A_1220 = vector.shape_cast %get3A_1219 : vector<1x16xf32> to vector<16xf32>
      %eq3A_1221 = arith.constant 1.000000e+00 : f32
      %eq3A_1222 = vector.broadcast %eq3A_1221 : f32 to vector<16xf32>
      %eq3A_1223 = arith.cmpf oeq, %get3A_1220, %eq3A_1222 : vector<16xf32>
      %jit3A_1224 = arith.constant 1.000000e+00 : f32
      %jit3A_1225 = arith.constant 0.000000e+00 : f32
      %broadcast_in_dim3A_1226 = vector.broadcast %jit3A_1224 : f32 to vector<16xf32>
      %broadcast_in_dim3A_1227 = vector.broadcast %jit3A_1225 : f32 to vector<16xf32>
      %select_n3A_1228 = arith.select %eq3A_1223, %broadcast_in_dim3A_1226, %broadcast_in_dim3A_1227 : vector<16xi1>, vector<16xf32>
      %add3A_1229 = arith.addf %add3A_1163, %select_n3A_1228 : vector<16xf32>
      %get3A_1230 = arith.constant 0 : i32
      %get3A_1231 = arith.constant 0 : i32
      %get3A_1232 = arith.index_cast %get3A_1230 : i32 to index
      %get3A_1233 = arith.index_cast %get3A_1231 : i32 to index
      %get3A_1234 = arith.index_cast %mul3A_1215 : i32 to index
      %get3A_1235 = tpu.vector_load %arg6[%get3A_1232, %get3A_1233, %get3A_1234] {strides = array<i32>} : memref<2x2x2000xf32, #tpu.memory_space<vmem>>, vector<1x1x16xf32>,
      %get3A_1236 = vector.shape_cast %get3A_1235 : vector<1x1x16xf32> to vector<16xf32>
      %get3A_1237 = arith.constant 0 : i32
      %get3A_1238 = arith.constant 0 : i32
      %get3A_1239 = arith.index_cast %get3A_1237 : i32 to index
      %get3A_1240 = arith.index_cast %get3A_1238 : i32 to index
      %get3A_1241 = arith.index_cast %mul3A_1215 : i32 to index
      %get3A_1242 = tpu.vector_load %arg7[%get3A_1239, %get3A_1240, %get3A_1241] {strides = array<i32>} : memref<2x2x2000xf32, #tpu.memory_space<vmem>>, vector<1x1x16xf32>,
      %get3A_1243 = vector.shape_cast %get3A_1242 : vector<1x1x16xf32> to vector<16xf32>
      %mul3A_1244 = arith.mulf %get3A_1236, %select_n3A_1228 : vector<16xf32>
      %sub3A_1245 = arith.subf %mul3A_1244, %get3A_1243 : vector<16xf32>
      %abs3A_1246 = math.absf %sub3A_1245 : vector<16xf32>
      %min3A_1247 = arith.constant 1.000000e+00 : f32
      %min3A_1248 = vector.broadcast %min3A_1247 : f32 to vector<16xf32>
      %min3A_1249 = arith.minimumf %abs3A_1246, %min3A_1248 : vector<16xf32>
      %add3A_1250 = arith.addf %abs3A_1246, %abs3A_1246 : vector<16xf32>
      %sub3A_1251 = arith.subf %add3A_1250, %min3A_1249 : vector<16xf32>
      %mul3A_1252 = arith.mulf %min3A_1249, %sub3A_1251 : vector<16xf32>
      %add3A_1253 = arith.addf %add3A_1125, %mul3A_1252 : vector<16xf32>
      %get3A_1254 = arith.constant 1 : i32
      %get3A_1255 = arith.constant 0 : i32
      %get3A_1256 = arith.index_cast %get3A_1254 : i32 to index
      %get3A_1257 = arith.index_cast %get3A_1255 : i32 to index
      %get3A_1258 = arith.index_cast %mul3A_1215 : i32 to index
      %get3A_1259 = tpu.vector_load %arg6[%get3A_1256, %get3A_1257, %get3A_1258] {strides = array<i32>} : memref<2x2x2000xf32, #tpu.memory_space<vmem>>, vector<1x1x16xf32>,
      %get3A_1260 = vector.shape_cast %get3A_1259 : vector<1x1x16xf32> to vector<16xf32>
      %get3A_1261 = arith.constant 1 : i32
      %get3A_1262 = arith.constant 0 : i32
      %get3A_1263 = arith.index_cast %get3A_1261 : i32 to index
      %get3A_1264 = arith.index_cast %get3A_1262 : i32 to index
      %get3A_1265 = arith.index_cast %mul3A_1215 : i32 to index
      %get3A_1266 = tpu.vector_load %arg7[%get3A_1263, %get3A_1264, %get3A_1265] {strides = array<i32>} : memref<2x2x2000xf32, #tpu.memory_space<vmem>>, vector<1x1x16xf32>,
      %get3A_1267 = vector.shape_cast %get3A_1266 : vector<1x1x16xf32> to vector<16xf32>
      %mul3A_1268 = arith.mulf %get3A_1260, %select_n3A_1228 : vector<16xf32>
      %sub3A_1269 = arith.subf %mul3A_1268, %get3A_1267 : vector<16xf32>
      %abs3A_1270 = math.absf %sub3A_1269 : vector<16xf32>
      %min3A_1271 = arith.constant 1.000000e+00 : f32
      %min3A_1272 = vector.broadcast %min3A_1271 : f32 to vector<16xf32>
      %min3A_1273 = arith.minimumf %abs3A_1270, %min3A_1272 : vector<16xf32>
      %add3A_1274 = arith.addf %abs3A_1270, %abs3A_1270 : vector<16xf32>
      %sub3A_1275 = arith.subf %add3A_1274, %min3A_1273 : vector<16xf32>
      %mul3A_1276 = arith.mulf %min3A_1273, %sub3A_1275 : vector<16xf32>
      %add3A_1277 = arith.addf %add3A_1149, %mul3A_1276 : vector<16xf32>
      %get3A_1278 = arith.constant 1 : i32
      %get3A_1279 = arith.index_cast %get3A_1278 : i32 to index
      %get3A_1280 = arith.index_cast %mul3A_1215 : i32 to index
      %get3A_1281 = tpu.vector_load %arg8[%get3A_1279, %get3A_1280] {strides = array<i32>} : memref<2x2000xf32, #tpu.memory_space<vmem>>, vector<1x16xf32>,
      %get3A_1282 = vector.shape_cast %get3A_1281 : vector<1x16xf32> to vector<16xf32>
      %eq3A_1283 = arith.constant 1.000000e+00 : f32
      %eq3A_1284 = vector.broadcast %eq3A_1283 : f32 to vector<16xf32>
      %eq3A_1285 = arith.cmpf oeq, %get3A_1282, %eq3A_1284 : vector<16xf32>
      %jit3A_1286 = arith.constant 1.000000e+00 : f32
      %jit3A_1287 = arith.constant 0.000000e+00 : f32
      %broadcast_in_dim3A_1288 = vector.broadcast %jit3A_1286 : f32 to vector<16xf32>
      %broadcast_in_dim3A_1289 = vector.broadcast %jit3A_1287 : f32 to vector<16xf32>
      %select_n3A_1290 = arith.select %eq3A_1285, %broadcast_in_dim3A_1288, %broadcast_in_dim3A_1289 : vector<16xi1>, vector<16xf32>
      %add3A_1291 = arith.addf %add3A_1229, %select_n3A_1290 : vector<16xf32>
      %get3A_1292 = arith.constant 0 : i32
      %get3A_1293 = arith.constant 1 : i32
      %get3A_1294 = arith.index_cast %get3A_1292 : i32 to index
      %get3A_1295 = arith.index_cast %get3A_1293 : i32 to index
      %get3A_1296 = arith.index_cast %mul3A_1215 : i32 to index
      %get3A_1297 = tpu.vector_load %arg6[%get3A_1294, %get3A_1295, %get3A_1296] {strides = array<i32>} : memref<2x2x2000xf32, #tpu.memory_space<vmem>>, vector<1x1x16xf32>,
      %get3A_1298 = vector.shape_cast %get3A_1297 : vector<1x1x16xf32> to vector<16xf32>
      %get3A_1299 = arith.constant 0 : i32
      %get3A_1300 = arith.constant 1 : i32
      %get3A_1301 = arith.index_cast %get3A_1299 : i32 to index
      %get3A_1302 = arith.index_cast %get3A_1300 : i32 to index
      %get3A_1303 = arith.index_cast %mul3A_1215 : i32 to index
      %get3A_1304 = tpu.vector_load %arg7[%get3A_1301, %get3A_1302, %get3A_1303] {strides = array<i32>} : memref<2x2x2000xf32, #tpu.memory_space<vmem>>, vector<1x1x16xf32>,
      %get3A_1305 = vector.shape_cast %get3A_1304 : vector<1x1x16xf32> to vector<16xf32>
      %mul3A_1306 = arith.mulf %get3A_1298, %select_n3A_1290 : vector<16xf32>
      %sub3A_1307 = arith.subf %mul3A_1306, %get3A_1305 : vector<16xf32>
      %abs3A_1308 = math.absf %sub3A_1307 : vector<16xf32>
      %min3A_1309 = arith.constant 1.000000e+00 : f32
      %min3A_1310 = vector.broadcast %min3A_1309 : f32 to vector<16xf32>
      %min3A_1311 = arith.minimumf %abs3A_1308, %min3A_1310 : vector<16xf32>
      %add3A_1312 = arith.addf %abs3A_1308, %abs3A_1308 : vector<16xf32>
      %sub3A_1313 = arith.subf %add3A_1312, %min3A_1311 : vector<16xf32>
      %mul3A_1314 = arith.mulf %min3A_1311, %sub3A_1313 : vector<16xf32>
      %add3A_1315 = arith.addf %add3A_1187, %mul3A_1314 : vector<16xf32>
      %get3A_1316 = arith.constant 1 : i32
      %get3A_1317 = arith.constant 1 : i32
      %get3A_1318 = arith.index_cast %get3A_1316 : i32 to index
      %get3A_1319 = arith.index_cast %get3A_1317 : i32 to index
      %get3A_1320 = arith.index_cast %mul3A_1215 : i32 to index
      %get3A_1321 = tpu.vector_load %arg6[%get3A_1318, %get3A_1319, %get3A_1320] {strides = array<i32>} : memref<2x2x2000xf32, #tpu.memory_space<vmem>>, vector<1x1x16xf32>,
      %get3A_1322 = vector.shape_cast %get3A_1321 : vector<1x1x16xf32> to vector<16xf32>
      %get3A_1323 = arith.constant 1 : i32
      %get3A_1324 = arith.constant 1 : i32
      %get3A_1325 = arith.index_cast %get3A_1323 : i32 to index
      %get3A_1326 = arith.index_cast %get3A_1324 : i32 to index
      %get3A_1327 = arith.index_cast %mul3A_1215 : i32 to index
      %get3A_1328 = tpu.vector_load %arg7[%get3A_1325, %get3A_1326, %get3A_1327] {strides = array<i32>} : memref<2x2x2000xf32, #tpu.memory_space<vmem>>, vector<1x1x16xf32>,
      %get3A_1329 = vector.shape_cast %get3A_1328 : vector<1x1x16xf32> to vector<16xf32>
      %mul3A_1330 = arith.mulf %get3A_1322, %select_n3A_1290 : vector<16xf32>
      %sub3A_1331 = arith.subf %mul3A_1330, %get3A_1329 : vector<16xf32>
      %abs3A_1332 = math.absf %sub3A_1331 : vector<16xf32>
      %min3A_1333 = arith.constant 1.000000e+00 : f32
      %min3A_1334 = vector.broadcast %min3A_1333 : f32 to vector<16xf32>
      %min3A_1335 = arith.minimumf %abs3A_1332, %min3A_1334 : vector<16xf32>
      %add3A_1336 = arith.addf %abs3A_1332, %abs3A_1332 : vector<16xf32>
      %sub3A_1337 = arith.subf %add3A_1336, %min3A_1335 : vector<16xf32>
      %mul3A_1338 = arith.mulf %min3A_1335, %sub3A_1337 : vector<16xf32>
      %add3A_1339 = arith.addf %add3A_1211, %mul3A_1338 : vector<16xf32>
      scf.yield %add3A_1253, %add3A_1277, %add3A_1315, %add3A_1339, %add3A_1291 : vector<16xf32>, vector<16xf32>, vector<16xf32>, vector<16xf32>, vector<16xf32>
    }
    %scan3A_502 = arith.constant 124 : i32
    %scan3A_503 = arith.addi %scan3A_497, %scan3A_502 : i32
    %mul3A_504 = arith.constant 16 : i32
    %mul3A_505 = arith.muli %scan3A_503, %mul3A_504 : i32
    %get3A_506 = arith.constant 0 : i32
    %get3A_507 = arith.index_cast %get3A_506 : i32 to index
    %get3A_508 = arith.index_cast %mul3A_505 : i32 to index
    %get3A_509 = tpu.vector_load %arg8[%get3A_507, %get3A_508] {strides = array<i32>} : memref<2x2000xf32, #tpu.memory_space<vmem>>, vector<1x16xf32>,
    %get3A_510 = vector.shape_cast %get3A_509 : vector<1x16xf32> to vector<16xf32>
    %eq3A_511 = arith.constant 1.000000e+00 : f32
    %eq3A_512 = vector.broadcast %eq3A_511 : f32 to vector<16xf32>
    %eq3A_513 = arith.cmpf oeq, %get3A_510, %eq3A_512 : vector<16xf32>
    %jit3A_514 = arith.constant 1.000000e+00 : f32
    %jit3A_515 = arith.constant 0.000000e+00 : f32
    %broadcast_in_dim3A_516 = vector.broadcast %jit3A_514 : f32 to vector<16xf32>
    %broadcast_in_dim3A_517 = vector.broadcast %jit3A_515 : f32 to vector<16xf32>
    %select_n3A_518 = arith.select %eq3A_513, %broadcast_in_dim3A_516, %broadcast_in_dim3A_517 : vector<16xi1>, vector<16xf32>
    %add3A_519 = arith.addf %scan3A_501#4, %select_n3A_518 : vector<16xf32>
    %get3A_520 = arith.constant 0 : i32
    %get3A_521 = arith.constant 0 : i32
    %get3A_522 = arith.index_cast %get3A_520 : i32 to index
    %get3A_523 = arith.index_cast %get3A_521 : i32 to index
    %get3A_524 = arith.index_cast %mul3A_505 : i32 to index
    %get3A_525 = tpu.vector_load %arg6[%get3A_522, %get3A_523, %get3A_524] {strides = array<i32>} : memref<2x2x2000xf32, #tpu.memory_space<vmem>>, vector<1x1x16xf32>,
    %get3A_526 = vector.shape_cast %get3A_525 : vector<1x1x16xf32> to vector<16xf32>
    %get3A_527 = arith.constant 0 : i32
    %get3A_528 = arith.constant 0 : i32
    %get3A_529 = arith.index_cast %get3A_527 : i32 to index
    %get3A_530 = arith.index_cast %get3A_528 : i32 to index
    %get3A_531 = arith.index_cast %mul3A_505 : i32 to index
    %get3A_532 = tpu.vector_load %arg7[%get3A_529, %get3A_530, %get3A_531] {strides = array<i32>} : memref<2x2x2000xf32, #tpu.memory_space<vmem>>, vector<1x1x16xf32>,
    %get3A_533 = vector.shape_cast %get3A_532 : vector<1x1x16xf32> to vector<16xf32>
    %mul3A_534 = arith.mulf %get3A_526, %select_n3A_518 : vector<16xf32>
    %sub3A_535 = arith.subf %mul3A_534, %get3A_533 : vector<16xf32>
    %abs3A_536 = math.absf %sub3A_535 : vector<16xf32>
    %min3A_537 = arith.constant 1.000000e+00 : f32
    %min3A_538 = vector.broadcast %min3A_537 : f32 to vector<16xf32>
    %min3A_539 = arith.minimumf %abs3A_536, %min3A_538 : vector<16xf32>
    %add3A_540 = arith.addf %abs3A_536, %abs3A_536 : vector<16xf32>
    %sub3A_541 = arith.subf %add3A_540, %min3A_539 : vector<16xf32>
    %mul3A_542 = arith.mulf %min3A_539, %sub3A_541 : vector<16xf32>
    %add3A_543 = arith.addf %scan3A_501#0, %mul3A_542 : vector<16xf32>
    %get3A_544 = arith.constant 1 : i32
    %get3A_545 = arith.constant 0 : i32
    %get3A_546 = arith.index_cast %get3A_544 : i32 to index
    %get3A_547 = arith.index_cast %get3A_545 : i32 to index
    %get3A_548 = arith.index_cast %mul3A_505 : i32 to index
    %get3A_549 = tpu.vector_load %arg6[%get3A_546, %get3A_547, %get3A_548] {strides = array<i32>} : memref<2x2x2000xf32, #tpu.memory_space<vmem>>, vector<1x1x16xf32>,
    %get3A_550 = vector.shape_cast %get3A_549 : vector<1x1x16xf32> to vector<16xf32>
    %get3A_551 = arith.constant 1 : i32
    %get3A_552 = arith.constant 0 : i32
    %get3A_553 = arith.index_cast %get3A_551 : i32 to index
    %get3A_554 = arith.index_cast %get3A_552 : i32 to index
    %get3A_555 = arith.index_cast %mul3A_505 : i32 to index
    %get3A_556 = tpu.vector_load %arg7[%get3A_553, %get3A_554, %get3A_555] {strides = array<i32>} : memref<2x2x2000xf32, #tpu.memory_space<vmem>>, vector<1x1x16xf32>,
    %get3A_557 = vector.shape_cast %get3A_556 : vector<1x1x16xf32> to vector<16xf32>
    %mul3A_558 = arith.mulf %get3A_550, %select_n3A_518 : vector<16xf32>
    %sub3A_559 = arith.subf %mul3A_558, %get3A_557 : vector<16xf32>
    %abs3A_560 = math.absf %sub3A_559 : vector<16xf32>
    %min3A_561 = arith.constant 1.000000e+00 : f32
    %min3A_562 = vector.broadcast %min3A_561 : f32 to vector<16xf32>
    %min3A_563 = arith.minimumf %abs3A_560, %min3A_562 : vector<16xf32>
    %add3A_564 = arith.addf %abs3A_560, %abs3A_560 : vector<16xf32>
    %sub3A_565 = arith.subf %add3A_564, %min3A_563 : vector<16xf32>
    %mul3A_566 = arith.mulf %min3A_563, %sub3A_565 : vector<16xf32>
    %add3A_567 = arith.addf %scan3A_501#1, %mul3A_566 : vector<16xf32>
    %get3A_568 = arith.constant 1 : i32
    %get3A_569 = arith.index_cast %get3A_568 : i32 to index
    %get3A_570 = arith.index_cast %mul3A_505 : i32 to index
    %get3A_571 = tpu.vector_load %arg8[%get3A_569, %get3A_570] {strides = array<i32>} : memref<2x2000xf32, #tpu.memory_space<vmem>>, vector<1x16xf32>,
    %get3A_572 = vector.shape_cast %get3A_571 : vector<1x16xf32> to vector<16xf32>
    %eq3A_573 = arith.constant 1.000000e+00 : f32
    %eq3A_574 = vector.broadcast %eq3A_573 : f32 to vector<16xf32>
    %eq3A_575 = arith.cmpf oeq, %get3A_572, %eq3A_574 : vector<16xf32>
    %jit3A_576 = arith.constant 1.000000e+00 : f32
    %jit3A_577 = arith.constant 0.000000e+00 : f32
    %broadcast_in_dim3A_578 = vector.broadcast %jit3A_576 : f32 to vector<16xf32>
    %broadcast_in_dim3A_579 = vector.broadcast %jit3A_577 : f32 to vector<16xf32>
    %select_n3A_580 = arith.select %eq3A_575, %broadcast_in_dim3A_578, %broadcast_in_dim3A_579 : vector<16xi1>, vector<16xf32>
    %add3A_581 = arith.addf %add3A_519, %select_n3A_580 : vector<16xf32>
    %get3A_582 = arith.constant 0 : i32
    %get3A_583 = arith.constant 1 : i32
    %get3A_584 = arith.index_cast %get3A_582 : i32 to index
    %get3A_585 = arith.index_cast %get3A_583 : i32 to index
    %get3A_586 = arith.index_cast %mul3A_505 : i32 to index
    %get3A_587 = tpu.vector_load %arg6[%get3A_584, %get3A_585, %get3A_586] {strides = array<i32>} : memref<2x2x2000xf32, #tpu.memory_space<vmem>>, vector<1x1x16xf32>,
    %get3A_588 = vector.shape_cast %get3A_587 : vector<1x1x16xf32> to vector<16xf32>
    %get3A_589 = arith.constant 0 : i32
    %get3A_590 = arith.constant 1 : i32
    %get3A_591 = arith.index_cast %get3A_589 : i32 to index
    %get3A_592 = arith.index_cast %get3A_590 : i32 to index
    %get3A_593 = arith.index_cast %mul3A_505 : i32 to index
    %get3A_594 = tpu.vector_load %arg7[%get3A_591, %get3A_592, %get3A_593] {strides = array<i32>} : memref<2x2x2000xf32, #tpu.memory_space<vmem>>, vector<1x1x16xf32>,
    %get3A_595 = vector.shape_cast %get3A_594 : vector<1x1x16xf32> to vector<16xf32>
    %mul3A_596 = arith.mulf %get3A_588, %select_n3A_580 : vector<16xf32>
    %sub3A_597 = arith.subf %mul3A_596, %get3A_595 : vector<16xf32>
    %abs3A_598 = math.absf %sub3A_597 : vector<16xf32>
    %min3A_599 = arith.constant 1.000000e+00 : f32
    %min3A_600 = vector.broadcast %min3A_599 : f32 to vector<16xf32>
    %min3A_601 = arith.minimumf %abs3A_598, %min3A_600 : vector<16xf32>
    %add3A_602 = arith.addf %abs3A_598, %abs3A_598 : vector<16xf32>
    %sub3A_603 = arith.subf %add3A_602, %min3A_601 : vector<16xf32>
    %mul3A_604 = arith.mulf %min3A_601, %sub3A_603 : vector<16xf32>
    %add3A_605 = arith.addf %scan3A_501#2, %mul3A_604 : vector<16xf32>
    %get3A_606 = arith.constant 1 : i32
    %get3A_607 = arith.constant 1 : i32
    %get3A_608 = arith.index_cast %get3A_606 : i32 to index
    %get3A_609 = arith.index_cast %get3A_607 : i32 to index
    %get3A_610 = arith.index_cast %mul3A_505 : i32 to index
    %get3A_611 = tpu.vector_load %arg6[%get3A_608, %get3A_609, %get3A_610] {strides = array<i32>} : memref<2x2x2000xf32, #tpu.memory_space<vmem>>, vector<1x1x16xf32>,
    %get3A_612 = vector.shape_cast %get3A_611 : vector<1x1x16xf32> to vector<16xf32>
    %get3A_613 = arith.constant 1 : i32
    %get3A_614 = arith.constant 1 : i32
    %get3A_615 = arith.index_cast %get3A_613 : i32 to index
    %get3A_616 = arith.index_cast %get3A_614 : i32 to index
    %get3A_617 = arith.index_cast %mul3A_505 : i32 to index
    %get3A_618 = tpu.vector_load %arg7[%get3A_615, %get3A_616, %get3A_617] {strides = array<i32>} : memref<2x2x2000xf32, #tpu.memory_space<vmem>>, vector<1x1x16xf32>,
    %get3A_619 = vector.shape_cast %get3A_618 : vector<1x1x16xf32> to vector<16xf32>
    %mul3A_620 = arith.mulf %get3A_612, %select_n3A_580 : vector<16xf32>
    %sub3A_621 = arith.subf %mul3A_620, %get3A_619 : vector<16xf32>
    %abs3A_622 = math.absf %sub3A_621 : vector<16xf32>
    %min3A_623 = arith.constant 1.000000e+00 : f32
    %min3A_624 = vector.broadcast %min3A_623 : f32 to vector<16xf32>
    %min3A_625 = arith.minimumf %abs3A_622, %min3A_624 : vector<16xf32>
    %add3A_626 = arith.addf %abs3A_622, %abs3A_622 : vector<16xf32>
    %sub3A_627 = arith.subf %add3A_626, %min3A_625 : vector<16xf32>
    %mul3A_628 = arith.mulf %min3A_625, %sub3A_627 : vector<16xf32>
    %add3A_629 = arith.addf %scan3A_501#3, %mul3A_628 : vector<16xf32>
    %scan3A_630 = arith.constant 125 : i32
    %add3A_631 = arith.constant 128 : i32
    %add3A_632 = arith.addi %add3A, %add3A_631 : i32
    %mul3A_633 = arith.constant 2 : i32
    %mul3A_634 = arith.muli %mul3A_633, %add3A_632 : i32
    %add3A_635 = arith.constant 4 : i32
    %add3A_636 = arith.addi %add3A_635, %mul3A_634 : i32
    %mul3A_637 = arith.constant 2 : i32
    %mul3A_638 = arith.muli %mul3A_637, %add3A_632 : i32
    %add3A_639 = arith.constant 4 : i32
    %add3A_640 = arith.addi %add3A_639, %mul3A_638 : i32
    %shift_right_arithmetic3A_641 = arith.constant 1 : i32
    %shift_right_arithmetic3A_642 = arith.shrsi %add3A_632, %shift_right_arithmetic3A_641 : i32
    %add3A_643 = arith.constant 1 : i32
    %add3A_644 = arith.addi %add3A_643, %shift_right_arithmetic3A_642 : i32
    %dma_start3A_645 = arith.constant 0 : i32
    %dma_start3A_646 = arith.constant 0 : i32
    %dma_start3A_647 = tpu.memref_slice %arg2[%add3A_636, %dma_start3A_645, %dma_start3A_646] : memref<324x2x2000xf32, #tpu.memory_space<hbm>> -> memref<2x2x2000xf32, #tpu.memory_space<hbm>>
    %dma_start3A_648 = arith.constant 0 : i32
    %dma_start3A_649 = arith.constant 0 : i32
    %dma_start3A_650 = tpu.memref_slice %arg2[%add3A_636, %dma_start3A_648, %dma_start3A_649] : memref<324x2x2000xf32, #tpu.memory_space<hbm>> -> memref<2x2x2000xf32, #tpu.memory_space<hbm>>
    tpu.enqueue_dma source(%dma_start3A_650 : memref<2x2x2000xf32, #tpu.memory_space<hbm>>) target(%arg6 : memref<2x2x2000xf32, #tpu.memory_space<vmem>>) target_semaphore(%arg13 : memref<!tpu.dma_semaphore, #tpu.memory_space<semaphore_mem>>)
    %dma_start3A_651 = arith.constant 0 : i32
    %dma_start3A_652 = arith.constant 0 : i32
    %dma_start3A_653 = tpu.memref_slice %arg3[%add3A_640, %dma_start3A_651, %dma_start3A_652] : memref<324x2x2000xf32, #tpu.memory_space<hbm>> -> memref<2x2x2000xf32, #tpu.memory_space<hbm>>
    %dma_start3A_654 = arith.constant 0 : i32
    %dma_start3A_655 = arith.constant 0 : i32
    %dma_start3A_656 = tpu.memref_slice %arg3[%add3A_640, %dma_start3A_654, %dma_start3A_655] : memref<324x2x2000xf32, #tpu.memory_space<hbm>> -> memref<2x2x2000xf32, #tpu.memory_space<hbm>>
    tpu.enqueue_dma source(%dma_start3A_656 : memref<2x2x2000xf32, #tpu.memory_space<hbm>>) target(%arg7 : memref<2x2x2000xf32, #tpu.memory_space<vmem>>) target_semaphore(%arg13 : memref<!tpu.dma_semaphore, #tpu.memory_space<semaphore_mem>>)
    %dma_start3A_657 = arith.constant 0 : i32
    %dma_start3A_658 = arith.constant 0 : i32
    %dma_start3A_659 = tpu.memref_slice %arg4[%add3A_644, %dma_start3A_657, %dma_start3A_658] : memref<81x2x2000xf32, #tpu.memory_space<hbm>> -> memref<1x2x2000xf32, #tpu.memory_space<hbm>>
    %dma_start3A_660 = tpu.memref_squeeze %dma_start3A_659 : memref<1x2x2000xf32, #tpu.memory_space<hbm>> -> memref<2x2000xf32, #tpu.memory_space<hbm>>
    %dma_start3A_661 = arith.constant 0 : i32
    %dma_start3A_662 = arith.constant 0 : i32
    %dma_start3A_663 = tpu.memref_slice %arg4[%add3A_644, %dma_start3A_661, %dma_start3A_662] : memref<81x2x2000xf32, #tpu.memory_space<hbm>> -> memref<1x2x2000xf32, #tpu.memory_space<hbm>>
    %dma_start3A_664 = tpu.memref_squeeze %dma_start3A_663 : memref<1x2x2000xf32, #tpu.memory_space<hbm>> -> memref<2x2000xf32, #tpu.memory_space<hbm>>
    tpu.enqueue_dma source(%dma_start3A_664 : memref<2x2000xf32, #tpu.memory_space<hbm>>) target(%arg8 : memref<2x2000xf32, #tpu.memory_space<vmem>>) target_semaphore(%arg13 : memref<!tpu.dma_semaphore, #tpu.memory_space<semaphore_mem>>)
    %add3A_665 = arith.constant 96 : i32
    %add3A_666 = arith.addi %add3A, %add3A_665 : i32
    %mul3A_667 = arith.constant 2 : i32
    %mul3A_668 = arith.muli %mul3A_667, %add3A_666 : i32
    %add3A_669 = arith.constant 4 : i32
    %add3A_670 = arith.addi %add3A_669, %mul3A_668 : i32
    %mul3A_671 = arith.constant 2 : i32
    %mul3A_672 = arith.muli %mul3A_671, %add3A_666 : i32
    %add3A_673 = arith.constant 4 : i32
    %add3A_674 = arith.addi %add3A_673, %mul3A_672 : i32
    %shift_right_arithmetic3A_675 = arith.constant 1 : i32
    %shift_right_arithmetic3A_676 = arith.shrsi %add3A_666, %shift_right_arithmetic3A_675 : i32
    %add3A_677 = arith.constant 1 : i32
    %add3A_678 = arith.addi %add3A_677, %shift_right_arithmetic3A_676 : i32
    %dma_wait3A_679 = arith.constant 0 : i32
    %dma_wait3A_680 = arith.constant 0 : i32
    %dma_wait3A_681 = tpu.memref_slice %arg2[%add3A_670, %dma_wait3A_679, %dma_wait3A_680] : memref<324x2x2000xf32, #tpu.memory_space<hbm>> -> memref<2x2x2000xf32, #tpu.memory_space<hbm>>
    %dma_wait3A_682 = arith.constant 0 : i32
    %dma_wait3A_683 = arith.constant 0 : i32
    %dma_wait3A_684 = tpu.memref_slice %arg2[%add3A_670, %dma_wait3A_682, %dma_wait3A_683] : memref<324x2x2000xf32, #tpu.memory_space<hbm>> -> memref<2x2x2000xf32, #tpu.memory_space<hbm>>
    tpu.wait_dma2 semaphore(%arg14 : memref<!tpu.dma_semaphore, #tpu.memory_space<semaphore_mem>>) src(%dma_wait3A_684 : memref<2x2x2000xf32, #tpu.memory_space<hbm>>) dst(%arg9 : memref<2x2x2000xf32, #tpu.memory_space<vmem>>)
    %dma_wait3A_685 = arith.constant 0 : i32
    %dma_wait3A_686 = arith.constant 0 : i32
    %dma_wait3A_687 = tpu.memref_slice %arg3[%add3A_674, %dma_wait3A_685, %dma_wait3A_686] : memref<324x2x2000xf32, #tpu.memory_space<hbm>> -> memref<2x2x2000xf32, #tpu.memory_space<hbm>>
    %dma_wait3A_688 = arith.constant 0 : i32
    %dma_wait3A_689 = arith.constant 0 : i32
    %dma_wait3A_690 = tpu.memref_slice %arg3[%add3A_674, %dma_wait3A_688, %dma_wait3A_689] : memref<324x2x2000xf32, #tpu.memory_space<hbm>> -> memref<2x2x2000xf32, #tpu.memory_space<hbm>>
    tpu.wait_dma2 semaphore(%arg14 : memref<!tpu.dma_semaphore, #tpu.memory_space<semaphore_mem>>) src(%dma_wait3A_690 : memref<2x2x2000xf32, #tpu.memory_space<hbm>>) dst(%arg10 : memref<2x2x2000xf32, #tpu.memory_space<vmem>>)
    %dma_wait3A_691 = arith.constant 0 : i32
    %dma_wait3A_692 = arith.constant 0 : i32
    %dma_wait3A_693 = tpu.memref_slice %arg4[%add3A_678, %dma_wait3A_691, %dma_wait3A_692] : memref<81x2x2000xf32, #tpu.memory_space<hbm>> -> memref<1x2x2000xf32, #tpu.memory_space<hbm>>
    %dma_wait3A_694 = tpu.memref_squeeze %dma_wait3A_693 : memref<1x2x2000xf32, #tpu.memory_space<hbm>> -> memref<2x2000xf32, #tpu.memory_space<hbm>>
    %dma_wait3A_695 = arith.constant 0 : i32
    %dma_wait3A_696 = arith.constant 0 : i32
    %dma_wait3A_697 = tpu.memref_slice %arg4[%add3A_678, %dma_wait3A_695, %dma_wait3A_696] : memref<81x2x2000xf32, #tpu.memory_space<hbm>> -> memref<1x2x2000xf32, #tpu.memory_space<hbm>>
    %dma_wait3A_698 = tpu.memref_squeeze %dma_wait3A_697 : memref<1x2x2000xf32, #tpu.memory_space<hbm>> -> memref<2x2000xf32, #tpu.memory_space<hbm>>
    tpu.wait_dma2 semaphore(%arg14 : memref<!tpu.dma_semaphore, #tpu.memory_space<semaphore_mem>>) src(%dma_wait3A_698 : memref<2x2000xf32, #tpu.memory_space<hbm>>) dst(%arg11 : memref<2x2000xf32, #tpu.memory_space<vmem>>)
    %scan3A_699 = arith.constant 0 : i32
    %scan3A_700 = arith.constant 124 : i32
    %scan3A_701 = arith.addi %scan3A_699, %scan3A_700 : i32
    %scan3A_702 = arith.constant 2 : i32
    %scan3A_703:5 = scf.for %scan3A_1080 = %scan3A_699 to %scan3A_701 step %scan3A_702 iter_args(%scan3A_1081 = %add3A_543, %scan3A_1082 = %add3A_567, %scan3A_1083 = %add3A_605, %scan3A_1084 = %add3A_629, %scan3A_1085 = %add3A_581) -> (vector<16xf32>, vector<16xf32>, vector<16xf32>, vector<16xf32>, vector<16xf32>)  : i32 {
      %mul3A_1086 = arith.constant 16 : i32
      %mul3A_1087 = arith.muli %scan3A_1080, %mul3A_1086 : i32
      %get3A_1088 = arith.constant 0 : i32
      %get3A_1089 = arith.index_cast %get3A_1088 : i32 to index
      %get3A_1090 = arith.index_cast %mul3A_1087 : i32 to index
      %get3A_1091 = tpu.vector_load %arg11[%get3A_1089, %get3A_1090] {strides = array<i32>} : memref<2x2000xf32, #tpu.memory_space<vmem>>, vector<1x16xf32>,
      %get3A_1092 = vector.shape_cast %get3A_1091 : vector<1x16xf32> to vector<16xf32>
      %eq3A_1093 = arith.constant 1.000000e+00 : f32
      %eq3A_1094 = vector.broadcast %eq3A_1093 : f32 to vector<16xf32>
      %eq3A_1095 = arith.cmpf oeq, %get3A_1092, %eq3A_1094 : vector<16xf32>
      %jit3A_1096 = arith.constant 1.000000e+00 : f32
      %jit3A_1097 = arith.constant 0.000000e+00 : f32
      %broadcast_in_dim3A_1098 = vector.broadcast %jit3A_1096 : f32 to vector<16xf32>
      %broadcast_in_dim3A_1099 = vector.broadcast %jit3A_1097 : f32 to vector<16xf32>
      %select_n3A_1100 = arith.select %eq3A_1095, %broadcast_in_dim3A_1098, %broadcast_in_dim3A_1099 : vector<16xi1>, vector<16xf32>
      %add3A_1101 = arith.addf %scan3A_1085, %select_n3A_1100 : vector<16xf32>
      %get3A_1102 = arith.constant 0 : i32
      %get3A_1103 = arith.constant 0 : i32
      %get3A_1104 = arith.index_cast %get3A_1102 : i32 to index
      %get3A_1105 = arith.index_cast %get3A_1103 : i32 to index
      %get3A_1106 = arith.index_cast %mul3A_1087 : i32 to index
      %get3A_1107 = tpu.vector_load %arg9[%get3A_1104, %get3A_1105, %get3A_1106] {strides = array<i32>} : memref<2x2x2000xf32, #tpu.memory_space<vmem>>, vector<1x1x16xf32>,
      %get3A_1108 = vector.shape_cast %get3A_1107 : vector<1x1x16xf32> to vector<16xf32>
      %get3A_1109 = arith.constant 0 : i32
      %get3A_1110 = arith.constant 0 : i32
      %get3A_1111 = arith.index_cast %get3A_1109 : i32 to index
      %get3A_1112 = arith.index_cast %get3A_1110 : i32 to index
      %get3A_1113 = arith.index_cast %mul3A_1087 : i32 to index
      %get3A_1114 = tpu.vector_load %arg10[%get3A_1111, %get3A_1112, %get3A_1113] {strides = array<i32>} : memref<2x2x2000xf32, #tpu.memory_space<vmem>>, vector<1x1x16xf32>,
      %get3A_1115 = vector.shape_cast %get3A_1114 : vector<1x1x16xf32> to vector<16xf32>
      %mul3A_1116 = arith.mulf %get3A_1108, %select_n3A_1100 : vector<16xf32>
      %sub3A_1117 = arith.subf %mul3A_1116, %get3A_1115 : vector<16xf32>
      %abs3A_1118 = math.absf %sub3A_1117 : vector<16xf32>
      %min3A_1119 = arith.constant 1.000000e+00 : f32
      %min3A_1120 = vector.broadcast %min3A_1119 : f32 to vector<16xf32>
      %min3A_1121 = arith.minimumf %abs3A_1118, %min3A_1120 : vector<16xf32>
      %add3A_1122 = arith.addf %abs3A_1118, %abs3A_1118 : vector<16xf32>
      %sub3A_1123 = arith.subf %add3A_1122, %min3A_1121 : vector<16xf32>
      %mul3A_1124 = arith.mulf %min3A_1121, %sub3A_1123 : vector<16xf32>
      %add3A_1125 = arith.addf %scan3A_1081, %mul3A_1124 : vector<16xf32>
      %get3A_1126 = arith.constant 1 : i32
      %get3A_1127 = arith.constant 0 : i32
      %get3A_1128 = arith.index_cast %get3A_1126 : i32 to index
      %get3A_1129 = arith.index_cast %get3A_1127 : i32 to index
      %get3A_1130 = arith.index_cast %mul3A_1087 : i32 to index
      %get3A_1131 = tpu.vector_load %arg9[%get3A_1128, %get3A_1129, %get3A_1130] {strides = array<i32>} : memref<2x2x2000xf32, #tpu.memory_space<vmem>>, vector<1x1x16xf32>,
      %get3A_1132 = vector.shape_cast %get3A_1131 : vector<1x1x16xf32> to vector<16xf32>
      %get3A_1133 = arith.constant 1 : i32
      %get3A_1134 = arith.constant 0 : i32
      %get3A_1135 = arith.index_cast %get3A_1133 : i32 to index
      %get3A_1136 = arith.index_cast %get3A_1134 : i32 to index
      %get3A_1137 = arith.index_cast %mul3A_1087 : i32 to index
      %get3A_1138 = tpu.vector_load %arg10[%get3A_1135, %get3A_1136, %get3A_1137] {strides = array<i32>} : memref<2x2x2000xf32, #tpu.memory_space<vmem>>, vector<1x1x16xf32>,
      %get3A_1139 = vector.shape_cast %get3A_1138 : vector<1x1x16xf32> to vector<16xf32>
      %mul3A_1140 = arith.mulf %get3A_1132, %select_n3A_1100 : vector<16xf32>
      %sub3A_1141 = arith.subf %mul3A_1140, %get3A_1139 : vector<16xf32>
      %abs3A_1142 = math.absf %sub3A_1141 : vector<16xf32>
      %min3A_1143 = arith.constant 1.000000e+00 : f32
      %min3A_1144 = vector.broadcast %min3A_1143 : f32 to vector<16xf32>
      %min3A_1145 = arith.minimumf %abs3A_1142, %min3A_1144 : vector<16xf32>
      %add3A_1146 = arith.addf %abs3A_1142, %abs3A_1142 : vector<16xf32>
      %sub3A_1147 = arith.subf %add3A_1146, %min3A_1145 : vector<16xf32>
      %mul3A_1148 = arith.mulf %min3A_1145, %sub3A_1147 : vector<16xf32>
      %add3A_1149 = arith.addf %scan3A_1082, %mul3A_1148 : vector<16xf32>
      %get3A_1150 = arith.constant 1 : i32
      %get3A_1151 = arith.index_cast %get3A_1150 : i32 to index
      %get3A_1152 = arith.index_cast %mul3A_1087 : i32 to index
      %get3A_1153 = tpu.vector_load %arg11[%get3A_1151, %get3A_1152] {strides = array<i32>} : memref<2x2000xf32, #tpu.memory_space<vmem>>, vector<1x16xf32>,
      %get3A_1154 = vector.shape_cast %get3A_1153 : vector<1x16xf32> to vector<16xf32>
      %eq3A_1155 = arith.constant 1.000000e+00 : f32
      %eq3A_1156 = vector.broadcast %eq3A_1155 : f32 to vector<16xf32>
      %eq3A_1157 = arith.cmpf oeq, %get3A_1154, %eq3A_1156 : vector<16xf32>
      %jit3A_1158 = arith.constant 1.000000e+00 : f32
      %jit3A_1159 = arith.constant 0.000000e+00 : f32
      %broadcast_in_dim3A_1160 = vector.broadcast %jit3A_1158 : f32 to vector<16xf32>
      %broadcast_in_dim3A_1161 = vector.broadcast %jit3A_1159 : f32 to vector<16xf32>
      %select_n3A_1162 = arith.select %eq3A_1157, %broadcast_in_dim3A_1160, %broadcast_in_dim3A_1161 : vector<16xi1>, vector<16xf32>
      %add3A_1163 = arith.addf %add3A_1101, %select_n3A_1162 : vector<16xf32>
      %get3A_1164 = arith.constant 0 : i32
      %get3A_1165 = arith.constant 1 : i32
      %get3A_1166 = arith.index_cast %get3A_1164 : i32 to index
      %get3A_1167 = arith.index_cast %get3A_1165 : i32 to index
      %get3A_1168 = arith.index_cast %mul3A_1087 : i32 to index
      %get3A_1169 = tpu.vector_load %arg9[%get3A_1166, %get3A_1167, %get3A_1168] {strides = array<i32>} : memref<2x2x2000xf32, #tpu.memory_space<vmem>>, vector<1x1x16xf32>,
      %get3A_1170 = vector.shape_cast %get3A_1169 : vector<1x1x16xf32> to vector<16xf32>
      %get3A_1171 = arith.constant 0 : i32
      %get3A_1172 = arith.constant 1 : i32
      %get3A_1173 = arith.index_cast %get3A_1171 : i32 to index
      %get3A_1174 = arith.index_cast %get3A_1172 : i32 to index
      %get3A_1175 = arith.index_cast %mul3A_1087 : i32 to index
      %get3A_1176 = tpu.vector_load %arg10[%get3A_1173, %get3A_1174, %get3A_1175] {strides = array<i32>} : memref<2x2x2000xf32, #tpu.memory_space<vmem>>, vector<1x1x16xf32>,
      %get3A_1177 = vector.shape_cast %get3A_1176 : vector<1x1x16xf32> to vector<16xf32>
      %mul3A_1178 = arith.mulf %get3A_1170, %select_n3A_1162 : vector<16xf32>
      %sub3A_1179 = arith.subf %mul3A_1178, %get3A_1177 : vector<16xf32>
      %abs3A_1180 = math.absf %sub3A_1179 : vector<16xf32>
      %min3A_1181 = arith.constant 1.000000e+00 : f32
      %min3A_1182 = vector.broadcast %min3A_1181 : f32 to vector<16xf32>
      %min3A_1183 = arith.minimumf %abs3A_1180, %min3A_1182 : vector<16xf32>
      %add3A_1184 = arith.addf %abs3A_1180, %abs3A_1180 : vector<16xf32>
      %sub3A_1185 = arith.subf %add3A_1184, %min3A_1183 : vector<16xf32>
      %mul3A_1186 = arith.mulf %min3A_1183, %sub3A_1185 : vector<16xf32>
      %add3A_1187 = arith.addf %scan3A_1083, %mul3A_1186 : vector<16xf32>
      %get3A_1188 = arith.constant 1 : i32
      %get3A_1189 = arith.constant 1 : i32
      %get3A_1190 = arith.index_cast %get3A_1188 : i32 to index
      %get3A_1191 = arith.index_cast %get3A_1189 : i32 to index
      %get3A_1192 = arith.index_cast %mul3A_1087 : i32 to index
      %get3A_1193 = tpu.vector_load %arg9[%get3A_1190, %get3A_1191, %get3A_1192] {strides = array<i32>} : memref<2x2x2000xf32, #tpu.memory_space<vmem>>, vector<1x1x16xf32>,
      %get3A_1194 = vector.shape_cast %get3A_1193 : vector<1x1x16xf32> to vector<16xf32>
      %get3A_1195 = arith.constant 1 : i32
      %get3A_1196 = arith.constant 1 : i32
      %get3A_1197 = arith.index_cast %get3A_1195 : i32 to index
      %get3A_1198 = arith.index_cast %get3A_1196 : i32 to index
      %get3A_1199 = arith.index_cast %mul3A_1087 : i32 to index
      %get3A_1200 = tpu.vector_load %arg10[%get3A_1197, %get3A_1198, %get3A_1199] {strides = array<i32>} : memref<2x2x2000xf32, #tpu.memory_space<vmem>>, vector<1x1x16xf32>,
      %get3A_1201 = vector.shape_cast %get3A_1200 : vector<1x1x16xf32> to vector<16xf32>
      %mul3A_1202 = arith.mulf %get3A_1194, %select_n3A_1162 : vector<16xf32>
      %sub3A_1203 = arith.subf %mul3A_1202, %get3A_1201 : vector<16xf32>
      %abs3A_1204 = math.absf %sub3A_1203 : vector<16xf32>
      %min3A_1205 = arith.constant 1.000000e+00 : f32
      %min3A_1206 = vector.broadcast %min3A_1205 : f32 to vector<16xf32>
      %min3A_1207 = arith.minimumf %abs3A_1204, %min3A_1206 : vector<16xf32>
      %add3A_1208 = arith.addf %abs3A_1204, %abs3A_1204 : vector<16xf32>
      %sub3A_1209 = arith.subf %add3A_1208, %min3A_1207 : vector<16xf32>
      %mul3A_1210 = arith.mulf %min3A_1207, %sub3A_1209 : vector<16xf32>
      %add3A_1211 = arith.addf %scan3A_1084, %mul3A_1210 : vector<16xf32>
      %scan3A_1212 = arith.constant 1 : i32
      %scan3A_1213 = arith.addi %scan3A_1080, %scan3A_1212 : i32
      %mul3A_1214 = arith.constant 16 : i32
      %mul3A_1215 = arith.muli %scan3A_1213, %mul3A_1214 : i32
      %get3A_1216 = arith.constant 0 : i32
      %get3A_1217 = arith.index_cast %get3A_1216 : i32 to index
      %get3A_1218 = arith.index_cast %mul3A_1215 : i32 to index
      %get3A_1219 = tpu.vector_load %arg11[%get3A_1217, %get3A_1218] {strides = array<i32>} : memref<2x2000xf32, #tpu.memory_space<vmem>>, vector<1x16xf32>,
      %get3A_1220 = vector.shape_cast %get3A_1219 : vector<1x16xf32> to vector<16xf32>
      %eq3A_1221 = arith.constant 1.000000e+00 : f32
      %eq3A_1222 = vector.broadcast %eq3A_1221 : f32 to vector<16xf32>
      %eq3A_1223 = arith.cmpf oeq, %get3A_1220, %eq3A_1222 : vector<16xf32>
      %jit3A_1224 = arith.constant 1.000000e+00 : f32
      %jit3A_1225 = arith.constant 0.000000e+00 : f32
      %broadcast_in_dim3A_1226 = vector.broadcast %jit3A_1224 : f32 to vector<16xf32>
      %broadcast_in_dim3A_1227 = vector.broadcast %jit3A_1225 : f32 to vector<16xf32>
      %select_n3A_1228 = arith.select %eq3A_1223, %broadcast_in_dim3A_1226, %broadcast_in_dim3A_1227 : vector<16xi1>, vector<16xf32>
      %add3A_1229 = arith.addf %add3A_1163, %select_n3A_1228 : vector<16xf32>
      %get3A_1230 = arith.constant 0 : i32
      %get3A_1231 = arith.constant 0 : i32
      %get3A_1232 = arith.index_cast %get3A_1230 : i32 to index
      %get3A_1233 = arith.index_cast %get3A_1231 : i32 to index
      %get3A_1234 = arith.index_cast %mul3A_1215 : i32 to index
      %get3A_1235 = tpu.vector_load %arg9[%get3A_1232, %get3A_1233, %get3A_1234] {strides = array<i32>} : memref<2x2x2000xf32, #tpu.memory_space<vmem>>, vector<1x1x16xf32>,
      %get3A_1236 = vector.shape_cast %get3A_1235 : vector<1x1x16xf32> to vector<16xf32>
      %get3A_1237 = arith.constant 0 : i32
      %get3A_1238 = arith.constant 0 : i32
      %get3A_1239 = arith.index_cast %get3A_1237 : i32 to index
      %get3A_1240 = arith.index_cast %get3A_1238 : i32 to index
      %get3A_1241 = arith.index_cast %mul3A_1215 : i32 to index
      %get3A_1242 = tpu.vector_load %arg10[%get3A_1239, %get3A_1240, %get3A_1241] {strides = array<i32>} : memref<2x2x2000xf32, #tpu.memory_space<vmem>>, vector<1x1x16xf32>,
      %get3A_1243 = vector.shape_cast %get3A_1242 : vector<1x1x16xf32> to vector<16xf32>
      %mul3A_1244 = arith.mulf %get3A_1236, %select_n3A_1228 : vector<16xf32>
      %sub3A_1245 = arith.subf %mul3A_1244, %get3A_1243 : vector<16xf32>
      %abs3A_1246 = math.absf %sub3A_1245 : vector<16xf32>
      %min3A_1247 = arith.constant 1.000000e+00 : f32
      %min3A_1248 = vector.broadcast %min3A_1247 : f32 to vector<16xf32>
      %min3A_1249 = arith.minimumf %abs3A_1246, %min3A_1248 : vector<16xf32>
      %add3A_1250 = arith.addf %abs3A_1246, %abs3A_1246 : vector<16xf32>
      %sub3A_1251 = arith.subf %add3A_1250, %min3A_1249 : vector<16xf32>
      %mul3A_1252 = arith.mulf %min3A_1249, %sub3A_1251 : vector<16xf32>
      %add3A_1253 = arith.addf %add3A_1125, %mul3A_1252 : vector<16xf32>
      %get3A_1254 = arith.constant 1 : i32
      %get3A_1255 = arith.constant 0 : i32
      %get3A_1256 = arith.index_cast %get3A_1254 : i32 to index
      %get3A_1257 = arith.index_cast %get3A_1255 : i32 to index
      %get3A_1258 = arith.index_cast %mul3A_1215 : i32 to index
      %get3A_1259 = tpu.vector_load %arg9[%get3A_1256, %get3A_1257, %get3A_1258] {strides = array<i32>} : memref<2x2x2000xf32, #tpu.memory_space<vmem>>, vector<1x1x16xf32>,
      %get3A_1260 = vector.shape_cast %get3A_1259 : vector<1x1x16xf32> to vector<16xf32>
      %get3A_1261 = arith.constant 1 : i32
      %get3A_1262 = arith.constant 0 : i32
      %get3A_1263 = arith.index_cast %get3A_1261 : i32 to index
      %get3A_1264 = arith.index_cast %get3A_1262 : i32 to index
      %get3A_1265 = arith.index_cast %mul3A_1215 : i32 to index
      %get3A_1266 = tpu.vector_load %arg10[%get3A_1263, %get3A_1264, %get3A_1265] {strides = array<i32>} : memref<2x2x2000xf32, #tpu.memory_space<vmem>>, vector<1x1x16xf32>,
      %get3A_1267 = vector.shape_cast %get3A_1266 : vector<1x1x16xf32> to vector<16xf32>
      %mul3A_1268 = arith.mulf %get3A_1260, %select_n3A_1228 : vector<16xf32>
      %sub3A_1269 = arith.subf %mul3A_1268, %get3A_1267 : vector<16xf32>
      %abs3A_1270 = math.absf %sub3A_1269 : vector<16xf32>
      %min3A_1271 = arith.constant 1.000000e+00 : f32
      %min3A_1272 = vector.broadcast %min3A_1271 : f32 to vector<16xf32>
      %min3A_1273 = arith.minimumf %abs3A_1270, %min3A_1272 : vector<16xf32>
      %add3A_1274 = arith.addf %abs3A_1270, %abs3A_1270 : vector<16xf32>
      %sub3A_1275 = arith.subf %add3A_1274, %min3A_1273 : vector<16xf32>
      %mul3A_1276 = arith.mulf %min3A_1273, %sub3A_1275 : vector<16xf32>
      %add3A_1277 = arith.addf %add3A_1149, %mul3A_1276 : vector<16xf32>
      %get3A_1278 = arith.constant 1 : i32
      %get3A_1279 = arith.index_cast %get3A_1278 : i32 to index
      %get3A_1280 = arith.index_cast %mul3A_1215 : i32 to index
      %get3A_1281 = tpu.vector_load %arg11[%get3A_1279, %get3A_1280] {strides = array<i32>} : memref<2x2000xf32, #tpu.memory_space<vmem>>, vector<1x16xf32>,
      %get3A_1282 = vector.shape_cast %get3A_1281 : vector<1x16xf32> to vector<16xf32>
      %eq3A_1283 = arith.constant 1.000000e+00 : f32
      %eq3A_1284 = vector.broadcast %eq3A_1283 : f32 to vector<16xf32>
      %eq3A_1285 = arith.cmpf oeq, %get3A_1282, %eq3A_1284 : vector<16xf32>
      %jit3A_1286 = arith.constant 1.000000e+00 : f32
      %jit3A_1287 = arith.constant 0.000000e+00 : f32
      %broadcast_in_dim3A_1288 = vector.broadcast %jit3A_1286 : f32 to vector<16xf32>
      %broadcast_in_dim3A_1289 = vector.broadcast %jit3A_1287 : f32 to vector<16xf32>
      %select_n3A_1290 = arith.select %eq3A_1285, %broadcast_in_dim3A_1288, %broadcast_in_dim3A_1289 : vector<16xi1>, vector<16xf32>
      %add3A_1291 = arith.addf %add3A_1229, %select_n3A_1290 : vector<16xf32>
      %get3A_1292 = arith.constant 0 : i32
      %get3A_1293 = arith.constant 1 : i32
      %get3A_1294 = arith.index_cast %get3A_1292 : i32 to index
      %get3A_1295 = arith.index_cast %get3A_1293 : i32 to index
      %get3A_1296 = arith.index_cast %mul3A_1215 : i32 to index
      %get3A_1297 = tpu.vector_load %arg9[%get3A_1294, %get3A_1295, %get3A_1296] {strides = array<i32>} : memref<2x2x2000xf32, #tpu.memory_space<vmem>>, vector<1x1x16xf32>,
      %get3A_1298 = vector.shape_cast %get3A_1297 : vector<1x1x16xf32> to vector<16xf32>
      %get3A_1299 = arith.constant 0 : i32
      %get3A_1300 = arith.constant 1 : i32
      %get3A_1301 = arith.index_cast %get3A_1299 : i32 to index
      %get3A_1302 = arith.index_cast %get3A_1300 : i32 to index
      %get3A_1303 = arith.index_cast %mul3A_1215 : i32 to index
      %get3A_1304 = tpu.vector_load %arg10[%get3A_1301, %get3A_1302, %get3A_1303] {strides = array<i32>} : memref<2x2x2000xf32, #tpu.memory_space<vmem>>, vector<1x1x16xf32>,
      %get3A_1305 = vector.shape_cast %get3A_1304 : vector<1x1x16xf32> to vector<16xf32>
      %mul3A_1306 = arith.mulf %get3A_1298, %select_n3A_1290 : vector<16xf32>
      %sub3A_1307 = arith.subf %mul3A_1306, %get3A_1305 : vector<16xf32>
      %abs3A_1308 = math.absf %sub3A_1307 : vector<16xf32>
      %min3A_1309 = arith.constant 1.000000e+00 : f32
      %min3A_1310 = vector.broadcast %min3A_1309 : f32 to vector<16xf32>
      %min3A_1311 = arith.minimumf %abs3A_1308, %min3A_1310 : vector<16xf32>
      %add3A_1312 = arith.addf %abs3A_1308, %abs3A_1308 : vector<16xf32>
      %sub3A_1313 = arith.subf %add3A_1312, %min3A_1311 : vector<16xf32>
      %mul3A_1314 = arith.mulf %min3A_1311, %sub3A_1313 : vector<16xf32>
      %add3A_1315 = arith.addf %add3A_1187, %mul3A_1314 : vector<16xf32>
      %get3A_1316 = arith.constant 1 : i32
      %get3A_1317 = arith.constant 1 : i32
      %get3A_1318 = arith.index_cast %get3A_1316 : i32 to index
      %get3A_1319 = arith.index_cast %get3A_1317 : i32 to index
      %get3A_1320 = arith.index_cast %mul3A_1215 : i32 to index
      %get3A_1321 = tpu.vector_load %arg9[%get3A_1318, %get3A_1319, %get3A_1320] {strides = array<i32>} : memref<2x2x2000xf32, #tpu.memory_space<vmem>>, vector<1x1x16xf32>,
      %get3A_1322 = vector.shape_cast %get3A_1321 : vector<1x1x16xf32> to vector<16xf32>
      %get3A_1323 = arith.constant 1 : i32
      %get3A_1324 = arith.constant 1 : i32
      %get3A_1325 = arith.index_cast %get3A_1323 : i32 to index
      %get3A_1326 = arith.index_cast %get3A_1324 : i32 to index
      %get3A_1327 = arith.index_cast %mul3A_1215 : i32 to index
      %get3A_1328 = tpu.vector_load %arg10[%get3A_1325, %get3A_1326, %get3A_1327] {strides = array<i32>} : memref<2x2x2000xf32, #tpu.memory_space<vmem>>, vector<1x1x16xf32>,
      %get3A_1329 = vector.shape_cast %get3A_1328 : vector<1x1x16xf32> to vector<16xf32>
      %mul3A_1330 = arith.mulf %get3A_1322, %select_n3A_1290 : vector<16xf32>
      %sub3A_1331 = arith.subf %mul3A_1330, %get3A_1329 : vector<16xf32>
      %abs3A_1332 = math.absf %sub3A_1331 : vector<16xf32>
      %min3A_1333 = arith.constant 1.000000e+00 : f32
      %min3A_1334 = vector.broadcast %min3A_1333 : f32 to vector<16xf32>
      %min3A_1335 = arith.minimumf %abs3A_1332, %min3A_1334 : vector<16xf32>
      %add3A_1336 = arith.addf %abs3A_1332, %abs3A_1332 : vector<16xf32>
      %sub3A_1337 = arith.subf %add3A_1336, %min3A_1335 : vector<16xf32>
      %mul3A_1338 = arith.mulf %min3A_1335, %sub3A_1337 : vector<16xf32>
      %add3A_1339 = arith.addf %add3A_1211, %mul3A_1338 : vector<16xf32>
      scf.yield %add3A_1253, %add3A_1277, %add3A_1315, %add3A_1339, %add3A_1291 : vector<16xf32>, vector<16xf32>, vector<16xf32>, vector<16xf32>, vector<16xf32>
    }
    %scan3A_704 = arith.constant 124 : i32
    %scan3A_705 = arith.addi %scan3A_699, %scan3A_704 : i32
    %mul3A_706 = arith.constant 16 : i32
    %mul3A_707 = arith.muli %scan3A_705, %mul3A_706 : i32
    %get3A_708 = arith.constant 0 : i32
    %get3A_709 = arith.index_cast %get3A_708 : i32 to index
    %get3A_710 = arith.index_cast %mul3A_707 : i32 to index
    %get3A_711 = tpu.vector_load %arg11[%get3A_709, %get3A_710] {strides = array<i32>} : memref<2x2000xf32, #tpu.memory_space<vmem>>, vector<1x16xf32>,
    %get3A_712 = vector.shape_cast %get3A_711 : vector<1x16xf32> to vector<16xf32>
    %eq3A_713 = arith.constant 1.000000e+00 : f32
    %eq3A_714 = vector.broadcast %eq3A_713 : f32 to vector<16xf32>
    %eq3A_715 = arith.cmpf oeq, %get3A_712, %eq3A_714 : vector<16xf32>
    %jit3A_716 = arith.constant 1.000000e+00 : f32
    %jit3A_717 = arith.constant 0.000000e+00 : f32
    %broadcast_in_dim3A_718 = vector.broadcast %jit3A_716 : f32 to vector<16xf32>
    %broadcast_in_dim3A_719 = vector.broadcast %jit3A_717 : f32 to vector<16xf32>
    %select_n3A_720 = arith.select %eq3A_715, %broadcast_in_dim3A_718, %broadcast_in_dim3A_719 : vector<16xi1>, vector<16xf32>
    %add3A_721 = arith.addf %scan3A_703#4, %select_n3A_720 : vector<16xf32>
    %get3A_722 = arith.constant 0 : i32
    %get3A_723 = arith.constant 0 : i32
    %get3A_724 = arith.index_cast %get3A_722 : i32 to index
    %get3A_725 = arith.index_cast %get3A_723 : i32 to index
    %get3A_726 = arith.index_cast %mul3A_707 : i32 to index
    %get3A_727 = tpu.vector_load %arg9[%get3A_724, %get3A_725, %get3A_726] {strides = array<i32>} : memref<2x2x2000xf32, #tpu.memory_space<vmem>>, vector<1x1x16xf32>,
    %get3A_728 = vector.shape_cast %get3A_727 : vector<1x1x16xf32> to vector<16xf32>
    %get3A_729 = arith.constant 0 : i32
    %get3A_730 = arith.constant 0 : i32
    %get3A_731 = arith.index_cast %get3A_729 : i32 to index
    %get3A_732 = arith.index_cast %get3A_730 : i32 to index
    %get3A_733 = arith.index_cast %mul3A_707 : i32 to index
    %get3A_734 = tpu.vector_load %arg10[%get3A_731, %get3A_732, %get3A_733] {strides = array<i32>} : memref<2x2x2000xf32, #tpu.memory_space<vmem>>, vector<1x1x16xf32>,
    %get3A_735 = vector.shape_cast %get3A_734 : vector<1x1x16xf32> to vector<16xf32>
    %mul3A_736 = arith.mulf %get3A_728, %select_n3A_720 : vector<16xf32>
    %sub3A_737 = arith.subf %mul3A_736, %get3A_735 : vector<16xf32>
    %abs3A_738 = math.absf %sub3A_737 : vector<16xf32>
    %min3A_739 = arith.constant 1.000000e+00 : f32
    %min3A_740 = vector.broadcast %min3A_739 : f32 to vector<16xf32>
    %min3A_741 = arith.minimumf %abs3A_738, %min3A_740 : vector<16xf32>
    %add3A_742 = arith.addf %abs3A_738, %abs3A_738 : vector<16xf32>
    %sub3A_743 = arith.subf %add3A_742, %min3A_741 : vector<16xf32>
    %mul3A_744 = arith.mulf %min3A_741, %sub3A_743 : vector<16xf32>
    %add3A_745 = arith.addf %scan3A_703#0, %mul3A_744 : vector<16xf32>
    %get3A_746 = arith.constant 1 : i32
    %get3A_747 = arith.constant 0 : i32
    %get3A_748 = arith.index_cast %get3A_746 : i32 to index
    %get3A_749 = arith.index_cast %get3A_747 : i32 to index
    %get3A_750 = arith.index_cast %mul3A_707 : i32 to index
    %get3A_751 = tpu.vector_load %arg9[%get3A_748, %get3A_749, %get3A_750] {strides = array<i32>} : memref<2x2x2000xf32, #tpu.memory_space<vmem>>, vector<1x1x16xf32>,
    %get3A_752 = vector.shape_cast %get3A_751 : vector<1x1x16xf32> to vector<16xf32>
    %get3A_753 = arith.constant 1 : i32
    %get3A_754 = arith.constant 0 : i32
    %get3A_755 = arith.index_cast %get3A_753 : i32 to index
    %get3A_756 = arith.index_cast %get3A_754 : i32 to index
    %get3A_757 = arith.index_cast %mul3A_707 : i32 to index
    %get3A_758 = tpu.vector_load %arg10[%get3A_755, %get3A_756, %get3A_757] {strides = array<i32>} : memref<2x2x2000xf32, #tpu.memory_space<vmem>>, vector<1x1x16xf32>,
    %get3A_759 = vector.shape_cast %get3A_758 : vector<1x1x16xf32> to vector<16xf32>
    %mul3A_760 = arith.mulf %get3A_752, %select_n3A_720 : vector<16xf32>
    %sub3A_761 = arith.subf %mul3A_760, %get3A_759 : vector<16xf32>
    %abs3A_762 = math.absf %sub3A_761 : vector<16xf32>
    %min3A_763 = arith.constant 1.000000e+00 : f32
    %min3A_764 = vector.broadcast %min3A_763 : f32 to vector<16xf32>
    %min3A_765 = arith.minimumf %abs3A_762, %min3A_764 : vector<16xf32>
    %add3A_766 = arith.addf %abs3A_762, %abs3A_762 : vector<16xf32>
    %sub3A_767 = arith.subf %add3A_766, %min3A_765 : vector<16xf32>
    %mul3A_768 = arith.mulf %min3A_765, %sub3A_767 : vector<16xf32>
    %add3A_769 = arith.addf %scan3A_703#1, %mul3A_768 : vector<16xf32>
    %get3A_770 = arith.constant 1 : i32
    %get3A_771 = arith.index_cast %get3A_770 : i32 to index
    %get3A_772 = arith.index_cast %mul3A_707 : i32 to index
    %get3A_773 = tpu.vector_load %arg11[%get3A_771, %get3A_772] {strides = array<i32>} : memref<2x2000xf32, #tpu.memory_space<vmem>>, vector<1x16xf32>,
    %get3A_774 = vector.shape_cast %get3A_773 : vector<1x16xf32> to vector<16xf32>
    %eq3A_775 = arith.constant 1.000000e+00 : f32
    %eq3A_776 = vector.broadcast %eq3A_775 : f32 to vector<16xf32>
    %eq3A_777 = arith.cmpf oeq, %get3A_774, %eq3A_776 : vector<16xf32>
    %jit3A_778 = arith.constant 1.000000e+00 : f32
    %jit3A_779 = arith.constant 0.000000e+00 : f32
    %broadcast_in_dim3A_780 = vector.broadcast %jit3A_778 : f32 to vector<16xf32>
    %broadcast_in_dim3A_781 = vector.broadcast %jit3A_779 : f32 to vector<16xf32>
    %select_n3A_782 = arith.select %eq3A_777, %broadcast_in_dim3A_780, %broadcast_in_dim3A_781 : vector<16xi1>, vector<16xf32>
    %add3A_783 = arith.addf %add3A_721, %select_n3A_782 : vector<16xf32>
    %get3A_784 = arith.constant 0 : i32
    %get3A_785 = arith.constant 1 : i32
    %get3A_786 = arith.index_cast %get3A_784 : i32 to index
    %get3A_787 = arith.index_cast %get3A_785 : i32 to index
    %get3A_788 = arith.index_cast %mul3A_707 : i32 to index
    %get3A_789 = tpu.vector_load %arg9[%get3A_786, %get3A_787, %get3A_788] {strides = array<i32>} : memref<2x2x2000xf32, #tpu.memory_space<vmem>>, vector<1x1x16xf32>,
    %get3A_790 = vector.shape_cast %get3A_789 : vector<1x1x16xf32> to vector<16xf32>
    %get3A_791 = arith.constant 0 : i32
    %get3A_792 = arith.constant 1 : i32
    %get3A_793 = arith.index_cast %get3A_791 : i32 to index
    %get3A_794 = arith.index_cast %get3A_792 : i32 to index
    %get3A_795 = arith.index_cast %mul3A_707 : i32 to index
    %get3A_796 = tpu.vector_load %arg10[%get3A_793, %get3A_794, %get3A_795] {strides = array<i32>} : memref<2x2x2000xf32, #tpu.memory_space<vmem>>, vector<1x1x16xf32>,
    %get3A_797 = vector.shape_cast %get3A_796 : vector<1x1x16xf32> to vector<16xf32>
    %mul3A_798 = arith.mulf %get3A_790, %select_n3A_782 : vector<16xf32>
    %sub3A_799 = arith.subf %mul3A_798, %get3A_797 : vector<16xf32>
    %abs3A_800 = math.absf %sub3A_799 : vector<16xf32>
    %min3A_801 = arith.constant 1.000000e+00 : f32
    %min3A_802 = vector.broadcast %min3A_801 : f32 to vector<16xf32>
    %min3A_803 = arith.minimumf %abs3A_800, %min3A_802 : vector<16xf32>
    %add3A_804 = arith.addf %abs3A_800, %abs3A_800 : vector<16xf32>
    %sub3A_805 = arith.subf %add3A_804, %min3A_803 : vector<16xf32>
    %mul3A_806 = arith.mulf %min3A_803, %sub3A_805 : vector<16xf32>
    %add3A_807 = arith.addf %scan3A_703#2, %mul3A_806 : vector<16xf32>
    %get3A_808 = arith.constant 1 : i32
    %get3A_809 = arith.constant 1 : i32
    %get3A_810 = arith.index_cast %get3A_808 : i32 to index
    %get3A_811 = arith.index_cast %get3A_809 : i32 to index
    %get3A_812 = arith.index_cast %mul3A_707 : i32 to index
    %get3A_813 = tpu.vector_load %arg9[%get3A_810, %get3A_811, %get3A_812] {strides = array<i32>} : memref<2x2x2000xf32, #tpu.memory_space<vmem>>, vector<1x1x16xf32>,
    %get3A_814 = vector.shape_cast %get3A_813 : vector<1x1x16xf32> to vector<16xf32>
    %get3A_815 = arith.constant 1 : i32
    %get3A_816 = arith.constant 1 : i32
    %get3A_817 = arith.index_cast %get3A_815 : i32 to index
    %get3A_818 = arith.index_cast %get3A_816 : i32 to index
    %get3A_819 = arith.index_cast %mul3A_707 : i32 to index
    %get3A_820 = tpu.vector_load %arg10[%get3A_817, %get3A_818, %get3A_819] {strides = array<i32>} : memref<2x2x2000xf32, #tpu.memory_space<vmem>>, vector<1x1x16xf32>,
    %get3A_821 = vector.shape_cast %get3A_820 : vector<1x1x16xf32> to vector<16xf32>
    %mul3A_822 = arith.mulf %get3A_814, %select_n3A_782 : vector<16xf32>
    %sub3A_823 = arith.subf %mul3A_822, %get3A_821 : vector<16xf32>
    %abs3A_824 = math.absf %sub3A_823 : vector<16xf32>
    %min3A_825 = arith.constant 1.000000e+00 : f32
    %min3A_826 = vector.broadcast %min3A_825 : f32 to vector<16xf32>
    %min3A_827 = arith.minimumf %abs3A_824, %min3A_826 : vector<16xf32>
    %add3A_828 = arith.addf %abs3A_824, %abs3A_824 : vector<16xf32>
    %sub3A_829 = arith.subf %add3A_828, %min3A_827 : vector<16xf32>
    %mul3A_830 = arith.mulf %min3A_827, %sub3A_829 : vector<16xf32>
    %add3A_831 = arith.addf %scan3A_703#3, %mul3A_830 : vector<16xf32>
    %scan3A_832 = arith.constant 125 : i32
    %add3A_833 = arith.constant 128 : i32
    %add3A_834 = arith.addi %add3A, %add3A_833 : i32
    %mul3A_835 = arith.constant 2 : i32
    %mul3A_836 = arith.muli %mul3A_835, %add3A_834 : i32
    %add3A_837 = arith.constant 4 : i32
    %add3A_838 = arith.addi %add3A_837, %mul3A_836 : i32
    %mul3A_839 = arith.constant 2 : i32
    %mul3A_840 = arith.muli %mul3A_839, %add3A_834 : i32
    %add3A_841 = arith.constant 4 : i32
    %add3A_842 = arith.addi %add3A_841, %mul3A_840 : i32
    %shift_right_arithmetic3A_843 = arith.constant 1 : i32
    %shift_right_arithmetic3A_844 = arith.shrsi %add3A_834, %shift_right_arithmetic3A_843 : i32
    %add3A_845 = arith.constant 1 : i32
    %add3A_846 = arith.addi %add3A_845, %shift_right_arithmetic3A_844 : i32
    %dma_wait3A_847 = arith.constant 0 : i32
    %dma_wait3A_848 = arith.constant 0 : i32
    %dma_wait3A_849 = tpu.memref_slice %arg2[%add3A_838, %dma_wait3A_847, %dma_wait3A_848] : memref<324x2x2000xf32, #tpu.memory_space<hbm>> -> memref<2x2x2000xf32, #tpu.memory_space<hbm>>
    %dma_wait3A_850 = arith.constant 0 : i32
    %dma_wait3A_851 = arith.constant 0 : i32
    %dma_wait3A_852 = tpu.memref_slice %arg2[%add3A_838, %dma_wait3A_850, %dma_wait3A_851] : memref<324x2x2000xf32, #tpu.memory_space<hbm>> -> memref<2x2x2000xf32, #tpu.memory_space<hbm>>
    tpu.wait_dma2 semaphore(%arg13 : memref<!tpu.dma_semaphore, #tpu.memory_space<semaphore_mem>>) src(%dma_wait3A_852 : memref<2x2x2000xf32, #tpu.memory_space<hbm>>) dst(%arg6 : memref<2x2x2000xf32, #tpu.memory_space<vmem>>)
    %dma_wait3A_853 = arith.constant 0 : i32
    %dma_wait3A_854 = arith.constant 0 : i32
    %dma_wait3A_855 = tpu.memref_slice %arg3[%add3A_842, %dma_wait3A_853, %dma_wait3A_854] : memref<324x2x2000xf32, #tpu.memory_space<hbm>> -> memref<2x2x2000xf32, #tpu.memory_space<hbm>>
    %dma_wait3A_856 = arith.constant 0 : i32
    %dma_wait3A_857 = arith.constant 0 : i32
    %dma_wait3A_858 = tpu.memref_slice %arg3[%add3A_842, %dma_wait3A_856, %dma_wait3A_857] : memref<324x2x2000xf32, #tpu.memory_space<hbm>> -> memref<2x2x2000xf32, #tpu.memory_space<hbm>>
    tpu.wait_dma2 semaphore(%arg13 : memref<!tpu.dma_semaphore, #tpu.memory_space<semaphore_mem>>) src(%dma_wait3A_858 : memref<2x2x2000xf32, #tpu.memory_space<hbm>>) dst(%arg7 : memref<2x2x2000xf32, #tpu.memory_space<vmem>>)
    %dma_wait3A_859 = arith.constant 0 : i32
    %dma_wait3A_860 = arith.constant 0 : i32
    %dma_wait3A_861 = tpu.memref_slice %arg4[%add3A_846, %dma_wait3A_859, %dma_wait3A_860] : memref<81x2x2000xf32, #tpu.memory_space<hbm>> -> memref<1x2x2000xf32, #tpu.memory_space<hbm>>
    %dma_wait3A_862 = tpu.memref_squeeze %dma_wait3A_861 : memref<1x2x2000xf32, #tpu.memory_space<hbm>> -> memref<2x2000xf32, #tpu.memory_space<hbm>>
    %dma_wait3A_863 = arith.constant 0 : i32
    %dma_wait3A_864 = arith.constant 0 : i32
    %dma_wait3A_865 = tpu.memref_slice %arg4[%add3A_846, %dma_wait3A_863, %dma_wait3A_864] : memref<81x2x2000xf32, #tpu.memory_space<hbm>> -> memref<1x2x2000xf32, #tpu.memory_space<hbm>>
    %dma_wait3A_866 = tpu.memref_squeeze %dma_wait3A_865 : memref<1x2x2000xf32, #tpu.memory_space<hbm>> -> memref<2x2000xf32, #tpu.memory_space<hbm>>
    tpu.wait_dma2 semaphore(%arg13 : memref<!tpu.dma_semaphore, #tpu.memory_space<semaphore_mem>>) src(%dma_wait3A_866 : memref<2x2000xf32, #tpu.memory_space<hbm>>) dst(%arg8 : memref<2x2000xf32, #tpu.memory_space<vmem>>)
    %scan3A_867 = arith.constant 0 : i32
    %scan3A_868 = arith.constant 124 : i32
    %scan3A_869 = arith.addi %scan3A_867, %scan3A_868 : i32
    %scan3A_870 = arith.constant 2 : i32
    %scan3A_871:5 = scf.for %scan3A_1080 = %scan3A_867 to %scan3A_869 step %scan3A_870 iter_args(%scan3A_1081 = %add3A_745, %scan3A_1082 = %add3A_769, %scan3A_1083 = %add3A_807, %scan3A_1084 = %add3A_831, %scan3A_1085 = %add3A_783) -> (vector<16xf32>, vector<16xf32>, vector<16xf32>, vector<16xf32>, vector<16xf32>)  : i32 {
      %mul3A_1086 = arith.constant 16 : i32
      %mul3A_1087 = arith.muli %scan3A_1080, %mul3A_1086 : i32
      %get3A_1088 = arith.constant 0 : i32
      %get3A_1089 = arith.index_cast %get3A_1088 : i32 to index
      %get3A_1090 = arith.index_cast %mul3A_1087 : i32 to index
      %get3A_1091 = tpu.vector_load %arg8[%get3A_1089, %get3A_1090] {strides = array<i32>} : memref<2x2000xf32, #tpu.memory_space<vmem>>, vector<1x16xf32>,
      %get3A_1092 = vector.shape_cast %get3A_1091 : vector<1x16xf32> to vector<16xf32>
      %eq3A_1093 = arith.constant 1.000000e+00 : f32
      %eq3A_1094 = vector.broadcast %eq3A_1093 : f32 to vector<16xf32>
      %eq3A_1095 = arith.cmpf oeq, %get3A_1092, %eq3A_1094 : vector<16xf32>
      %jit3A_1096 = arith.constant 1.000000e+00 : f32
      %jit3A_1097 = arith.constant 0.000000e+00 : f32
      %broadcast_in_dim3A_1098 = vector.broadcast %jit3A_1096 : f32 to vector<16xf32>
      %broadcast_in_dim3A_1099 = vector.broadcast %jit3A_1097 : f32 to vector<16xf32>
      %select_n3A_1100 = arith.select %eq3A_1095, %broadcast_in_dim3A_1098, %broadcast_in_dim3A_1099 : vector<16xi1>, vector<16xf32>
      %add3A_1101 = arith.addf %scan3A_1085, %select_n3A_1100 : vector<16xf32>
      %get3A_1102 = arith.constant 0 : i32
      %get3A_1103 = arith.constant 0 : i32
      %get3A_1104 = arith.index_cast %get3A_1102 : i32 to index
      %get3A_1105 = arith.index_cast %get3A_1103 : i32 to index
      %get3A_1106 = arith.index_cast %mul3A_1087 : i32 to index
      %get3A_1107 = tpu.vector_load %arg6[%get3A_1104, %get3A_1105, %get3A_1106] {strides = array<i32>} : memref<2x2x2000xf32, #tpu.memory_space<vmem>>, vector<1x1x16xf32>,
      %get3A_1108 = vector.shape_cast %get3A_1107 : vector<1x1x16xf32> to vector<16xf32>
      %get3A_1109 = arith.constant 0 : i32
      %get3A_1110 = arith.constant 0 : i32
      %get3A_1111 = arith.index_cast %get3A_1109 : i32 to index
      %get3A_1112 = arith.index_cast %get3A_1110 : i32 to index
      %get3A_1113 = arith.index_cast %mul3A_1087 : i32 to index
      %get3A_1114 = tpu.vector_load %arg7[%get3A_1111, %get3A_1112, %get3A_1113] {strides = array<i32>} : memref<2x2x2000xf32, #tpu.memory_space<vmem>>, vector<1x1x16xf32>,
      %get3A_1115 = vector.shape_cast %get3A_1114 : vector<1x1x16xf32> to vector<16xf32>
      %mul3A_1116 = arith.mulf %get3A_1108, %select_n3A_1100 : vector<16xf32>
      %sub3A_1117 = arith.subf %mul3A_1116, %get3A_1115 : vector<16xf32>
      %abs3A_1118 = math.absf %sub3A_1117 : vector<16xf32>
      %min3A_1119 = arith.constant 1.000000e+00 : f32
      %min3A_1120 = vector.broadcast %min3A_1119 : f32 to vector<16xf32>
      %min3A_1121 = arith.minimumf %abs3A_1118, %min3A_1120 : vector<16xf32>
      %add3A_1122 = arith.addf %abs3A_1118, %abs3A_1118 : vector<16xf32>
      %sub3A_1123 = arith.subf %add3A_1122, %min3A_1121 : vector<16xf32>
      %mul3A_1124 = arith.mulf %min3A_1121, %sub3A_1123 : vector<16xf32>
      %add3A_1125 = arith.addf %scan3A_1081, %mul3A_1124 : vector<16xf32>
      %get3A_1126 = arith.constant 1 : i32
      %get3A_1127 = arith.constant 0 : i32
      %get3A_1128 = arith.index_cast %get3A_1126 : i32 to index
      %get3A_1129 = arith.index_cast %get3A_1127 : i32 to index
      %get3A_1130 = arith.index_cast %mul3A_1087 : i32 to index
      %get3A_1131 = tpu.vector_load %arg6[%get3A_1128, %get3A_1129, %get3A_1130] {strides = array<i32>} : memref<2x2x2000xf32, #tpu.memory_space<vmem>>, vector<1x1x16xf32>,
      %get3A_1132 = vector.shape_cast %get3A_1131 : vector<1x1x16xf32> to vector<16xf32>
      %get3A_1133 = arith.constant 1 : i32
      %get3A_1134 = arith.constant 0 : i32
      %get3A_1135 = arith.index_cast %get3A_1133 : i32 to index
      %get3A_1136 = arith.index_cast %get3A_1134 : i32 to index
      %get3A_1137 = arith.index_cast %mul3A_1087 : i32 to index
      %get3A_1138 = tpu.vector_load %arg7[%get3A_1135, %get3A_1136, %get3A_1137] {strides = array<i32>} : memref<2x2x2000xf32, #tpu.memory_space<vmem>>, vector<1x1x16xf32>,
      %get3A_1139 = vector.shape_cast %get3A_1138 : vector<1x1x16xf32> to vector<16xf32>
      %mul3A_1140 = arith.mulf %get3A_1132, %select_n3A_1100 : vector<16xf32>
      %sub3A_1141 = arith.subf %mul3A_1140, %get3A_1139 : vector<16xf32>
      %abs3A_1142 = math.absf %sub3A_1141 : vector<16xf32>
      %min3A_1143 = arith.constant 1.000000e+00 : f32
      %min3A_1144 = vector.broadcast %min3A_1143 : f32 to vector<16xf32>
      %min3A_1145 = arith.minimumf %abs3A_1142, %min3A_1144 : vector<16xf32>
      %add3A_1146 = arith.addf %abs3A_1142, %abs3A_1142 : vector<16xf32>
      %sub3A_1147 = arith.subf %add3A_1146, %min3A_1145 : vector<16xf32>
      %mul3A_1148 = arith.mulf %min3A_1145, %sub3A_1147 : vector<16xf32>
      %add3A_1149 = arith.addf %scan3A_1082, %mul3A_1148 : vector<16xf32>
      %get3A_1150 = arith.constant 1 : i32
      %get3A_1151 = arith.index_cast %get3A_1150 : i32 to index
      %get3A_1152 = arith.index_cast %mul3A_1087 : i32 to index
      %get3A_1153 = tpu.vector_load %arg8[%get3A_1151, %get3A_1152] {strides = array<i32>} : memref<2x2000xf32, #tpu.memory_space<vmem>>, vector<1x16xf32>,
      %get3A_1154 = vector.shape_cast %get3A_1153 : vector<1x16xf32> to vector<16xf32>
      %eq3A_1155 = arith.constant 1.000000e+00 : f32
      %eq3A_1156 = vector.broadcast %eq3A_1155 : f32 to vector<16xf32>
      %eq3A_1157 = arith.cmpf oeq, %get3A_1154, %eq3A_1156 : vector<16xf32>
      %jit3A_1158 = arith.constant 1.000000e+00 : f32
      %jit3A_1159 = arith.constant 0.000000e+00 : f32
      %broadcast_in_dim3A_1160 = vector.broadcast %jit3A_1158 : f32 to vector<16xf32>
      %broadcast_in_dim3A_1161 = vector.broadcast %jit3A_1159 : f32 to vector<16xf32>
      %select_n3A_1162 = arith.select %eq3A_1157, %broadcast_in_dim3A_1160, %broadcast_in_dim3A_1161 : vector<16xi1>, vector<16xf32>
      %add3A_1163 = arith.addf %add3A_1101, %select_n3A_1162 : vector<16xf32>
      %get3A_1164 = arith.constant 0 : i32
      %get3A_1165 = arith.constant 1 : i32
      %get3A_1166 = arith.index_cast %get3A_1164 : i32 to index
      %get3A_1167 = arith.index_cast %get3A_1165 : i32 to index
      %get3A_1168 = arith.index_cast %mul3A_1087 : i32 to index
      %get3A_1169 = tpu.vector_load %arg6[%get3A_1166, %get3A_1167, %get3A_1168] {strides = array<i32>} : memref<2x2x2000xf32, #tpu.memory_space<vmem>>, vector<1x1x16xf32>,
      %get3A_1170 = vector.shape_cast %get3A_1169 : vector<1x1x16xf32> to vector<16xf32>
      %get3A_1171 = arith.constant 0 : i32
      %get3A_1172 = arith.constant 1 : i32
      %get3A_1173 = arith.index_cast %get3A_1171 : i32 to index
      %get3A_1174 = arith.index_cast %get3A_1172 : i32 to index
      %get3A_1175 = arith.index_cast %mul3A_1087 : i32 to index
      %get3A_1176 = tpu.vector_load %arg7[%get3A_1173, %get3A_1174, %get3A_1175] {strides = array<i32>} : memref<2x2x2000xf32, #tpu.memory_space<vmem>>, vector<1x1x16xf32>,
      %get3A_1177 = vector.shape_cast %get3A_1176 : vector<1x1x16xf32> to vector<16xf32>
      %mul3A_1178 = arith.mulf %get3A_1170, %select_n3A_1162 : vector<16xf32>
      %sub3A_1179 = arith.subf %mul3A_1178, %get3A_1177 : vector<16xf32>
      %abs3A_1180 = math.absf %sub3A_1179 : vector<16xf32>
      %min3A_1181 = arith.constant 1.000000e+00 : f32
      %min3A_1182 = vector.broadcast %min3A_1181 : f32 to vector<16xf32>
      %min3A_1183 = arith.minimumf %abs3A_1180, %min3A_1182 : vector<16xf32>
      %add3A_1184 = arith.addf %abs3A_1180, %abs3A_1180 : vector<16xf32>
      %sub3A_1185 = arith.subf %add3A_1184, %min3A_1183 : vector<16xf32>
      %mul3A_1186 = arith.mulf %min3A_1183, %sub3A_1185 : vector<16xf32>
      %add3A_1187 = arith.addf %scan3A_1083, %mul3A_1186 : vector<16xf32>
      %get3A_1188 = arith.constant 1 : i32
      %get3A_1189 = arith.constant 1 : i32
      %get3A_1190 = arith.index_cast %get3A_1188 : i32 to index
      %get3A_1191 = arith.index_cast %get3A_1189 : i32 to index
      %get3A_1192 = arith.index_cast %mul3A_1087 : i32 to index
      %get3A_1193 = tpu.vector_load %arg6[%get3A_1190, %get3A_1191, %get3A_1192] {strides = array<i32>} : memref<2x2x2000xf32, #tpu.memory_space<vmem>>, vector<1x1x16xf32>,
      %get3A_1194 = vector.shape_cast %get3A_1193 : vector<1x1x16xf32> to vector<16xf32>
      %get3A_1195 = arith.constant 1 : i32
      %get3A_1196 = arith.constant 1 : i32
      %get3A_1197 = arith.index_cast %get3A_1195 : i32 to index
      %get3A_1198 = arith.index_cast %get3A_1196 : i32 to index
      %get3A_1199 = arith.index_cast %mul3A_1087 : i32 to index
      %get3A_1200 = tpu.vector_load %arg7[%get3A_1197, %get3A_1198, %get3A_1199] {strides = array<i32>} : memref<2x2x2000xf32, #tpu.memory_space<vmem>>, vector<1x1x16xf32>,
      %get3A_1201 = vector.shape_cast %get3A_1200 : vector<1x1x16xf32> to vector<16xf32>
      %mul3A_1202 = arith.mulf %get3A_1194, %select_n3A_1162 : vector<16xf32>
      %sub3A_1203 = arith.subf %mul3A_1202, %get3A_1201 : vector<16xf32>
      %abs3A_1204 = math.absf %sub3A_1203 : vector<16xf32>
      %min3A_1205 = arith.constant 1.000000e+00 : f32
      %min3A_1206 = vector.broadcast %min3A_1205 : f32 to vector<16xf32>
      %min3A_1207 = arith.minimumf %abs3A_1204, %min3A_1206 : vector<16xf32>
      %add3A_1208 = arith.addf %abs3A_1204, %abs3A_1204 : vector<16xf32>
      %sub3A_1209 = arith.subf %add3A_1208, %min3A_1207 : vector<16xf32>
      %mul3A_1210 = arith.mulf %min3A_1207, %sub3A_1209 : vector<16xf32>
      %add3A_1211 = arith.addf %scan3A_1084, %mul3A_1210 : vector<16xf32>
      %scan3A_1212 = arith.constant 1 : i32
      %scan3A_1213 = arith.addi %scan3A_1080, %scan3A_1212 : i32
      %mul3A_1214 = arith.constant 16 : i32
      %mul3A_1215 = arith.muli %scan3A_1213, %mul3A_1214 : i32
      %get3A_1216 = arith.constant 0 : i32
      %get3A_1217 = arith.index_cast %get3A_1216 : i32 to index
      %get3A_1218 = arith.index_cast %mul3A_1215 : i32 to index
      %get3A_1219 = tpu.vector_load %arg8[%get3A_1217, %get3A_1218] {strides = array<i32>} : memref<2x2000xf32, #tpu.memory_space<vmem>>, vector<1x16xf32>,
      %get3A_1220 = vector.shape_cast %get3A_1219 : vector<1x16xf32> to vector<16xf32>
      %eq3A_1221 = arith.constant 1.000000e+00 : f32
      %eq3A_1222 = vector.broadcast %eq3A_1221 : f32 to vector<16xf32>
      %eq3A_1223 = arith.cmpf oeq, %get3A_1220, %eq3A_1222 : vector<16xf32>
      %jit3A_1224 = arith.constant 1.000000e+00 : f32
      %jit3A_1225 = arith.constant 0.000000e+00 : f32
      %broadcast_in_dim3A_1226 = vector.broadcast %jit3A_1224 : f32 to vector<16xf32>
      %broadcast_in_dim3A_1227 = vector.broadcast %jit3A_1225 : f32 to vector<16xf32>
      %select_n3A_1228 = arith.select %eq3A_1223, %broadcast_in_dim3A_1226, %broadcast_in_dim3A_1227 : vector<16xi1>, vector<16xf32>
      %add3A_1229 = arith.addf %add3A_1163, %select_n3A_1228 : vector<16xf32>
      %get3A_1230 = arith.constant 0 : i32
      %get3A_1231 = arith.constant 0 : i32
      %get3A_1232 = arith.index_cast %get3A_1230 : i32 to index
      %get3A_1233 = arith.index_cast %get3A_1231 : i32 to index
      %get3A_1234 = arith.index_cast %mul3A_1215 : i32 to index
      %get3A_1235 = tpu.vector_load %arg6[%get3A_1232, %get3A_1233, %get3A_1234] {strides = array<i32>} : memref<2x2x2000xf32, #tpu.memory_space<vmem>>, vector<1x1x16xf32>,
      %get3A_1236 = vector.shape_cast %get3A_1235 : vector<1x1x16xf32> to vector<16xf32>
      %get3A_1237 = arith.constant 0 : i32
      %get3A_1238 = arith.constant 0 : i32
      %get3A_1239 = arith.index_cast %get3A_1237 : i32 to index
      %get3A_1240 = arith.index_cast %get3A_1238 : i32 to index
      %get3A_1241 = arith.index_cast %mul3A_1215 : i32 to index
      %get3A_1242 = tpu.vector_load %arg7[%get3A_1239, %get3A_1240, %get3A_1241] {strides = array<i32>} : memref<2x2x2000xf32, #tpu.memory_space<vmem>>, vector<1x1x16xf32>,
      %get3A_1243 = vector.shape_cast %get3A_1242 : vector<1x1x16xf32> to vector<16xf32>
      %mul3A_1244 = arith.mulf %get3A_1236, %select_n3A_1228 : vector<16xf32>
      %sub3A_1245 = arith.subf %mul3A_1244, %get3A_1243 : vector<16xf32>
      %abs3A_1246 = math.absf %sub3A_1245 : vector<16xf32>
      %min3A_1247 = arith.constant 1.000000e+00 : f32
      %min3A_1248 = vector.broadcast %min3A_1247 : f32 to vector<16xf32>
      %min3A_1249 = arith.minimumf %abs3A_1246, %min3A_1248 : vector<16xf32>
      %add3A_1250 = arith.addf %abs3A_1246, %abs3A_1246 : vector<16xf32>
      %sub3A_1251 = arith.subf %add3A_1250, %min3A_1249 : vector<16xf32>
      %mul3A_1252 = arith.mulf %min3A_1249, %sub3A_1251 : vector<16xf32>
      %add3A_1253 = arith.addf %add3A_1125, %mul3A_1252 : vector<16xf32>
      %get3A_1254 = arith.constant 1 : i32
      %get3A_1255 = arith.constant 0 : i32
      %get3A_1256 = arith.index_cast %get3A_1254 : i32 to index
      %get3A_1257 = arith.index_cast %get3A_1255 : i32 to index
      %get3A_1258 = arith.index_cast %mul3A_1215 : i32 to index
      %get3A_1259 = tpu.vector_load %arg6[%get3A_1256, %get3A_1257, %get3A_1258] {strides = array<i32>} : memref<2x2x2000xf32, #tpu.memory_space<vmem>>, vector<1x1x16xf32>,
      %get3A_1260 = vector.shape_cast %get3A_1259 : vector<1x1x16xf32> to vector<16xf32>
      %get3A_1261 = arith.constant 1 : i32
      %get3A_1262 = arith.constant 0 : i32
      %get3A_1263 = arith.index_cast %get3A_1261 : i32 to index
      %get3A_1264 = arith.index_cast %get3A_1262 : i32 to index
      %get3A_1265 = arith.index_cast %mul3A_1215 : i32 to index
      %get3A_1266 = tpu.vector_load %arg7[%get3A_1263, %get3A_1264, %get3A_1265] {strides = array<i32>} : memref<2x2x2000xf32, #tpu.memory_space<vmem>>, vector<1x1x16xf32>,
      %get3A_1267 = vector.shape_cast %get3A_1266 : vector<1x1x16xf32> to vector<16xf32>
      %mul3A_1268 = arith.mulf %get3A_1260, %select_n3A_1228 : vector<16xf32>
      %sub3A_1269 = arith.subf %mul3A_1268, %get3A_1267 : vector<16xf32>
      %abs3A_1270 = math.absf %sub3A_1269 : vector<16xf32>
      %min3A_1271 = arith.constant 1.000000e+00 : f32
      %min3A_1272 = vector.broadcast %min3A_1271 : f32 to vector<16xf32>
      %min3A_1273 = arith.minimumf %abs3A_1270, %min3A_1272 : vector<16xf32>
      %add3A_1274 = arith.addf %abs3A_1270, %abs3A_1270 : vector<16xf32>
      %sub3A_1275 = arith.subf %add3A_1274, %min3A_1273 : vector<16xf32>
      %mul3A_1276 = arith.mulf %min3A_1273, %sub3A_1275 : vector<16xf32>
      %add3A_1277 = arith.addf %add3A_1149, %mul3A_1276 : vector<16xf32>
      %get3A_1278 = arith.constant 1 : i32
      %get3A_1279 = arith.index_cast %get3A_1278 : i32 to index
      %get3A_1280 = arith.index_cast %mul3A_1215 : i32 to index
      %get3A_1281 = tpu.vector_load %arg8[%get3A_1279, %get3A_1280] {strides = array<i32>} : memref<2x2000xf32, #tpu.memory_space<vmem>>, vector<1x16xf32>,
      %get3A_1282 = vector.shape_cast %get3A_1281 : vector<1x16xf32> to vector<16xf32>
      %eq3A_1283 = arith.constant 1.000000e+00 : f32
      %eq3A_1284 = vector.broadcast %eq3A_1283 : f32 to vector<16xf32>
      %eq3A_1285 = arith.cmpf oeq, %get3A_1282, %eq3A_1284 : vector<16xf32>
      %jit3A_1286 = arith.constant 1.000000e+00 : f32
      %jit3A_1287 = arith.constant 0.000000e+00 : f32
      %broadcast_in_dim3A_1288 = vector.broadcast %jit3A_1286 : f32 to vector<16xf32>
      %broadcast_in_dim3A_1289 = vector.broadcast %jit3A_1287 : f32 to vector<16xf32>
      %select_n3A_1290 = arith.select %eq3A_1285, %broadcast_in_dim3A_1288, %broadcast_in_dim3A_1289 : vector<16xi1>, vector<16xf32>
      %add3A_1291 = arith.addf %add3A_1229, %select_n3A_1290 : vector<16xf32>
      %get3A_1292 = arith.constant 0 : i32
      %get3A_1293 = arith.constant 1 : i32
      %get3A_1294 = arith.index_cast %get3A_1292 : i32 to index
      %get3A_1295 = arith.index_cast %get3A_1293 : i32 to index
      %get3A_1296 = arith.index_cast %mul3A_1215 : i32 to index
      %get3A_1297 = tpu.vector_load %arg6[%get3A_1294, %get3A_1295, %get3A_1296] {strides = array<i32>} : memref<2x2x2000xf32, #tpu.memory_space<vmem>>, vector<1x1x16xf32>,
      %get3A_1298 = vector.shape_cast %get3A_1297 : vector<1x1x16xf32> to vector<16xf32>
      %get3A_1299 = arith.constant 0 : i32
      %get3A_1300 = arith.constant 1 : i32
      %get3A_1301 = arith.index_cast %get3A_1299 : i32 to index
      %get3A_1302 = arith.index_cast %get3A_1300 : i32 to index
      %get3A_1303 = arith.index_cast %mul3A_1215 : i32 to index
      %get3A_1304 = tpu.vector_load %arg7[%get3A_1301, %get3A_1302, %get3A_1303] {strides = array<i32>} : memref<2x2x2000xf32, #tpu.memory_space<vmem>>, vector<1x1x16xf32>,
      %get3A_1305 = vector.shape_cast %get3A_1304 : vector<1x1x16xf32> to vector<16xf32>
      %mul3A_1306 = arith.mulf %get3A_1298, %select_n3A_1290 : vector<16xf32>
      %sub3A_1307 = arith.subf %mul3A_1306, %get3A_1305 : vector<16xf32>
      %abs3A_1308 = math.absf %sub3A_1307 : vector<16xf32>
      %min3A_1309 = arith.constant 1.000000e+00 : f32
      %min3A_1310 = vector.broadcast %min3A_1309 : f32 to vector<16xf32>
      %min3A_1311 = arith.minimumf %abs3A_1308, %min3A_1310 : vector<16xf32>
      %add3A_1312 = arith.addf %abs3A_1308, %abs3A_1308 : vector<16xf32>
      %sub3A_1313 = arith.subf %add3A_1312, %min3A_1311 : vector<16xf32>
      %mul3A_1314 = arith.mulf %min3A_1311, %sub3A_1313 : vector<16xf32>
      %add3A_1315 = arith.addf %add3A_1187, %mul3A_1314 : vector<16xf32>
      %get3A_1316 = arith.constant 1 : i32
      %get3A_1317 = arith.constant 1 : i32
      %get3A_1318 = arith.index_cast %get3A_1316 : i32 to index
      %get3A_1319 = arith.index_cast %get3A_1317 : i32 to index
      %get3A_1320 = arith.index_cast %mul3A_1215 : i32 to index
      %get3A_1321 = tpu.vector_load %arg6[%get3A_1318, %get3A_1319, %get3A_1320] {strides = array<i32>} : memref<2x2x2000xf32, #tpu.memory_space<vmem>>, vector<1x1x16xf32>,
      %get3A_1322 = vector.shape_cast %get3A_1321 : vector<1x1x16xf32> to vector<16xf32>
      %get3A_1323 = arith.constant 1 : i32
      %get3A_1324 = arith.constant 1 : i32
      %get3A_1325 = arith.index_cast %get3A_1323 : i32 to index
      %get3A_1326 = arith.index_cast %get3A_1324 : i32 to index
      %get3A_1327 = arith.index_cast %mul3A_1215 : i32 to index
      %get3A_1328 = tpu.vector_load %arg7[%get3A_1325, %get3A_1326, %get3A_1327] {strides = array<i32>} : memref<2x2x2000xf32, #tpu.memory_space<vmem>>, vector<1x1x16xf32>,
      %get3A_1329 = vector.shape_cast %get3A_1328 : vector<1x1x16xf32> to vector<16xf32>
      %mul3A_1330 = arith.mulf %get3A_1322, %select_n3A_1290 : vector<16xf32>
      %sub3A_1331 = arith.subf %mul3A_1330, %get3A_1329 : vector<16xf32>
      %abs3A_1332 = math.absf %sub3A_1331 : vector<16xf32>
      %min3A_1333 = arith.constant 1.000000e+00 : f32
      %min3A_1334 = vector.broadcast %min3A_1333 : f32 to vector<16xf32>
      %min3A_1335 = arith.minimumf %abs3A_1332, %min3A_1334 : vector<16xf32>
      %add3A_1336 = arith.addf %abs3A_1332, %abs3A_1332 : vector<16xf32>
      %sub3A_1337 = arith.subf %add3A_1336, %min3A_1335 : vector<16xf32>
      %mul3A_1338 = arith.mulf %min3A_1335, %sub3A_1337 : vector<16xf32>
      %add3A_1339 = arith.addf %add3A_1211, %mul3A_1338 : vector<16xf32>
      scf.yield %add3A_1253, %add3A_1277, %add3A_1315, %add3A_1339, %add3A_1291 : vector<16xf32>, vector<16xf32>, vector<16xf32>, vector<16xf32>, vector<16xf32>
    }
    %scan3A_872 = arith.constant 124 : i32
    %scan3A_873 = arith.addi %scan3A_867, %scan3A_872 : i32
    %mul3A_874 = arith.constant 16 : i32
    %mul3A_875 = arith.muli %scan3A_873, %mul3A_874 : i32
    %get3A_876 = arith.constant 0 : i32
    %get3A_877 = arith.index_cast %get3A_876 : i32 to index
    %get3A_878 = arith.index_cast %mul3A_875 : i32 to index
    %get3A_879 = tpu.vector_load %arg8[%get3A_877, %get3A_878] {strides = array<i32>} : memref<2x2000xf32, #tpu.memory_space<vmem>>, vector<1x16xf32>,
    %get3A_880 = vector.shape_cast %get3A_879 : vector<1x16xf32> to vector<16xf32>
    %eq3A_881 = arith.constant 1.000000e+00 : f32
    %eq3A_882 = vector.broadcast %eq3A_881 : f32 to vector<16xf32>
    %eq3A_883 = arith.cmpf oeq, %get3A_880, %eq3A_882 : vector<16xf32>
    %jit3A_884 = arith.constant 1.000000e+00 : f32
    %jit3A_885 = arith.constant 0.000000e+00 : f32
    %broadcast_in_dim3A_886 = vector.broadcast %jit3A_884 : f32 to vector<16xf32>
    %broadcast_in_dim3A_887 = vector.broadcast %jit3A_885 : f32 to vector<16xf32>
    %select_n3A_888 = arith.select %eq3A_883, %broadcast_in_dim3A_886, %broadcast_in_dim3A_887 : vector<16xi1>, vector<16xf32>
    %add3A_889 = arith.addf %scan3A_871#4, %select_n3A_888 : vector<16xf32>
    %get3A_890 = arith.constant 0 : i32
    %get3A_891 = arith.constant 0 : i32
    %get3A_892 = arith.index_cast %get3A_890 : i32 to index
    %get3A_893 = arith.index_cast %get3A_891 : i32 to index
    %get3A_894 = arith.index_cast %mul3A_875 : i32 to index
    %get3A_895 = tpu.vector_load %arg6[%get3A_892, %get3A_893, %get3A_894] {strides = array<i32>} : memref<2x2x2000xf32, #tpu.memory_space<vmem>>, vector<1x1x16xf32>,
    %get3A_896 = vector.shape_cast %get3A_895 : vector<1x1x16xf32> to vector<16xf32>
    %get3A_897 = arith.constant 0 : i32
    %get3A_898 = arith.constant 0 : i32
    %get3A_899 = arith.index_cast %get3A_897 : i32 to index
    %get3A_900 = arith.index_cast %get3A_898 : i32 to index
    %get3A_901 = arith.index_cast %mul3A_875 : i32 to index
    %get3A_902 = tpu.vector_load %arg7[%get3A_899, %get3A_900, %get3A_901] {strides = array<i32>} : memref<2x2x2000xf32, #tpu.memory_space<vmem>>, vector<1x1x16xf32>,
    %get3A_903 = vector.shape_cast %get3A_902 : vector<1x1x16xf32> to vector<16xf32>
    %mul3A_904 = arith.mulf %get3A_896, %select_n3A_888 : vector<16xf32>
    %sub3A_905 = arith.subf %mul3A_904, %get3A_903 : vector<16xf32>
    %abs3A_906 = math.absf %sub3A_905 : vector<16xf32>
    %min3A_907 = arith.constant 1.000000e+00 : f32
    %min3A_908 = vector.broadcast %min3A_907 : f32 to vector<16xf32>
    %min3A_909 = arith.minimumf %abs3A_906, %min3A_908 : vector<16xf32>
    %add3A_910 = arith.addf %abs3A_906, %abs3A_906 : vector<16xf32>
    %sub3A_911 = arith.subf %add3A_910, %min3A_909 : vector<16xf32>
    %mul3A_912 = arith.mulf %min3A_909, %sub3A_911 : vector<16xf32>
    %add3A_913 = arith.addf %scan3A_871#0, %mul3A_912 : vector<16xf32>
    %get3A_914 = arith.constant 1 : i32
    %get3A_915 = arith.constant 0 : i32
    %get3A_916 = arith.index_cast %get3A_914 : i32 to index
    %get3A_917 = arith.index_cast %get3A_915 : i32 to index
    %get3A_918 = arith.index_cast %mul3A_875 : i32 to index
    %get3A_919 = tpu.vector_load %arg6[%get3A_916, %get3A_917, %get3A_918] {strides = array<i32>} : memref<2x2x2000xf32, #tpu.memory_space<vmem>>, vector<1x1x16xf32>,
    %get3A_920 = vector.shape_cast %get3A_919 : vector<1x1x16xf32> to vector<16xf32>
    %get3A_921 = arith.constant 1 : i32
    %get3A_922 = arith.constant 0 : i32
    %get3A_923 = arith.index_cast %get3A_921 : i32 to index
    %get3A_924 = arith.index_cast %get3A_922 : i32 to index
    %get3A_925 = arith.index_cast %mul3A_875 : i32 to index
    %get3A_926 = tpu.vector_load %arg7[%get3A_923, %get3A_924, %get3A_925] {strides = array<i32>} : memref<2x2x2000xf32, #tpu.memory_space<vmem>>, vector<1x1x16xf32>,
    %get3A_927 = vector.shape_cast %get3A_926 : vector<1x1x16xf32> to vector<16xf32>
    %mul3A_928 = arith.mulf %get3A_920, %select_n3A_888 : vector<16xf32>
    %sub3A_929 = arith.subf %mul3A_928, %get3A_927 : vector<16xf32>
    %abs3A_930 = math.absf %sub3A_929 : vector<16xf32>
    %min3A_931 = arith.constant 1.000000e+00 : f32
    %min3A_932 = vector.broadcast %min3A_931 : f32 to vector<16xf32>
    %min3A_933 = arith.minimumf %abs3A_930, %min3A_932 : vector<16xf32>
    %add3A_934 = arith.addf %abs3A_930, %abs3A_930 : vector<16xf32>
    %sub3A_935 = arith.subf %add3A_934, %min3A_933 : vector<16xf32>
    %mul3A_936 = arith.mulf %min3A_933, %sub3A_935 : vector<16xf32>
    %add3A_937 = arith.addf %scan3A_871#1, %mul3A_936 : vector<16xf32>
    %get3A_938 = arith.constant 1 : i32
    %get3A_939 = arith.index_cast %get3A_938 : i32 to index
    %get3A_940 = arith.index_cast %mul3A_875 : i32 to index
    %get3A_941 = tpu.vector_load %arg8[%get3A_939, %get3A_940] {strides = array<i32>} : memref<2x2000xf32, #tpu.memory_space<vmem>>, vector<1x16xf32>,
    %get3A_942 = vector.shape_cast %get3A_941 : vector<1x16xf32> to vector<16xf32>
    %eq3A_943 = arith.constant 1.000000e+00 : f32
    %eq3A_944 = vector.broadcast %eq3A_943 : f32 to vector<16xf32>
    %eq3A_945 = arith.cmpf oeq, %get3A_942, %eq3A_944 : vector<16xf32>
    %jit3A_946 = arith.constant 1.000000e+00 : f32
    %jit3A_947 = arith.constant 0.000000e+00 : f32
    %broadcast_in_dim3A_948 = vector.broadcast %jit3A_946 : f32 to vector<16xf32>
    %broadcast_in_dim3A_949 = vector.broadcast %jit3A_947 : f32 to vector<16xf32>
    %select_n3A_950 = arith.select %eq3A_945, %broadcast_in_dim3A_948, %broadcast_in_dim3A_949 : vector<16xi1>, vector<16xf32>
    %add3A_951 = arith.addf %add3A_889, %select_n3A_950 : vector<16xf32>
    %get3A_952 = arith.constant 0 : i32
    %get3A_953 = arith.constant 1 : i32
    %get3A_954 = arith.index_cast %get3A_952 : i32 to index
    %get3A_955 = arith.index_cast %get3A_953 : i32 to index
    %get3A_956 = arith.index_cast %mul3A_875 : i32 to index
    %get3A_957 = tpu.vector_load %arg6[%get3A_954, %get3A_955, %get3A_956] {strides = array<i32>} : memref<2x2x2000xf32, #tpu.memory_space<vmem>>, vector<1x1x16xf32>,
    %get3A_958 = vector.shape_cast %get3A_957 : vector<1x1x16xf32> to vector<16xf32>
    %get3A_959 = arith.constant 0 : i32
    %get3A_960 = arith.constant 1 : i32
    %get3A_961 = arith.index_cast %get3A_959 : i32 to index
    %get3A_962 = arith.index_cast %get3A_960 : i32 to index
    %get3A_963 = arith.index_cast %mul3A_875 : i32 to index
    %get3A_964 = tpu.vector_load %arg7[%get3A_961, %get3A_962, %get3A_963] {strides = array<i32>} : memref<2x2x2000xf32, #tpu.memory_space<vmem>>, vector<1x1x16xf32>,
    %get3A_965 = vector.shape_cast %get3A_964 : vector<1x1x16xf32> to vector<16xf32>
    %mul3A_966 = arith.mulf %get3A_958, %select_n3A_950 : vector<16xf32>
    %sub3A_967 = arith.subf %mul3A_966, %get3A_965 : vector<16xf32>
    %abs3A_968 = math.absf %sub3A_967 : vector<16xf32>
    %min3A_969 = arith.constant 1.000000e+00 : f32
    %min3A_970 = vector.broadcast %min3A_969 : f32 to vector<16xf32>
    %min3A_971 = arith.minimumf %abs3A_968, %min3A_970 : vector<16xf32>
    %add3A_972 = arith.addf %abs3A_968, %abs3A_968 : vector<16xf32>
    %sub3A_973 = arith.subf %add3A_972, %min3A_971 : vector<16xf32>
    %mul3A_974 = arith.mulf %min3A_971, %sub3A_973 : vector<16xf32>
    %add3A_975 = arith.addf %scan3A_871#2, %mul3A_974 : vector<16xf32>
    %get3A_976 = arith.constant 1 : i32
    %get3A_977 = arith.constant 1 : i32
    %get3A_978 = arith.index_cast %get3A_976 : i32 to index
    %get3A_979 = arith.index_cast %get3A_977 : i32 to index
    %get3A_980 = arith.index_cast %mul3A_875 : i32 to index
    %get3A_981 = tpu.vector_load %arg6[%get3A_978, %get3A_979, %get3A_980] {strides = array<i32>} : memref<2x2x2000xf32, #tpu.memory_space<vmem>>, vector<1x1x16xf32>,
    %get3A_982 = vector.shape_cast %get3A_981 : vector<1x1x16xf32> to vector<16xf32>
    %get3A_983 = arith.constant 1 : i32
    %get3A_984 = arith.constant 1 : i32
    %get3A_985 = arith.index_cast %get3A_983 : i32 to index
    %get3A_986 = arith.index_cast %get3A_984 : i32 to index
    %get3A_987 = arith.index_cast %mul3A_875 : i32 to index
    %get3A_988 = tpu.vector_load %arg7[%get3A_985, %get3A_986, %get3A_987] {strides = array<i32>} : memref<2x2x2000xf32, #tpu.memory_space<vmem>>, vector<1x1x16xf32>,
    %get3A_989 = vector.shape_cast %get3A_988 : vector<1x1x16xf32> to vector<16xf32>
    %mul3A_990 = arith.mulf %get3A_982, %select_n3A_950 : vector<16xf32>
    %sub3A_991 = arith.subf %mul3A_990, %get3A_989 : vector<16xf32>
    %abs3A_992 = math.absf %sub3A_991 : vector<16xf32>
    %min3A_993 = arith.constant 1.000000e+00 : f32
    %min3A_994 = vector.broadcast %min3A_993 : f32 to vector<16xf32>
    %min3A_995 = arith.minimumf %abs3A_992, %min3A_994 : vector<16xf32>
    %add3A_996 = arith.addf %abs3A_992, %abs3A_992 : vector<16xf32>
    %sub3A_997 = arith.subf %add3A_996, %min3A_995 : vector<16xf32>
    %mul3A_998 = arith.mulf %min3A_995, %sub3A_997 : vector<16xf32>
    %add3A_999 = arith.addf %scan3A_871#3, %mul3A_998 : vector<16xf32>
    %scan3A_1000 = arith.constant 125 : i32
    %add3A_1001 = arith.addf %add3A_913, %add3A_937 : vector<16xf32>
    %add3A_1002 = arith.addf %add3A_975, %add3A_999 : vector<16xf32>
    %add3A_1003 = arith.addf %add3A_1001, %add3A_1002 : vector<16xf32>
    %xor3A = arith.constant 8 : i32
    %xor3A_1004 = vector.broadcast %xor3A : i32 to vector<16xi32>
    %xor3A_1005 = arith.xori %iota3A, %xor3A_1004 : vector<16xi32>
    %broadcast_in_dim3A_1006 = vector.shape_cast %xor3A_1005 : vector<16xi32> to vector<16x1xi32>
    %gather3A = vector.shape_cast %broadcast_in_dim3A_1006 : vector<16x1xi32> to vector<16xi32>
    %gather3A_1007 = tpu.dynamic_gather %add3A_1003[%gather3A] in [0] : vector<16xf32>, vector<16xi32> -> vector<16xf32>
    %add3A_1008 = arith.addf %add3A_1003, %gather3A_1007 : vector<16xf32>
    %xor3A_1009 = arith.constant 4 : i32
    %xor3A_1010 = vector.broadcast %xor3A_1009 : i32 to vector<16xi32>
    %xor3A_1011 = arith.xori %iota3A, %xor3A_1010 : vector<16xi32>
    %broadcast_in_dim3A_1012 = vector.shape_cast %xor3A_1011 : vector<16xi32> to vector<16x1xi32>
    %gather3A_1013 = vector.shape_cast %broadcast_in_dim3A_1012 : vector<16x1xi32> to vector<16xi32>
    %gather3A_1014 = tpu.dynamic_gather %add3A_1008[%gather3A_1013] in [0] : vector<16xf32>, vector<16xi32> -> vector<16xf32>
    %add3A_1015 = arith.addf %add3A_1008, %gather3A_1014 : vector<16xf32>
    %xor3A_1016 = arith.constant 2 : i32
    %xor3A_1017 = vector.broadcast %xor3A_1016 : i32 to vector<16xi32>
    %xor3A_1018 = arith.xori %iota3A, %xor3A_1017 : vector<16xi32>
    %broadcast_in_dim3A_1019 = vector.shape_cast %xor3A_1018 : vector<16xi32> to vector<16x1xi32>
    %gather3A_1020 = vector.shape_cast %broadcast_in_dim3A_1019 : vector<16x1xi32> to vector<16xi32>
    %gather3A_1021 = tpu.dynamic_gather %add3A_1015[%gather3A_1020] in [0] : vector<16xf32>, vector<16xi32> -> vector<16xf32>
    %add3A_1022 = arith.addf %add3A_1015, %gather3A_1021 : vector<16xf32>
    %xor3A_1023 = arith.constant 1 : i32
    %xor3A_1024 = vector.broadcast %xor3A_1023 : i32 to vector<16xi32>
    %xor3A_1025 = arith.xori %iota3A, %xor3A_1024 : vector<16xi32>
    %broadcast_in_dim3A_1026 = vector.shape_cast %xor3A_1025 : vector<16xi32> to vector<16x1xi32>
    %gather3A_1027 = vector.shape_cast %broadcast_in_dim3A_1026 : vector<16x1xi32> to vector<16xi32>
    %gather3A_1028 = tpu.dynamic_gather %add3A_1022[%gather3A_1027] in [0] : vector<16xf32>, vector<16xi32> -> vector<16xf32>
    %add3A_1029 = arith.addf %add3A_1022, %gather3A_1028 : vector<16xf32>
    %xor3A_1030 = arith.constant 8 : i32
    %xor3A_1031 = vector.broadcast %xor3A_1030 : i32 to vector<16xi32>
    %xor3A_1032 = arith.xori %iota3A, %xor3A_1031 : vector<16xi32>
    %broadcast_in_dim3A_1033 = vector.shape_cast %xor3A_1032 : vector<16xi32> to vector<16x1xi32>
    %gather3A_1034 = vector.shape_cast %broadcast_in_dim3A_1033 : vector<16x1xi32> to vector<16xi32>
    %gather3A_1035 = tpu.dynamic_gather %add3A_951[%gather3A_1034] in [0] : vector<16xf32>, vector<16xi32> -> vector<16xf32>
    %add3A_1036 = arith.addf %add3A_951, %gather3A_1035 : vector<16xf32>
    %xor3A_1037 = arith.constant 4 : i32
    %xor3A_1038 = vector.broadcast %xor3A_1037 : i32 to vector<16xi32>
    %xor3A_1039 = arith.xori %iota3A, %xor3A_1038 : vector<16xi32>
    %broadcast_in_dim3A_1040 = vector.shape_cast %xor3A_1039 : vector<16xi32> to vector<16x1xi32>
    %gather3A_1041 = vector.shape_cast %broadcast_in_dim3A_1040 : vector<16x1xi32> to vector<16xi32>
    %gather3A_1042 = tpu.dynamic_gather %add3A_1036[%gather3A_1041] in [0] : vector<16xf32>, vector<16xi32> -> vector<16xf32>
    %add3A_1043 = arith.addf %add3A_1036, %gather3A_1042 : vector<16xf32>
    %xor3A_1044 = arith.constant 2 : i32
    %xor3A_1045 = vector.broadcast %xor3A_1044 : i32 to vector<16xi32>
    %xor3A_1046 = arith.xori %iota3A, %xor3A_1045 : vector<16xi32>
    %broadcast_in_dim3A_1047 = vector.shape_cast %xor3A_1046 : vector<16xi32> to vector<16x1xi32>
    %gather3A_1048 = vector.shape_cast %broadcast_in_dim3A_1047 : vector<16x1xi32> to vector<16xi32>
    %gather3A_1049 = tpu.dynamic_gather %add3A_1043[%gather3A_1048] in [0] : vector<16xf32>, vector<16xi32> -> vector<16xf32>
    %add3A_1050 = arith.addf %add3A_1043, %gather3A_1049 : vector<16xf32>
    %xor3A_1051 = arith.constant 1 : i32
    %xor3A_1052 = vector.broadcast %xor3A_1051 : i32 to vector<16xi32>
    %xor3A_1053 = arith.xori %iota3A, %xor3A_1052 : vector<16xi32>
    %broadcast_in_dim3A_1054 = vector.shape_cast %xor3A_1053 : vector<16xi32> to vector<16x1xi32>
    %gather3A_1055 = vector.shape_cast %broadcast_in_dim3A_1054 : vector<16x1xi32> to vector<16xi32>
    %gather3A_1056 = tpu.dynamic_gather %add3A_1050[%gather3A_1055] in [0] : vector<16xf32>, vector<16xi32> -> vector<16xf32>
    %add3A_1057 = arith.addf %add3A_1050, %gather3A_1056 : vector<16xf32>
    %eq3A_1058 = arith.constant 0 : i32
    %eq3A_1059 = vector.broadcast %eq3A_1058 : i32 to vector<16xi32>
    %eq3A_1060 = arith.cmpi eq, %iota3A, %eq3A_1059 : vector<16xi32>
    %jit3A_1061 = arith.constant 1.000000e+00 : f32
    %jit3A_1062 = arith.constant 0.000000e+00 : f32
    %broadcast_in_dim3A_1063 = vector.broadcast %jit3A_1061 : f32 to vector<16xf32>
    %broadcast_in_dim3A_1064 = vector.broadcast %jit3A_1062 : f32 to vector<16xf32>
    %select_n3A_1065 = arith.select %eq3A_1060, %broadcast_in_dim3A_1063, %broadcast_in_dim3A_1064 : vector<16xi1>, vector<16xf32>
    %eq3A_1066 = arith.constant 1 : i32
    %eq3A_1067 = vector.broadcast %eq3A_1066 : i32 to vector<16xi32>
    %eq3A_1068 = arith.cmpi eq, %iota3A, %eq3A_1067 : vector<16xi32>
    %jit3A_1069 = arith.constant 1.000000e+00 : f32
    %jit3A_1070 = arith.constant 0.000000e+00 : f32
    %broadcast_in_dim3A_1071 = vector.broadcast %jit3A_1069 : f32 to vector<16xf32>
    %broadcast_in_dim3A_1072 = vector.broadcast %jit3A_1070 : f32 to vector<16xf32>
    %select_n3A_1073 = arith.select %eq3A_1068, %broadcast_in_dim3A_1071, %broadcast_in_dim3A_1072 : vector<16xi1>, vector<16xf32>
    %mul3A_1074 = arith.mulf %add3A_1029, %select_n3A_1065 : vector<16xf32>
    %mul3A_1075 = arith.mulf %add3A_1057, %select_n3A_1073 : vector<16xf32>
    %add3A_1076 = arith.addf %mul3A_1074, %mul3A_1075 : vector<16xf32>
    %swap3A = arith.constant 0 : index
    %swap3A_1077 = tpu.vector_load %arg12[%swap3A] {strides = array<i32>} : memref<16xf32, #tpu.memory_space<vmem>>, vector<16xf32>,
    %swap3A_1078 = vector.shape_cast %swap3A_1077 : vector<16xf32> to vector<16xf32>
    %swap3A_1079 = vector.shape_cast %add3A_1076 : vector<16xf32> to vector<16xf32>
    tpu.vector_store %arg12[%swap3A], %swap3A_1079 {strides = array<i32>} : memref<16xf32, #tpu.memory_space<vmem>>, vector<16xf32>,
    "tpu.region"() ({
      %run_scoped3A = tpu.sem_alloc : memref<!tpu.dma_semaphore, #tpu.memory_space<semaphore_mem>>
      %dma_start3A_1080 = arith.constant 0 : i32
      %dma_start3A_1081 = tpu.memref_slice %arg5[%add3A, %dma_start3A_1080] : memref<32x16xf32, #tpu.memory_space<hbm>> -> memref<1x16xf32, #tpu.memory_space<hbm>>
      %dma_start3A_1082 = tpu.memref_squeeze %dma_start3A_1081 : memref<1x16xf32, #tpu.memory_space<hbm>> -> memref<16xf32, #tpu.memory_space<hbm>>
      %dma_start3A_1083 = arith.constant 0 : i32
      %dma_start3A_1084 = tpu.memref_slice %arg5[%add3A, %dma_start3A_1083] : memref<32x16xf32, #tpu.memory_space<hbm>> -> memref<1x16xf32, #tpu.memory_space<hbm>>
      %dma_start3A_1085 = tpu.memref_squeeze %dma_start3A_1084 : memref<1x16xf32, #tpu.memory_space<hbm>> -> memref<16xf32, #tpu.memory_space<hbm>>
      tpu.enqueue_dma source(%arg12 : memref<16xf32, #tpu.memory_space<vmem>>) target(%dma_start3A_1085 : memref<16xf32, #tpu.memory_space<hbm>>) target_semaphore(%run_scoped3A : memref<!tpu.dma_semaphore, #tpu.memory_space<semaphore_mem>>)
      %dma_wait3A_1086 = arith.constant 0 : i32
      %dma_wait3A_1087 = tpu.memref_slice %arg5[%add3A, %dma_wait3A_1086] : memref<32x16xf32, #tpu.memory_space<hbm>> -> memref<1x16xf32, #tpu.memory_space<hbm>>
      %dma_wait3A_1088 = tpu.memref_squeeze %dma_wait3A_1087 : memref<1x16xf32, #tpu.memory_space<hbm>> -> memref<16xf32, #tpu.memory_space<hbm>>
      %dma_wait3A_1089 = arith.constant 0 : i32
      %dma_wait3A_1090 = tpu.memref_slice %arg5[%add3A, %dma_wait3A_1089] : memref<32x16xf32, #tpu.memory_space<hbm>> -> memref<1x16xf32, #tpu.memory_space<hbm>>
      %dma_wait3A_1091 = tpu.memref_squeeze %dma_wait3A_1090 : memref<1x16xf32, #tpu.memory_space<hbm>> -> memref<16xf32, #tpu.memory_space<hbm>>
      tpu.wait_dma2 semaphore(%run_scoped3A : memref<!tpu.dma_semaphore, #tpu.memory_space<semaphore_mem>>) src(%arg12 : memref<16xf32, #tpu.memory_space<vmem>>) dst(%dma_wait3A_1091 : memref<16xf32, #tpu.memory_space<hbm>>)
      tpu.yield
    }) : () -> ()
    return
  }
}

</mosaic_0001>

<sc_bundles>
// kernel: kernel.3.cloned.1.call-start
scs
__scs_entry_jumppad:
0x0: {  	(pc) =	sbr.rel $0x88, $3  }
0x1: {  	(tag) =	ssettag $0x0;
	lr =	simm.s32 $0x1  }
0x2: {  	[smem:$0x3F9E] =	sst lr;
	_ =	strace $0xD0000000  }
0x3: {  	_ = 	snop  }
0x4: {  	_ = 	snop  }
0x5: {  	_ = 	snop  }
0x6: {  	_ = 	snop  }
0x7: {  	_ = 	snop  }
__scs_overlays_trampoline_lowered:
0x8: {  	[smem:$0x3FAD] =	sst s0  }
0x9: {  	[smem:$0x3FAE] =	sst s1  }
0xa: {  	[smem:$0x3FAF] =	sst s2  }
0xb: {  	[smem:$0x3FB0] =	sst s3  }
0xc: {  	[smem:$0x3FB1] =	sst s4  }
0xd: {  	[smem:$0x3FB2] =	sst s5  }
0xe: {  	[smem:$0x3FB3] =	sst s6  }
0xf: {  	[smem:$0x3FB4] =	sst s7  }
0x10: {  	[smem:$0x3FB5] =	sst s8  }
0x11: {  	[smem:$0x3FB6] =	sst s9;
	s0 =	simm.s32 @!p0 $0x0  }
0x12: {  	s1 =	sld [smem:$0x3F9C];
	s0 =	simm.s32 @p0 $0x1  }
0x13: {  	[smem:$0x3FB7] =	sst s0;
	s0 =	simm.s32 @!p1 $0x0  }
0x14: {  	s2 =	sld [smem:$0x3F9B];
	s0 =	simm.s32 @p1 $0x1  }
0x15: {  	[smem:$0x3FB8] =	sst s0;
	s0 =	simm.s32 @!p2 $0x0  }
0x16: {  	s3 =	sld [smem:$0x3FDB];
	s0 =	simm.s32 @p2 $0x1  }
0x17: {  	s4 =	simm.s32 $0x1BF5;
	[smem:$0x3FBA] =	sst s0  }
0x18: {  	s0 =	sld [smem:$0x3F9D];
	_ =	swait.ge [sflag:s4], $0x0  }
0x19: {  	s7 =	sld [smem:$0x3F9E]  }
0x1a: {  	s8 =	sadd.s32 $0xFFFFE003, lr  }
0x1b: {  	s9 =	sadd.s32 $0xFFFFFEF7, lr;
	s5 =	simm.s32 $0xFFFFFFFF;
	p2 =	slt.u32 s8, $0xFFFFF086  }
0x1c: {  	p1 =	slt.u32 s9, $0xF7A;
	s5 =	simm.s32 @!p2 $0x0  }
0x1d: {  	s5 =	simm.s32 @p1 $0x1;
	p0 =	seq.s32 s7, s2  }
0x1e: {  	s7 =	smul.u32 @!p0 $0xF7A, s2;
	p2 =	seq.s32 @!p0 s5, $0x0  }
0x1f: {  	s9 =	smul.u32 $0xF7A, s1;
	s8 =	simm.s32 @!p0 $0x1BF5;
	p2 =	por !p2, p0  }
0x20: {  	[sflag:s8] =	ssyncset.s32 @!p0 $0xFFFFF086;
	s6 =	sadd.s32 @!p0 s3, s7;
	s7 =	simm.s32 @!p0 $0x108  }
0x21: {  	s3 =	sadd.s32 s3, s9;
	s6 =	sadd.s32 @!p0 $0x88, s6;
	s7 =	simm.s32 @p2 $0x1082  }
0x22: {  	[simem:s7], [sflag:s8] =	dma.local @!p0 [hbm:s6], $0xF7A  }
0x23: {  	s9 =	sor.u32 $0xD0000000, s2;
	s6 =	simm.s32 $0x108;
	_ =	swait.ge @!p0 [sflag:s8], $0x0  }
0x24: {  	s3 =	sadd.s32 $0x88, s3;
	s6 =	simm.s32 @!p1 $0x1082;
	[sflag:s4] =	ssyncset.s32 $0xFFFFF086  }
0x25: {  	[simem:s6], [sflag:s4] =	dma.local [hbm:s3], $0xF7A  }
0x26: {  	[smem:$0x3F9E] =	sst s1;
	(tag) =	ssettag s2;
	_ =	strace s9  }
0x27: {  	s1 =	sld [smem:$0x3FAE]  }
0x28: {  	s2 =	sld [smem:$0x3FAF]  }
0x29: {  	s4 =	sld [smem:$0x3FB1]  }
0x2a: {  	p0 =	seq.s32 s5, $0x0;
	s5 =	sld [smem:$0x3FB2]  }
0x2b: {  	s6 =	sld [smem:$0x3FB3]  }
0x2c: {  	s7 =	sld [smem:$0x3FB4]  }
0x2d: {  	s3 =	simm.s32 $0x108;
	s8 =	sld [smem:$0x3FB5]  }
0x2e: {  	s3 =	simm.s32 @!p0 $0x1082;
	s9 =	sld [smem:$0x3FB6]  }
0x2f: {  	lr =	sadd.s32 s0, s3;
	s0 =	sld [smem:$0x3FAD]  }
0x30: {  	s3 =	sld [smem:$0x3FB0]  }
0x31: {  	[smem:$0x3FB9] =	sst s10  }
0x32: {  	s10 =	sld [smem:$0x3FB7];
	_ =	sdelay $0x3  }
0x33: {  	p0 =	seq.s32 s10, $0x1;
	s10 =	sld [smem:$0x3FB9];
	_ =	sdelay $0x3  }
0x34: {  	[smem:$0x3FB9] =	sst s10  }
0x35: {  	s10 =	sld [smem:$0x3FB8];
	_ =	sdelay $0x3  }
0x36: {  	p1 =	seq.s32 s10, $0x1;
	s10 =	sld [smem:$0x3FB9];
	_ =	sdelay $0x3  }
0x37: {  	[smem:$0x3FB9] =	sst s10  }
0x38: {  	s10 =	sld [smem:$0x3FBA]  }
0x39: {  	_ = 	snop;
	(pc) =	sbr.ind lr, $3  }
0x3a: {  	_ = 	snop  }
0x3b: {  	_ = 	snop  }
0x3c: {  	p2 =	seq.s32 s10, $0x1;
	s10 =	sld [smem:$0x3FB9]  }
0x3d: {  	_ =	shalt  }
0x3e: {  	_ =	shalt  }
0x3f: {  	_ =	shalt  }
0x40: {  	_ =	shalt  }
0x41: {  	_ =	shalt  }
0x42: {  	_ =	shalt  }
0x43: {  	_ =	shalt  }
0x44: {  	_ =	shalt  }
0x45: {  	_ =	shalt  }
0x46: {  	_ =	shalt  }
0x47: {  	_ =	shalt  }
0x48: {  	_ =	shalt  }
0x49: {  	_ =	shalt  }
0x4a: {  	_ =	shalt  }
0x4b: {  	_ =	shalt  }
0x4c: {  	_ =	shalt  }
0x4d: {  	_ =	shalt  }
0x4e: {  	_ =	shalt  }
0x4f: {  	_ =	shalt  }
0x50: {  	_ =	shalt  }
0x51: {  	_ =	shalt  }
0x52: {  	_ =	shalt  }
0x53: {  	_ =	shalt  }
0x54: {  	_ =	shalt  }
0x55: {  	_ =	shalt  }
0x56: {  	_ =	shalt  }
0x57: {  	_ =	shalt  }
0x58: {  	_ =	shalt  }
0x59: {  	_ =	shalt  }
0x5a: {  	_ =	shalt  }
0x5b: {  	_ =	shalt  }
0x5c: {  	_ =	shalt  }
0x5d: {  	_ =	shalt  }
0x5e: {  	_ =	shalt  }
0x5f: {  	_ =	shalt  }
0x60: {  	_ =	shalt  }
0x61: {  	_ =	shalt  }
0x62: {  	_ =	shalt  }
0x63: {  	_ =	shalt  }
0x64: {  	_ =	shalt  }
0x65: {  	_ =	shalt  }
0x66: {  	_ =	shalt  }
0x67: {  	_ =	shalt  }
0x68: {  	_ =	shalt  }
0x69: {  	_ =	shalt  }
0x6a: {  	_ =	shalt  }
0x6b: {  	_ =	shalt  }
0x6c: {  	_ =	shalt  }
0x6d: {  	_ =	shalt  }
0x6e: {  	_ =	shalt  }
0x6f: {  	_ =	shalt  }
0x70: {  	_ =	shalt  }
0x71: {  	_ =	shalt  }
0x72: {  	_ =	shalt  }
0x73: {  	_ =	shalt  }
0x74: {  	_ =	shalt  }
0x75: {  	_ =	shalt  }
0x76: {  	_ =	shalt  }
0x77: {  	_ =	shalt  }
0x78: {  	_ =	shalt  }
0x79: {  	_ =	shalt  }
0x7a: {  	_ =	shalt  }
0x7b: {  	_ =	shalt  }
0x7c: {  	_ =	shalt  }
0x7d: {  	_ =	shalt  }
0x7e: {  	_ =	shalt  }
0x7f: {  	_ =	shalt  }
0x80: {  	_ =	shalt  }
0x81: {  	_ =	shalt  }
0x82: {  	_ =	shalt  }
0x83: {  	_ =	shalt  }
0x84: {  	_ =	shalt  }
0x85: {  	_ =	shalt  }
0x86: {  	_ =	shalt  }
0x87: {  	_ =	shalt  }
.Lfunc_end0:
.L_simem_size_0:
called_computation_lowered:
.L_overlay_start_0:
0x88: {  	s2 =	sld [smem:$0x3FD9]  }
0x89: {  	s3 =	sld [smem:$0x3FFE];
	_ =	sdelay $0x1  }
0x8a: {  	s1 =	srdreg.scid  }
0x8b: {  	s0 =	sand.u32 $0x1, s1  }
0x8c: {  	s17 =	sshll.u32 s0, $0xA;
	s2 =	sadd.s32 s3, s2  }
0x8d: {  	s2 =	sadd.s32 s2, s17  }
0x8e: {  	[smem:$0x3FC5] =	sst s2  }
0x8f: {  	_ = 	snop  }
0x90: {  	s2 =	sld [smem:$0x3FC9]  }
0x91: {  	s18 =	sld [smem:$0x3FC8]  }
0x92: {  	s4 =	sld [smem:$0x3FC7];
	(tm) =	ssettm $0x1  }
0x93: {  	s5 =	sld [smem:$0x3FFB];
	_ =	sdelay $0x3  }
0x94: {  	_ =	strace s5  }
0x95: {  	s5 =	sld [smem:$0x3FFC];
	_ =	sdelay $0x3  }
0x96: {  	_ =	strace s5  }
0x97: {  	s5 =	sld [smem:$0x3FFD];
	_ =	sdelay $0x3  }
0x98: {  	_ =	strace s5  }
0x99: {  	_ =	strace $0x8FFFFFFF  }
0x9a: {  	s19 =	sld [smem:$0x3FDB];
	_ =	sdelay $0x1  }
0x9b: {  	s6 =	simm.s32 $_scs_section_size  }
0x9c: {  	s7 =	simm.s32 $_size__tile_overlayer_lowered;
	s8 =	simm.s32 $_tile_overlayer_lowered  }
0x9d: {  	s22 =	simm.s32 $0x1BFF;
	s21 =	sshll.u32 s8, $0x1;
	s5 =	sadd.s32 s6, s19  }
0x9e: {  	s9 =	simm.s32 $0x0;
	s20 =	sshll.u32 s7, $0x1;
	s7 =	sadd.s32 s21, s5  }
0x9f: {  	[timem:s9], [sflag:s22] =	dma.local [hbm:s7], s20  }
0xa0: {  	_ =	swait.ge [sflag:s22], s20  }
0xa1: {  	s6 =	ssub.s32 $0x0, s20;
	[sflag:s22] =	ssyncset.done $0x0  }
0xa2: {  	[sflag:s22] =	ssyncadd.s32 s6;
	_ =	sdelay $0x1  }
0xa3: {  	s23 =	simm.s32 $0x1B8B  }
0xa4: {  	_ =	swait.ge [sflag:s23], $0x1  }
0xa5: {  	[sflag:s23] =	ssyncset.done $0x0  }
0xa6: {  	s25 =	simm.s32 $0x1B8E;
	s24 =	sld [smem:$0x3FFE];
	[sflag:s23] =	ssyncadd.s32 $0xFFFFFFFF  }
0xa7: {  	s26 =	simm.s32 $execute0_lowered;
	[smem:$0x3FD2] =	sst s25  }
0xa8: {  	s7 =	sshll.u32 s26, $0x1;
	_ =	strace $0x80000046;
	[dreg:$0x1] =	wrdreg $0xFFFFFFFF  }
0xa9: {  	s28 =	simm.s32 $_size_execute0_lowered;
	s5 =	sadd.s32 s5, s7;
	[dreg:$0x0] =	wrdreg $0x0  }
0xaa: {  	s7 =	sshll.u32 s28, $0x1;
	[dreg:$0x2] =	wrdreg s5  }
0xab: {  	[dreg:$0x3] =	wrdreg s7  }
0xac: {  	[dreg:$0x4] =	wrdreg $0xC0  }
0xad: {  	_ =	task [dreg:s9], $0x5FFFF  }
0xae: {  	[dreg:$0x1] =	wrdreg $0xFFFFFFFF  }
0xaf: {  	[dreg:$0x0] =	wrdreg $0x60  }
0xb0: {  	[dreg:$0x2] =	wrdreg s2  }
0xb1: {  	[dreg:$0x3] =	wrdreg s18  }
0xb2: {  	[dreg:$0x4] =	wrdreg s4  }
0xb3: {  	[dreg:$0x5] =	wrdreg s24  }
0xb4: {  	[dreg:$0x6] =	wrdreg $0x9  }
0xb5: {  	_ =	task.clear_ibuf [dreg:s9], $0x7FFFF;
	_ =	strace $0x90000046  }
0xb6: {  	s29 =	simm.s32 $0x9;
	_ =	strace $0x80000048  }
0xb7: {  	_ =	swait.ge [sflag:s29], $0x1  }
0xb8: {  	[sflag:s29] =	ssyncadd.s32 $0xFFFFFFFF  }
0xb9: {  	_ =	strace $0x90000048  }
0xba: {  	_ =	sfence  }
0xbb: {  	s30 =	sld [smem:$0x0];
	_ =	sdelay $0x2  }
0xbc: {  	s31 =	sshll.u32 s1, $0xD;
	s1 =	sshrl.u32 s1, $0x2  }
0xbd: {  	s3 =	sand.u32 $0x4000, s31;
	s1 =	sadd.s32 s1, s30  }
0xbe: {  	s0 =	sor.u32 s3, s0;
	s1 =	sshll.u32 s1, $0x11  }
0xbf: {  	s0 =	sor.u32 s1, s0  }
0xc0: {  	s0 =	sadd.s32 $0x8F2B, s0  }
0xc1: {  	[sflag:s0] =	ssyncadd.remote.s32 $0x1  }
0xc2: {  	_ =	sfence.sel $0xFFFF  }
0xc3: {  	[dreg:$0x0] =	wrdreg $0xFFFFFFFF;
	(pc) =	sbr.abs _section_cstart, $3  }
0xc4: {  	[dreg:$0x1] =	wrdreg $0xFFFFFFFF  }
0xc5: {  	_ =	task.clear_ibuf [dreg:s9], $0x2FFFF;
	_ =	strace $0x9FFFFFFF  }
0xc6: {  	(tm) =	ssettm $0x7FFFFFFF  }
0xc7: {  	_ =	shalt  }
tec
execute0_lowered:
.L_overlay_start_1:
0x0: {  	(tag) =	ssettag $0x1  }
0x1: {  	s15 =	rddreg [dreg:$0x0]  }
0x2: {  	s1 =	rddreg [dreg:$0x1]  }
0x3: {  	s4 =	rddreg [dreg:$0x2];
	s2 =	srdreg.scid  }
0x4: {  	s8 =	stileid.u32;
	s0 =	rddreg [dreg:$0x3];
	s29 =	simm.s32 $0x3  }
0x5: {  	s30 =	simm.s32 $0x0;
	s3 =	sand.u32 $0x1, s2;
	s5 =	sshll.u32 s8, $0x1  }
0x6: {  	s2 =	simm.s32 $0x0;
	s23 =	sshll.u32 s8, $0x9;
	s17 =	sadd.s32 $0x200, s4  }
0x7: {  	s18 =	sor.u32 s3, s5;
	[smem:$0x7FF] =	sst s2;
	s3 =	ssub.s32 $0x2, s3  }
0x8: {  	s5 =	sshll.u32 s18, $0xA;
	_ =	strace $0x80000047;
	s6 =	sshrl.u32 s3, $0x1  }
0x9: {  	s7 =	sor.u32 $0x20, s18;
	s10 =	sor.u32 $0x40, s18;
	s14 =	sor.u32 $0x60, s18  }
0xa: {  	s16 =	sor.u32 $0x80, s18;
	s31 =	sshll.u32 s18, $0x4;
	s5 =	sadd.s32 $0x800, s5  }
0xb: {  	s19 =	ssub.s32 s3, s6;
	s24 =	sshll.u32 s7, $0xA;
	s9 =	sshll.u32 s7, $0x8  }
0xc: {  	v0 =	vimm.s32 $0x76543210;
	s26 =	sshll.u32 s10, $0xA;
	s12 =	sshll.u32 s10, $0x8;
	s13 =	sshll.u32 s14, $0xA  }
0xd: {  	v1 =	vimm.s32 $0xFEDCBA98;
	v2 =	vimm.s32 $0xBA98FEDC;
	s14 =	sshll.u32 s14, $0x8;
	s20 =	sshll.u32 s16, $0xA;
	s16 =	sshll.u32 s16, $0x8  }
0xe: {  	v3 =	vimm.s32 $0x32107654;
	v4 =	vimm.s32 $0xDCFE98BA;
	v5 =	vimm.s32 $0x54761032;
	s18 =	sadd.s32 s0, s31;
	s22 =	sadd.s32 s15, s5;
	s4 =	sadd.s32 s1, s5  }
0xf: {  	v6 =	vimm.s32 $0xEFCDAB89;
	v7 =	vimm.s32 $0x67452301;
	s5 =	sadd.s32 s23, s17;
	s8 =	sadd.s32 $0x800, s24;
	s25 =	sand.u32 $0x3E00, s9  }
0x10: {  	v0 =	vunpack.c.l.s4.s8 v0;
	v1 =	vunpack.c.l.s4.s8 v1;
	v2 =	vunpack.c.l.s4.s8 v2;
	s11 =	sadd.s32 $0x800, s26;
	s28 =	sand.u32 $0x5E00, s12;
	s13 =	sadd.s32 $0x800, s13  }
0x11: {  	v3 =	vunpack.c.l.s4.s8 v3;
	v4 =	vunpack.c.l.s4.s8 v4;
	v5 =	vunpack.c.l.s4.s8 v5;
	s14 =	sand.u32 $0x7E00, s14;
	s20 =	sadd.s32 $0x800, s20;
	s21 =	sand.u32 $0x9E00, s16  }
0x12: {  	v6 =	vunpack.c.l.s4.s8 v6;
	v7 =	vunpack.c.l.s4.s8 v7;
	v2 =	vunpack.c.0.s8.s32 v2;
	s19 =	smax.u32 s19, $0x1;
	s23 =	simm.s32 $0x7000;
	s24 =	simm.s32 $0x9000  }
0x13: {  	v3 =	vunpack.c.0.s8.s32 v3;
	v4 =	vunpack.c.0.s8.s32 v4;
	v5 =	vunpack.c.0.s8.s32 v5;
	s26 =	simm.s32 $0x2;
	[dreg:$0x5] =	wrdreg s22;
	s6 =	sadd.s32 s15, s8  }
0x14: {  	v1 =	vunpack.c.0.s8.s32 v1;
	v6 =	vunpack.c.0.s8.s32 v6;
	v7 =	vunpack.c.0.s8.s32 v7;
	s7 =	sadd.s32 s1, s8;
	s8 =	sadd.s32 s25, s17;
	s9 =	sadd.s32 s15, s11  }
0x15: {  	v2 =	vcombine.low v3, v2;
	v3 =	vcombine.low v5, v4;
	v4 =	vunpack.c.0.s8.s32 v0;
	s10 =	sadd.s32 s1, s11;
	s11 =	sadd.s32 s28, s17;
	s12 =	sadd.s32 s15, s13  }
0x16: {  	vm0 =	vcmask $0x300;
	v5 =	vcombine.low v7, v6;
	v1 =	vand.u32 $0xF, v1;
	s13 =	sadd.s32 s1, s13;
	s14 =	sadd.s32 s14, s17;
	s15 =	sadd.s32 s15, s20  }
0x17: {  	vm1 =	vcmask $0x704;
	v0 =	vimm.f32 $0.0e+00;
	s16 =	sadd.s32 s1, s20;
	s17 =	sadd.s32 s21, s17;
	s20 =	simm.s32 $0x2000;
	v1 =	vcombine.low v1, v4  }
0x18: {  	s21 =	simm.s32 $0x4000;
	s22 =	simm.s32 $0x5000;
	s25 =	simm.s32 $0x1;
	v2 =	vand.u32 $0xF, v2;
	v3 =	vand.u32 $0xF, v3;
	v4 =	vand.u32 $0xF, v5  }
.LBB2_1:
0x19: {  	s0 =	rddreg [dreg:$0x5]  }
0x1a: {  	[tilespmem:s2], [sflag:$0x1] =	stream.linear.gather [hbm4b:s0+s2], $0x2000, $0x38;
	[tilespmem:$0xA080] =	vst v63  }
0x1b: {  	_ = 	snop  }
0x1c: {  	[tilespmem:s20], [sflag:$0x1] =	stream.linear.gather [hbm4b:s4+s2], $0x2000, $0x38;
	[tilespmem:$0xA080] =	vst v63  }
0x1d: {  	_ = 	snop  }
0x1e: {  	[tilespmem:s21], [sflag:$0x1] =	stream.linear.gather [hbm4b:s5+s2], $0x1000, $0x38;
	[tilespmem:$0xA080] =	vst v63  }
0x1f: {  	_ = 	snop  }
0x20: {  	[tilespmem:s22], [sflag:$0x2] =	stream.linear.gather [hbm4b:s6+s2], $0x2000, $0x38;
	[tilespmem:$0xA080] =	vst v63  }
0x21: {  	_ = 	snop  }
0x22: {  	[tilespmem:s23], [sflag:$0x2] =	stream.linear.gather [hbm4b:s7+s2], $0x2000, $0x38;
	[tilespmem:$0xA080] =	vst v63  }
0x23: {  	_ = 	snop  }
0x24: {  	[tilespmem:s24], [sflag:$0x2] =	stream.linear.gather [hbm4b:s8+s2], $0x1000, $0x38;
	[tilespmem:$0xA080] =	vst v63  }
0x25: {  	_ =	swait.ge [sflag:s25], $0x2000  }
0x26: {  	[sflag:s25] =	ssyncset.done $0x0  }
0x27: {  	[sflag:s25] =	ssyncadd.s32 $0xFFFFE000  }
0x28: {  	_ =	swait.ge [sflag:s25], $0x2000  }
0x29: {  	[sflag:s25] =	ssyncset.done $0x0  }
0x2a: {  	[sflag:s25] =	ssyncadd.s32 $0xFFFFE000  }
0x2b: {  	_ =	swait.ge [sflag:s25], $0x1000  }
0x2c: {  	s28 =	sand.u32 $0x60, s2;
	s1 =	sand.u32 $0xF00, s2;
	[sflag:s25] =	ssyncset.done $0x0  }
0x2d: {  	s0 =	sor.u32 s28, s1;
	[sflag:s25] =	ssyncadd.s32 $0xFFFFF000  }
0x2e: {  	v7 =	vld [tilespmem:s0+$0x2010]  }
0x2f: {  	v9 =	vld [tilespmem:s0+$0x2090]  }
0x30: {  	v10 =	vld [tilespmem:s0+$0x3090]  }
0x31: {  	v5 =	vld [tilespmem:s0+$0x10]  }
0x32: {  	v11 =	vld [tilespmem:s0+$0x1010]  }
0x33: {  	v14 =	vld [tilespmem:s0+$0x90]  }
0x34: {  	v6 =	vld [tilespmem:s0+$0x4010]  }
0x35: {  	v12 =	vld [tilespmem:s0+$0x4090]  }
0x36: {  	v15 =	vld [tilespmem:s0+$0x4000]  }
0x37: {  	v16 =	vld [tilespmem:s0+$0x4080]  }
0x38: {  	v17 =	vld [tilespmem:s0+$0x1090]  }
0x39: {  	v18 =	vld [tilespmem:s0+$0x0]  }
0x3a: {  	v19 =	vld [tilespmem:s0+$0x1000];
	vm2 =	veq.f32 v6, $1.000000000e+00  }
0x3b: {  	v20 =	vld [tilespmem:s0+$0x80];
	v6 =	vsel vm2, $0x3F800000, v0  }
0x3c: {  	v24 =	vld [tilespmem:s0+$0x3000];
	vm3 =	veq.f32 v12, $1.000000000e+00;
	vm2 =	veq.f32 v15, $1.000000000e+00;
	v15 =	vmul.f32 v6, v5  }
0x3d: {  	v8 =	vld [tilespmem:s0+$0x3010];
	v5 =	vsel vm3, $0x3F800000, v0;
	v23 =	vmul.f32 v11, v6;
	v12 =	vsel vm2, $0x3F800000, v0  }
0x3e: {  	v22 =	vld [tilespmem:s0+$0x1080];
	vm2 =	veq.f32 v16, $1.000000000e+00;
	v14 =	vmul.f32 v5, v14;
	v17 =	vmul.f32 v17, v5  }
0x3f: {  	v13 =	vld [tilespmem:s0+$0x2000];
	v25 =	vmul.f32 v12, v18;
	v19 =	vmul.f32 v19, v12;
	v18 =	vsub.f32 v15, v7  }
0x40: {  	v11 =	vsel vm2, $0x3F800000, v0;
	v15 =	vsub.f32 v14, v9;
	v14 =	vsub.f32 v17, v10;
	v17 =	vld [tilespmem:s0+$0x2080]  }
0x41: {  	v21 =	vmul.f32 v11, v20;
	v20 =	vsub.f32 v19, v24;
	v19 =	vld [tilespmem:s0+$0x3080];
	_ =	sdelay $0x1  }
0x42: {  	v16 =	vsub.f32 v23, v8;
	v22 =	vmul.f32 v22, v11  }
0x43: {  	v8 =	vimm.f32 $0.0e+00;
	v7 =	vimm.f32 $0.0e+00;
	v23 =	vsub.f32 v25, v13  }
0x44: {  	s31 =	simm.s32 $0x0;
	s1 =	simm.s32 $0x40;
	v13 =	vimm.f32 $0.0e+00;
	v10 =	vimm.f32 $0.0e+00;
	s0 =	simm.s32 $0x20;
	v9 =	vimm.f32 $0.0e+00  }
.LBB2_2:
0x45: {  	s28 =	sand.u32 $0x60, s0;
	s3 =	sand.u32 $0xF00, s1;
	v17 =	vsub.f32 v21, v17;
	v19 =	vsub.f32 v22, v19  }
0x46: {  	v18 =	vand.u32 $0x7FFFFFFF, v18;
	v16 =	vand.u32 $0x7FFFFFFF, v16;
	v15 =	vand.u32 $0x7FFFFFFF, v15;
	s28 =	sor.u32 s28, s3  }
0x47: {  	v14 =	vand.u32 $0x7FFFFFFF, v14;
	v21 =	vand.u32 $0x7FFFFFFF, v23;
	v20 =	vand.u32 $0x7FFFFFFF, v20;
	v22 =	vld [tilespmem:s28+$0x2010]  }
0x48: {  	v24 =	vmin.f32 v18, $1.000000000e+00;
	v17 =	vand.u32 $0x7FFFFFFF, v17;
	v19 =	vand.u32 $0x7FFFFFFF, v19;
	v23 =	vld [tilespmem:s28+$0x3010]  }
0x49: {  	v18 =	vadd.f32 v18, v18;
	v26 =	vmin.f32 v16, $1.000000000e+00;
	v27 =	vmin.f32 v15, $1.000000000e+00;
	v25 =	vld [tilespmem:s28+$0x2090]  }
0x4a: {  	v16 =	vadd.f32 v16, v16;
	v15 =	vadd.f32 v15, v15;
	v29 =	vmin.f32 v14, $1.000000000e+00;
	v28 =	vld [tilespmem:s28+$0x3090]  }
0x4b: {  	v14 =	vadd.f32 v14, v14;
	v31 =	vmin.f32 v21, $1.000000000e+00;
	v21 =	vadd.f32 v21, v21;
	v30 =	vld [tilespmem:s28+$0x2000]  }
0x4c: {  	v33 =	vmin.f32 v20, $1.000000000e+00;
	v20 =	vadd.f32 v20, v20;
	v34 =	vadd.f32 v17, v17;
	v32 =	vld [tilespmem:s28+$0x3000]  }
0x4d: {  	v17 =	vmin.f32 v17, $1.000000000e+00;
	v36 =	vadd.f32 v19, v19;
	v21 =	vsub.f32 v21, v31;
	v35 =	vld [tilespmem:s28+$0x10]  }
0x4e: {  	v19 =	vmin.f32 v19, $1.000000000e+00;
	v18 =	vsub.f32 v18, v24;
	v16 =	vsub.f32 v16, v26;
	v37 =	vld [tilespmem:s28+$0x1010]  }
0x4f: {  	v15 =	vsub.f32 v15, v27;
	v20 =	vsub.f32 v20, v33;
	v21 =	vmul.f32 v21, v31;
	v38 =	vld [tilespmem:s28+$0x90]  }
0x50: {  	v34 =	vsub.f32 v34, v17;
	v36 =	vsub.f32 v36, v19;
	v18 =	vmul.f32 v18, v24;
	v31 =	vld [tilespmem:s28+$0x4010]  }
0x51: {  	v12 =	vadd.f32 v12, v13;
	v13 =	vmul.f32 v16, v26;
	v10 =	vadd.f32 v21, v10;
	v24 =	vld [tilespmem:s28+$0x4090]  }
0x52: {  	v14 =	vsub.f32 v14, v29;
	v20 =	vmul.f32 v20, v33;
	v17 =	vmul.f32 v34, v17;
	v16 =	vld [tilespmem:s28+$0x4000]  }
0x53: {  	v11 =	vadd.f32 v11, v12;
	v12 =	vmul.f32 v36, v19;
	v10 =	vadd.f32 v18, v10;
	v21 =	vld [tilespmem:s28+$0x4080]  }
0x54: {  	v15 =	vmul.f32 v15, v27;
	v8 =	vadd.f32 v20, v8;
	v9 =	vadd.f32 v17, v9;
	v18 =	vld [tilespmem:s28+$0x1090]  }
0x55: {  	v6 =	vadd.f32 v6, v11;
	v11 =	vmul.f32 v14, v29;
	v7 =	vadd.f32 v12, v7;
	v20 =	vld [tilespmem:s28+$0x0]  }
0x56: {  	v8 =	vadd.f32 v13, v8;
	v9 =	vadd.f32 v15, v9;
	vm2 =	veq.f32 v31, $1.000000000e+00;
	v14 =	vld [tilespmem:s28+$0x1000]  }
0x57: {  	v13 =	vadd.f32 v5, v6;
	v7 =	vadd.f32 v11, v7;
	vm3 =	veq.f32 v24, $1.000000000e+00;
	v15 =	vld [tilespmem:s28+$0x80]  }
0x58: {  	s31 =	sadd.s32 $0x2, s31;
	v6 =	vsel vm2, $0x3F800000, v0;
	vm4 =	veq.f32 v16, $1.000000000e+00;
	vm5 =	veq.f32 v21, $1.000000000e+00;
	v24 =	vld [tilespmem:s28+$0x1080]  }
0x59: {  	p0 =	slt.u32 s31, $0x7A;
	v16 =	vmul.f32 v6, v35;
	v26 =	vmul.f32 v37, v6;
	v5 =	vsel vm3, $0x3F800000, v0;
	v17 =	vld [tilespmem:s28+$0x2080]  }
.Ltmp0:
0x5a: {  	v12 =	vsel vm4, $0x3F800000, v0;
	v27 =	vmul.f32 v5, v38;
	v29 =	vmul.f32 v18, v5;
	v19 =	vld [tilespmem:s28+$0x3080];
	(pc) =	sbr.rel @p0 .LBB2_2-.Ltmp0, $4  }
0x5b: {  	v11 =	vsel vm5, $0x3F800000, v0;
	v20 =	vmul.f32 v12, v20;
	v31 =	vmul.f32 v14, v12  }
0x5c: {  	v18 =	vsub.f32 v16, v22;
	v16 =	vsub.f32 v26, v23;
	v21 =	vmul.f32 v11, v15  }
0x5d: {  	v14 =	vsub.f32 v29, v28;
	v15 =	vsub.f32 v27, v25;
	v22 =	vmul.f32 v24, v11  }
0x5e: {  	s1 =	sadd.s32 $0x40, s1;
	s0 =	sadd.s32 $0x20, s0;
	v23 =	vsub.f32 v20, v30;
	v20 =	vsub.f32 v31, v32  }
0x5f: {  	v24 =	vld [tilespmem:$0x4F40]  }
0x60: {  	v25 =	vld [tilespmem:$0xF40]  }
0x61: {  	v26 =	vld [tilespmem:$0x2F40]  }
0x62: {  	v27 =	vld [tilespmem:$0x1F40]  }
0x63: {  	v28 =	vld [tilespmem:$0x3F40]  }
0x64: {  	v29 =	vld [tilespmem:$0x4FC0];
	v17 =	vsub.f32 v21, v17  }
0x65: {  	v30 =	vld [tilespmem:$0xFC0];
	v19 =	vsub.f32 v22, v19;
	v18 =	vand.u32 $0x7FFFFFFF, v18;
	v16 =	vand.u32 $0x7FFFFFFF, v16  }
0x66: {  	v31 =	vld [tilespmem:$0x2FC0];
	v12 =	vadd.f32 v12, v13;
	v15 =	vand.u32 $0x7FFFFFFF, v15;
	v14 =	vand.u32 $0x7FFFFFFF, v14  }
0x67: {  	v33 =	vld [tilespmem:$0x1FC0];
	s0 =	simm.s32 $0x0;
	v23 =	vand.u32 $0x7FFFFFFF, v23;
	v20 =	vand.u32 $0x7FFFFFFF, v20;
	v49 =	vadd.f32 v18, v18  }
0x68: {  	v18 =	vmin.f32 v18, $1.000000000e+00;
	v32 =	vadd.f32 v23, v23;
	v21 =	vmin.f32 v23, $1.000000000e+00;
	v23 =	vld [tilespmem:$0x3FC0];
	[tilespmem:s0], [sflag:$0x1] =	stream.linear.gather [hbm4b:s9+s0], $0x2000, $0x38  }
0x69: {  	v17 =	vand.u32 $0x7FFFFFFF, v17;
	v13 =	vmin.f32 v20, $1.000000000e+00;
	v20 =	vadd.f32 v20, v20  }
0x6a: {  	v19 =	vand.u32 $0x7FFFFFFF, v19;
	v11 =	vadd.f32 v11, v12;
	v12 =	vadd.f32 v14, v14;
	[tilespmem:s20], [sflag:$0x1] =	stream.linear.gather [hbm4b:s10+s0], $0x2000, $0x38;
	[tilespmem:$0xA080] =	vst v63  }
0x6b: {  	v14 =	vmin.f32 v14, $1.000000000e+00;
	v50 =	vadd.f32 v17, v17;
	v22 =	vsub.f32 v32, v21  }
0x6c: {  	v17 =	vmin.f32 v17, $1.000000000e+00;
	v32 =	vsub.f32 v49, v18;
	v20 =	vsub.f32 v20, v13;
	[tilespmem:s21], [sflag:$0x1] =	stream.linear.gather [hbm4b:s11+s0], $0x1000, $0x38;
	[tilespmem:$0xA080] =	vst v63  }
0x6d: {  	v12 =	vsub.f32 v12, v14;
	v6 =	vadd.f32 v6, v11;
	vm2 =	veq.f32 v24, $1.000000000e+00;
	_ =	swait.ge [sflag:s26], $0x2000  }
0x6e: {  	v21 =	vmul.f32 v22, v21;
	v22 =	vmin.f32 v16, $1.000000000e+00;
	v16 =	vadd.f32 v16, v16;
	[sflag:s26] =	ssyncset.done $0x0  }
0x6f: {  	v18 =	vmul.f32 v32, v18;
	v13 =	vmul.f32 v20, v13;
	v20 =	vadd.f32 v15, v15;
	[sflag:s26] =	ssyncadd.s32 $0xFFFFE000  }
0x70: {  	v15 =	vmin.f32 v15, $1.000000000e+00;
	v10 =	vadd.f32 v21, v10;
	v21 =	vsub.f32 v50, v17;
	_ =	swait.ge [sflag:s26], $0x2000  }
0x71: {  	v12 =	vmul.f32 v12, v14;
	v5 =	vadd.f32 v5, v6;
	v16 =	vsub.f32 v16, v22;
	[sflag:s26] =	ssyncset.done $0x0  }
0x72: {  	v20 =	vsub.f32 v20, v15;
	v8 =	vadd.f32 v13, v8;
	v17 =	vmul.f32 v21, v17;
	[sflag:s26] =	ssyncadd.s32 $0xFFFFE000  }
0x73: {  	v21 =	vadd.f32 v19, v19;
	v10 =	vadd.f32 v18, v10;
	v18 =	vsel vm2, $0x3F800000, v0;
	_ =	swait.ge [sflag:s26], $0x1000  }
0x74: {  	s1 =	sand.u32 $0x60, s0;
	s0 =	sand.u32 $0xF00, s0;
	v16 =	vmul.f32 v16, v22;
	v19 =	vmin.f32 v19, $1.000000000e+00;
	v13 =	vmul.f32 v18, v25;
	[sflag:s26] =	ssyncset.done $0x0  }
0x75: {  	s0 =	sor.u32 s1, s0;
	v15 =	vmul.f32 v20, v15;
	v21 =	vsub.f32 v21, v19;
	v9 =	vadd.f32 v17, v9;
	[sflag:s26] =	ssyncadd.s32 $0xFFFFF000  }
0x76: {  	vm2 =	veq.f32 v29, $1.000000000e+00;
	v11 =	vsub.f32 v13, v26;
	v13 =	vmul.f32 v27, v18;
	v17 =	vld [tilespmem:s0+$0x7010]  }
0x77: {  	v19 =	vmul.f32 v21, v19;
	v9 =	vadd.f32 v15, v9;
	v15 =	vsel vm2, $0x3F800000, v0;
	v20 =	vld [tilespmem:s0+$0x8010]  }
0x78: {  	v8 =	vadd.f32 v16, v8;
	v11 =	vand.u32 $0x7FFFFFFF, v11;
	v16 =	vmul.f32 v15, v30;
	v22 =	vld [tilespmem:s0+$0x7090]  }
0x79: {  	v13 =	vsub.f32 v13, v28;
	v7 =	vadd.f32 v19, v7;
	v51 =	vld [tilespmem:s0+$0x8090];
	v19 =	vmul.f32 v33, v15  }
0x7a: {  	v5 =	vadd.f32 v18, v5;
	v14 =	vadd.f32 v11, v11;
	v21 =	vld [tilespmem:s0+$0x5010];
	v11 =	vmin.f32 v11, $1.000000000e+00  }
0x7b: {  	v54 =	vld [tilespmem:s0+$0x9010];
	v16 =	vsub.f32 v16, v31;
	v13 =	vand.u32 $0x7FFFFFFF, v13;
	v19 =	vsub.f32 v19, v23  }
0x7c: {  	v57 =	vld [tilespmem:s0+$0x9090];
	v6 =	vsub.f32 v14, v11;
	v53 =	vadd.f32 v13, v13  }
0x7d: {  	v58 =	vld [tilespmem:s0+$0x9000];
	v13 =	vmin.f32 v13, $1.000000000e+00;
	v7 =	vadd.f32 v12, v7;
	v16 =	vand.u32 $0x7FFFFFFF, v16  }
0x7e: {  	v60 =	vld [tilespmem:s0+$0x9080];
	v19 =	vand.u32 $0x7FFFFFFF, v19;
	v55 =	vadd.f32 v16, v16;
	v26 =	vsub.f32 v53, v13  }
0x7f: {  	v14 =	vld [tilespmem:s0+$0x5090];
	v16 =	vmin.f32 v16, $1.000000000e+00;
	v6 =	vmul.f32 v6, v11;
	v56 =	vadd.f32 v19, v19  }
0x80: {  	v18 =	vld [tilespmem:s0+$0x6090];
	v19 =	vmin.f32 v19, $1.000000000e+00;
	v11 =	vsub.f32 v55, v16;
	v12 =	vmul.f32 v26, v13  }
0x81: {  	v23 =	vld [tilespmem:s0+$0x6010];
	vm2 =	veq.f32 v54, $1.000000000e+00;
	vm3 =	veq.f32 v57, $1.000000000e+00;
	v59 =	vsub.f32 v56, v19  }
0x82: {  	v10 =	vadd.f32 v6, v10;
	v13 =	vmul.f32 v11, v16;
	v6 =	vadd.f32 v12, v8;
	v12 =	vld [tilespmem:s0+$0x6000]  }
0x83: {  	v11 =	vadd.f32 v15, v5;
	v5 =	vsel vm3, $0x3F800000, v0;
	v16 =	vmul.f32 v59, v19;
	v19 =	vld [tilespmem:s0+$0x5000]  }
0x84: {  	vm4 =	veq.f32 v58, $1.000000000e+00;
	v15 =	vld [tilespmem:s0+$0x5080];
	v14 =	vmul.f32 v5, v14;
	v8 =	vadd.f32 v13, v9  }
0x85: {  	v52 =	vld [tilespmem:s0+$0x7000];
	v9 =	vsel vm2, $0x3F800000, v0;
	v13 =	vsel vm4, $0x3F800000, v0;
	vm2 =	veq.f32 v60, $1.000000000e+00  }
0x86: {  	v61 =	vld [tilespmem:s0+$0x8000];
	v7 =	vadd.f32 v16, v7;
	v16 =	vmul.f32 v9, v21;
	v21 =	vmul.f32 v23, v9  }
0x87: {  	v62 =	vld [tilespmem:s0+$0x6080];
	v18 =	vmul.f32 v18, v5;
	v63 =	vmul.f32 v12, v13;
	v12 =	vsel vm2, $0x3F800000, v0  }
0x88: {  	v23 =	vmul.f32 v13, v19;
	v19 =	vsub.f32 v16, v17;
	v17 =	vsub.f32 v21, v20;
	v16 =	vld [tilespmem:s0+$0x7080]  }
0x89: {  	v21 =	vmul.f32 v12, v15;
	v15 =	vsub.f32 v14, v22;
	v14 =	vsub.f32 v18, v51;
	v18 =	vld [tilespmem:s0+$0x8080];
	_ =	sdelay $0x2  }
0x8a: {  	v22 =	vmul.f32 v62, v12  }
0x8b: {  	s31 =	simm.s32 $0x0;
	s1 =	simm.s32 $0x20;
	s0 =	simm.s32 $0x40;
	v20 =	vsub.f32 v63, v61;
	v23 =	vsub.f32 v23, v52  }
.LBB2_4:
0x8c: {  	s3 =	sand.u32 $0x60, s1;
	s28 =	sand.u32 $0xF00, s0;
	v16 =	vsub.f32 v21, v16;
	v18 =	vsub.f32 v22, v18  }
0x8d: {  	v19 =	vand.u32 $0x7FFFFFFF, v19;
	v17 =	vand.u32 $0x7FFFFFFF, v17;
	v15 =	vand.u32 $0x7FFFFFFF, v15;
	s28 =	sor.u32 s3, s28  }
0x8e: {  	v14 =	vand.u32 $0x7FFFFFFF, v14;
	v21 =	vand.u32 $0x7FFFFFFF, v23;
	v20 =	vand.u32 $0x7FFFFFFF, v20;
	v22 =	vld [tilespmem:s28+$0x7010]  }
0x8f: {  	v24 =	vmin.f32 v19, $1.000000000e+00;
	v16 =	vand.u32 $0x7FFFFFFF, v16;
	v18 =	vand.u32 $0x7FFFFFFF, v18;
	v23 =	vld [tilespmem:s28+$0x8010]  }
0x90: {  	v19 =	vadd.f32 v19, v19;
	v26 =	vmin.f32 v17, $1.000000000e+00;
	v27 =	vmin.f32 v15, $1.000000000e+00;
	v25 =	vld [tilespmem:s28+$0x7090]  }
0x91: {  	v17 =	vadd.f32 v17, v17;
	v15 =	vadd.f32 v15, v15;
	v29 =	vmin.f32 v14, $1.000000000e+00;
	v28 =	vld [tilespmem:s28+$0x8090]  }
0x92: {  	v14 =	vadd.f32 v14, v14;
	v31 =	vmin.f32 v21, $1.000000000e+00;
	v21 =	vadd.f32 v21, v21;
	v30 =	vld [tilespmem:s28+$0x7000]  }
0x93: {  	v33 =	vmin.f32 v20, $1.000000000e+00;
	v20 =	vadd.f32 v20, v20;
	v34 =	vadd.f32 v16, v16;
	v32 =	vld [tilespmem:s28+$0x8000]  }
0x94: {  	v16 =	vmin.f32 v16, $1.000000000e+00;
	v36 =	vadd.f32 v18, v18;
	v21 =	vsub.f32 v21, v31;
	v35 =	vld [tilespmem:s28+$0x5010]  }
0x95: {  	v18 =	vmin.f32 v18, $1.000000000e+00;
	v19 =	vsub.f32 v19, v24;
	v17 =	vsub.f32 v17, v26;
	v37 =	vld [tilespmem:s28+$0x6010]  }
0x96: {  	v15 =	vsub.f32 v15, v27;
	v20 =	vsub.f32 v20, v33;
	v21 =	vmul.f32 v21, v31;
	v38 =	vld [tilespmem:s28+$0x5090]  }
0x97: {  	v34 =	vsub.f32 v34, v16;
	v36 =	vsub.f32 v36, v18;
	v19 =	vmul.f32 v19, v24;
	v31 =	vld [tilespmem:s28+$0x9010]  }
0x98: {  	v11 =	vadd.f32 v13, v11;
	v13 =	vmul.f32 v17, v26;
	v10 =	vadd.f32 v21, v10;
	v24 =	vld [tilespmem:s28+$0x9090]  }
0x99: {  	v14 =	vsub.f32 v14, v29;
	v20 =	vmul.f32 v20, v33;
	v16 =	vmul.f32 v34, v16;
	v17 =	vld [tilespmem:s28+$0x9000]  }
0x9a: {  	v11 =	vadd.f32 v12, v11;
	v12 =	vmul.f32 v36, v18;
	v10 =	vadd.f32 v19, v10;
	v21 =	vld [tilespmem:s28+$0x9080]  }
0x9b: {  	v15 =	vmul.f32 v15, v27;
	v6 =	vadd.f32 v20, v6;
	v8 =	vadd.f32 v16, v8;
	v19 =	vld [tilespmem:s28+$0x6090]  }
0x9c: {  	v9 =	vadd.f32 v9, v11;
	v7 =	vadd.f32 v12, v7;
	v12 =	vmul.f32 v14, v29;
	v20 =	vld [tilespmem:s28+$0x5000]  }
0x9d: {  	v6 =	vadd.f32 v13, v6;
	v8 =	vadd.f32 v15, v8;
	vm2 =	veq.f32 v31, $1.000000000e+00;
	v14 =	vld [tilespmem:s28+$0x6000]  }
0x9e: {  	v11 =	vadd.f32 v5, v9;
	v7 =	vadd.f32 v12, v7;
	vm3 =	veq.f32 v24, $1.000000000e+00;
	v15 =	vld [tilespmem:s28+$0x5080]  }
0x9f: {  	s31 =	sadd.s32 $0x2, s31;
	v9 =	vsel vm2, $0x3F800000, v0;
	vm4 =	veq.f32 v17, $1.000000000e+00;
	vm5 =	veq.f32 v21, $1.000000000e+00;
	v24 =	vld [tilespmem:s28+$0x6080]  }
0xa0: {  	p0 =	slt.u32 s31, $0x7A;
	v17 =	vmul.f32 v9, v35;
	v26 =	vmul.f32 v37, v9;
	v5 =	vsel vm3, $0x3F800000, v0;
	v16 =	vld [tilespmem:s28+$0x7080]  }
.Ltmp1:
0xa1: {  	v13 =	vsel vm4, $0x3F800000, v0;
	v27 =	vmul.f32 v5, v38;
	v29 =	vmul.f32 v19, v5;
	v18 =	vld [tilespmem:s28+$0x8080];
	(pc) =	sbr.rel @p0 .LBB2_4-.Ltmp1, $4  }
0xa2: {  	v12 =	vsel vm5, $0x3F800000, v0;
	v20 =	vmul.f32 v13, v20;
	v31 =	vmul.f32 v14, v13  }
0xa3: {  	v19 =	vsub.f32 v17, v22;
	v17 =	vsub.f32 v26, v23;
	v21 =	vmul.f32 v12, v15  }
0xa4: {  	v14 =	vsub.f32 v29, v28;
	v15 =	vsub.f32 v27, v25;
	v22 =	vmul.f32 v24, v12  }
0xa5: {  	s0 =	sadd.s32 $0x40, s0;
	s1 =	sadd.s32 $0x20, s1;
	v23 =	vsub.f32 v20, v30;
	v20 =	vsub.f32 v31, v32  }
0xa6: {  	v24 =	vld [tilespmem:$0x9F40]  }
0xa7: {  	v25 =	vld [tilespmem:$0x5F40]  }
0xa8: {  	v26 =	vld [tilespmem:$0x7F40]  }
0xa9: {  	v27 =	vld [tilespmem:$0x6F40]  }
0xaa: {  	v28 =	vld [tilespmem:$0x8F40]  }
0xab: {  	v29 =	vld [tilespmem:$0x9FC0]  }
0xac: {  	v30 =	vld [tilespmem:$0x5FC0]  }
0xad: {  	v31 =	vld [tilespmem:$0x7FC0];
	v16 =	vsub.f32 v21, v16  }
0xae: {  	v33 =	vld [tilespmem:$0x6FC0];
	s0 =	simm.s32 $0x0;
	v18 =	vsub.f32 v22, v18;
	v19 =	vand.u32 $0x7FFFFFFF, v19;
	v23 =	vand.u32 $0x7FFFFFFF, v23  }
0xaf: {  	v17 =	vand.u32 $0x7FFFFFFF, v17;
	v32 =	vadd.f32 v23, v23;
	v21 =	vmin.f32 v23, $1.000000000e+00;
	v23 =	vld [tilespmem:$0x8FC0];
	[tilespmem:s22], [sflag:$0x2] =	stream.linear.gather [hbm4b:s12+s0], $0x2000, $0x38  }
0xb0: {  	v11 =	vadd.f32 v13, v11;
	v15 =	vand.u32 $0x7FFFFFFF, v15;
	v14 =	vand.u32 $0x7FFFFFFF, v14  }
0xb1: {  	v20 =	vand.u32 $0x7FFFFFFF, v20;
	v47 =	vadd.f32 v19, v19;
	v19 =	vmin.f32 v19, $1.000000000e+00;
	[tilespmem:s23], [sflag:$0x2] =	stream.linear.gather [hbm4b:s13+s0], $0x2000, $0x38;
	[tilespmem:$0xA080] =	vst v63  }
0xb2: {  	v16 =	vand.u32 $0x7FFFFFFF, v16;
	v13 =	vmin.f32 v20, $1.000000000e+00;
	v22 =	vsub.f32 v32, v21  }
0xb3: {  	v20 =	vadd.f32 v20, v20;
	v18 =	vand.u32 $0x7FFFFFFF, v18;
	v11 =	vadd.f32 v12, v11;
	[tilespmem:s24], [sflag:$0x2] =	stream.linear.gather [hbm4b:s14+s0], $0x1000, $0x38;
	[tilespmem:$0xA080] =	vst v63  }
0xb4: {  	v12 =	vadd.f32 v14, v14;
	v48 =	vadd.f32 v16, v16;
	v21 =	vmul.f32 v22, v21;
	_ =	swait.ge [sflag:s25], $0x2000  }
0xb5: {  	v16 =	vmin.f32 v16, $1.000000000e+00;
	v32 =	vsub.f32 v47, v19;
	v20 =	vsub.f32 v20, v13;
	[sflag:s25] =	ssyncset.done $0x0  }
0xb6: {  	v14 =	vmin.f32 v14, $1.000000000e+00;
	v10 =	vadd.f32 v21, v10;
	v21 =	vsub.f32 v48, v16;
	[sflag:s25] =	ssyncadd.s32 $0xFFFFE000  }
0xb7: {  	v12 =	vsub.f32 v12, v14;
	v9 =	vadd.f32 v9, v11;
	v22 =	vmin.f32 v17, $1.000000000e+00;
	_ =	swait.ge [sflag:s25], $0x2000  }
0xb8: {  	v17 =	vadd.f32 v17, v17;
	v16 =	vmul.f32 v21, v16;
	v21 =	vadd.f32 v18, v18;
	[sflag:s25] =	ssyncset.done $0x0  }
0xb9: {  	v13 =	vmul.f32 v20, v13;
	v20 =	vadd.f32 v15, v15;
	v18 =	vmin.f32 v18, $1.000000000e+00;
	[sflag:s25] =	ssyncadd.s32 $0xFFFFE000  }
0xba: {  	v19 =	vmul.f32 v32, v19;
	v15 =	vmin.f32 v15, $1.000000000e+00;
	v21 =	vsub.f32 v21, v18;
	_ =	swait.ge [sflag:s25], $0x1000  }
0xbb: {  	s1 =	sand.u32 $0x60, s0;
	vm2 =	veq.f32 v24, $1.000000000e+00;
	s0 =	sand.u32 $0xF00, s0;
	v17 =	vsub.f32 v17, v22;
	v20 =	vsub.f32 v20, v15;
	[sflag:s25] =	ssyncset.done $0x0  }
0xbc: {  	s0 =	sor.u32 s1, s0;
	v10 =	vadd.f32 v19, v10;
	v19 =	vsel vm2, $0x3F800000, v0;
	v18 =	vmul.f32 v21, v18;
	[sflag:s25] =	ssyncadd.s32 $0xFFFFF000  }
0xbd: {  	v6 =	vadd.f32 v13, v6;
	v13 =	vmul.f32 v19, v25;
	v8 =	vadd.f32 v16, v8;
	v16 =	vld [tilespmem:s0+$0x2010]  }
0xbe: {  	v5 =	vadd.f32 v5, v9;
	v15 =	vmul.f32 v20, v15;
	v7 =	vadd.f32 v18, v7;
	v18 =	vld [tilespmem:s0+$0x3010]  }
0xbf: {  	v17 =	vmul.f32 v17, v22;
	vm2 =	veq.f32 v29, $1.000000000e+00;
	v11 =	vsub.f32 v13, v26;
	v20 =	vld [tilespmem:s0+$0x2090]  }
0xc0: {  	v13 =	vmul.f32 v27, v19;
	v8 =	vadd.f32 v15, v8;
	v15 =	vsel vm2, $0x3F800000, v0;
	v22 =	vld [tilespmem:s0+$0x3090]  }
0xc1: {  	v5 =	vadd.f32 v19, v5;
	v6 =	vadd.f32 v17, v6;
	v17 =	vmul.f32 v15, v30;
	v49 =	vld [tilespmem:s0+$0x2000]  }
0xc2: {  	v11 =	vand.u32 $0x7FFFFFFF, v11;
	v21 =	vmul.f32 v33, v15;
	v13 =	vsub.f32 v13, v28;
	v50 =	vld [tilespmem:s0+$0x10]  }
0xc3: {  	v12 =	vmul.f32 v12, v14;
	v14 =	vadd.f32 v11, v11;
	v52 =	vld [tilespmem:s0+$0x4010];
	v17 =	vsub.f32 v17, v31  }
0xc4: {  	v11 =	vmin.f32 v11, $1.000000000e+00;
	v55 =	vld [tilespmem:s0+$0x4090];
	v21 =	vsub.f32 v21, v23;
	v13 =	vand.u32 $0x7FFFFFFF, v13  }
0xc5: {  	v56 =	vld [tilespmem:s0+$0x4000];
	v9 =	vsub.f32 v14, v11;
	v51 =	vadd.f32 v13, v13;
	v17 =	vand.u32 $0x7FFFFFFF, v17  }
0xc6: {  	v58 =	vld [tilespmem:s0+$0x4080];
	v13 =	vmin.f32 v13, $1.000000000e+00;
	v21 =	vand.u32 $0x7FFFFFFF, v21;
	v53 =	vadd.f32 v17, v17  }
0xc7: {  	v19 =	vld [tilespmem:s0+$0x1090];
	v54 =	vadd.f32 v21, v21;
	v26 =	vsub.f32 v51, v13;
	v17 =	vmin.f32 v17, $1.000000000e+00  }
0xc8: {  	v59 =	vld [tilespmem:s0+$0x3000];
	v21 =	vmin.f32 v21, $1.000000000e+00;
	v9 =	vmul.f32 v9, v11;
	v11 =	vsub.f32 v53, v17  }
0xc9: {  	v23 =	vld [tilespmem:s0+$0x1010];
	v7 =	vadd.f32 v12, v7;
	v57 =	vsub.f32 v54, v21  }
0xca: {  	v14 =	vld [tilespmem:s0+$0x90];
	v12 =	vmul.f32 v26, v13;
	v10 =	vadd.f32 v9, v10;
	v9 =	vmul.f32 v11, v17  }
0xcb: {  	vm2 =	veq.f32 v52, $1.000000000e+00;
	vm3 =	veq.f32 v55, $1.000000000e+00;
	v13 =	vmul.f32 v57, v21;
	v17 =	vld [tilespmem:s0+$0x0]  }
0xcc: {  	v6 =	vadd.f32 v12, v6;
	v12 =	vld [tilespmem:s0+$0x1000];
	v8 =	vadd.f32 v9, v8;
	v9 =	vsel vm2, $0x3F800000, v0  }
0xcd: {  	v11 =	vadd.f32 v15, v5;
	v15 =	vld [tilespmem:s0+$0x80];
	v5 =	vsel vm3, $0x3F800000, v0;
	v21 =	vmul.f32 v9, v50  }
0xce: {  	v60 =	vld [tilespmem:s0+$0x1080];
	vm4 =	veq.f32 v56, $1.000000000e+00;
	v61 =	vmul.f32 v19, v5;
	v23 =	vmul.f32 v23, v9  }
0xcf: {  	v7 =	vadd.f32 v13, v7;
	v13 =	vsel vm4, $0x3F800000, v0;
	v19 =	vsub.f32 v21, v16;
	v16 =	vld [tilespmem:s0+$0x2080]  }
0xd0: {  	vm2 =	veq.f32 v58, $1.000000000e+00;
	v62 =	vmul.f32 v13, v17;
	v17 =	vsub.f32 v23, v18;
	v18 =	vld [tilespmem:s0+$0x3080]  }
0xd1: {  	v14 =	vmul.f32 v5, v14;
	v63 =	vmul.f32 v12, v13;
	v12 =	vsel vm2, $0x3F800000, v0  }
0xd2: {  	v21 =	vmul.f32 v12, v15  }
0xd3: {  	v15 =	vsub.f32 v14, v20;
	v14 =	vsub.f32 v61, v22;
	v22 =	vmul.f32 v60, v12  }
0xd4: {  	s31 =	simm.s32 $0x0;
	s1 =	simm.s32 $0x20;
	s0 =	simm.s32 $0x40;
	v23 =	vsub.f32 v62, v49;
	v20 =	vsub.f32 v63, v59  }
.LBB2_6:
0xd5: {  	s3 =	sand.u32 $0x60, s1;
	s28 =	sand.u32 $0xF00, s0;
	v16 =	vsub.f32 v21, v16;
	v18 =	vsub.f32 v22, v18  }
0xd6: {  	v19 =	vand.u32 $0x7FFFFFFF, v19;
	v17 =	vand.u32 $0x7FFFFFFF, v17;
	v15 =	vand.u32 $0x7FFFFFFF, v15;
	s28 =	sor.u32 s3, s28  }
0xd7: {  	v14 =	vand.u32 $0x7FFFFFFF, v14;
	v21 =	vand.u32 $0x7FFFFFFF, v23;
	v20 =	vand.u32 $0x7FFFFFFF, v20;
	v22 =	vld [tilespmem:s28+$0x2010]  }
0xd8: {  	v24 =	vmin.f32 v19, $1.000000000e+00;
	v16 =	vand.u32 $0x7FFFFFFF, v16;
	v18 =	vand.u32 $0x7FFFFFFF, v18;
	v23 =	vld [tilespmem:s28+$0x3010]  }
0xd9: {  	v19 =	vadd.f32 v19, v19;
	v26 =	vmin.f32 v17, $1.000000000e+00;
	v27 =	vmin.f32 v15, $1.000000000e+00;
	v25 =	vld [tilespmem:s28+$0x2090]  }
0xda: {  	v17 =	vadd.f32 v17, v17;
	v15 =	vadd.f32 v15, v15;
	v29 =	vmin.f32 v14, $1.000000000e+00;
	v28 =	vld [tilespmem:s28+$0x3090]  }
0xdb: {  	v14 =	vadd.f32 v14, v14;
	v31 =	vmin.f32 v21, $1.000000000e+00;
	v21 =	vadd.f32 v21, v21;
	v30 =	vld [tilespmem:s28+$0x2000]  }
0xdc: {  	v33 =	vmin.f32 v20, $1.000000000e+00;
	v20 =	vadd.f32 v20, v20;
	v34 =	vadd.f32 v16, v16;
	v32 =	vld [tilespmem:s28+$0x3000]  }
0xdd: {  	v16 =	vmin.f32 v16, $1.000000000e+00;
	v36 =	vadd.f32 v18, v18;
	v21 =	vsub.f32 v21, v31;
	v35 =	vld [tilespmem:s28+$0x10]  }
0xde: {  	v18 =	vmin.f32 v18, $1.000000000e+00;
	v19 =	vsub.f32 v19, v24;
	v17 =	vsub.f32 v17, v26;
	v37 =	vld [tilespmem:s28+$0x1010]  }
0xdf: {  	v15 =	vsub.f32 v15, v27;
	v20 =	vsub.f32 v20, v33;
	v21 =	vmul.f32 v21, v31;
	v38 =	vld [tilespmem:s28+$0x90]  }
0xe0: {  	v34 =	vsub.f32 v34, v16;
	v36 =	vsub.f32 v36, v18;
	v19 =	vmul.f32 v19, v24;
	v31 =	vld [tilespmem:s28+$0x4010]  }
0xe1: {  	v11 =	vadd.f32 v13, v11;
	v13 =	vmul.f32 v17, v26;
	v10 =	vadd.f32 v21, v10;
	v24 =	vld [tilespmem:s28+$0x4090]  }
0xe2: {  	v14 =	vsub.f32 v14, v29;
	v20 =	vmul.f32 v20, v33;
	v16 =	vmul.f32 v34, v16;
	v17 =	vld [tilespmem:s28+$0x4000]  }
0xe3: {  	v11 =	vadd.f32 v12, v11;
	v12 =	vmul.f32 v36, v18;
	v10 =	vadd.f32 v19, v10;
	v21 =	vld [tilespmem:s28+$0x4080]  }
0xe4: {  	v15 =	vmul.f32 v15, v27;
	v6 =	vadd.f32 v20, v6;
	v8 =	vadd.f32 v16, v8;
	v19 =	vld [tilespmem:s28+$0x1090]  }
0xe5: {  	v9 =	vadd.f32 v9, v11;
	v7 =	vadd.f32 v12, v7;
	v12 =	vmul.f32 v14, v29;
	v20 =	vld [tilespmem:s28+$0x0]  }
0xe6: {  	v6 =	vadd.f32 v13, v6;
	v8 =	vadd.f32 v15, v8;
	vm2 =	veq.f32 v31, $1.000000000e+00;
	v14 =	vld [tilespmem:s28+$0x1000]  }
0xe7: {  	v11 =	vadd.f32 v5, v9;
	v7 =	vadd.f32 v12, v7;
	vm3 =	veq.f32 v24, $1.000000000e+00;
	v15 =	vld [tilespmem:s28+$0x80]  }
0xe8: {  	s31 =	sadd.s32 $0x2, s31;
	v9 =	vsel vm2, $0x3F800000, v0;
	vm4 =	veq.f32 v17, $1.000000000e+00;
	vm5 =	veq.f32 v21, $1.000000000e+00;
	v24 =	vld [tilespmem:s28+$0x1080]  }
0xe9: {  	p0 =	slt.u32 s31, $0x7A;
	v17 =	vmul.f32 v9, v35;
	v26 =	vmul.f32 v37, v9;
	v5 =	vsel vm3, $0x3F800000, v0;
	v16 =	vld [tilespmem:s28+$0x2080]  }
.Ltmp2:
0xea: {  	v13 =	vsel vm4, $0x3F800000, v0;
	v27 =	vmul.f32 v5, v38;
	v29 =	vmul.f32 v19, v5;
	v18 =	vld [tilespmem:s28+$0x3080];
	(pc) =	sbr.rel @p0 .LBB2_6-.Ltmp2, $4  }
0xeb: {  	v12 =	vsel vm5, $0x3F800000, v0;
	v20 =	vmul.f32 v13, v20;
	v31 =	vmul.f32 v14, v13  }
0xec: {  	v19 =	vsub.f32 v17, v22;
	v17 =	vsub.f32 v26, v23;
	v21 =	vmul.f32 v12, v15  }
0xed: {  	v14 =	vsub.f32 v29, v28;
	v15 =	vsub.f32 v27, v25;
	v22 =	vmul.f32 v24, v12  }
0xee: {  	s0 =	sadd.s32 $0x40, s0;
	s1 =	sadd.s32 $0x20, s1;
	v23 =	vsub.f32 v20, v30;
	v20 =	vsub.f32 v31, v32  }
0xef: {  	v24 =	vld [tilespmem:$0x4F40]  }
0xf0: {  	v25 =	vld [tilespmem:$0xF40]  }
0xf1: {  	v26 =	vld [tilespmem:$0x2F40]  }
0xf2: {  	v27 =	vld [tilespmem:$0x1F40]  }
0xf3: {  	v28 =	vld [tilespmem:$0x3F40]  }
0xf4: {  	v29 =	vld [tilespmem:$0x4FC0]  }
0xf5: {  	v30 =	vld [tilespmem:$0xFC0];
	v16 =	vsub.f32 v21, v16  }
0xf6: {  	v31 =	vld [tilespmem:$0x2FC0];
	v18 =	vsub.f32 v22, v18;
	v19 =	vand.u32 $0x7FFFFFFF, v19;
	v17 =	vand.u32 $0x7FFFFFFF, v17  }
0xf7: {  	v33 =	vld [tilespmem:$0x1FC0];
	s0 =	simm.s32 $0x0;
	v11 =	vadd.f32 v13, v11;
	v15 =	vand.u32 $0x7FFFFFFF, v15;
	v23 =	vand.u32 $0x7FFFFFFF, v23  }
0xf8: {  	v14 =	vand.u32 $0x7FFFFFFF, v14;
	v32 =	vadd.f32 v23, v23;
	v21 =	vmin.f32 v23, $1.000000000e+00;
	v23 =	vld [tilespmem:$0x3FC0];
	[tilespmem:s0], [sflag:$0x1] =	stream.linear.gather [hbm4b:s15+s0], $0x2000, $0x38  }
0xf9: {  	v20 =	vand.u32 $0x7FFFFFFF, v20;
	v48 =	vadd.f32 v19, v19;
	v19 =	vmin.f32 v19, $1.000000000e+00  }
0xfa: {  	v16 =	vand.u32 $0x7FFFFFFF, v16;
	v13 =	vmin.f32 v20, $1.000000000e+00;
	v20 =	vadd.f32 v20, v20;
	[tilespmem:s20], [sflag:$0x1] =	stream.linear.gather [hbm4b:s16+s0], $0x2000, $0x38;
	[tilespmem:$0xA080] =	vst v63  }
0xfb: {  	v18 =	vand.u32 $0x7FFFFFFF, v18;
	v11 =	vadd.f32 v12, v11;
	v22 =	vsub.f32 v32, v21  }
0xfc: {  	v12 =	vadd.f32 v14, v14;
	v14 =	vmin.f32 v14, $1.000000000e+00;
	v49 =	vadd.f32 v16, v16;
	[tilespmem:s21], [sflag:$0x1] =	stream.linear.gather [hbm4b:s17+s0], $0x1000, $0x38;
	[tilespmem:$0xA080] =	vst v63  }
0xfd: {  	v32 =	vsub.f32 v48, v19;
	v20 =	vsub.f32 v20, v13;
	v21 =	vmul.f32 v22, v21;
	_ =	swait.ge [sflag:s26], $0x2000  }
0xfe: {  	v16 =	vmin.f32 v16, $1.000000000e+00;
	v12 =	vsub.f32 v12, v14;
	v9 =	vadd.f32 v9, v11;
	[sflag:s26] =	ssyncset.done $0x0  }
0xff: {  	vm2 =	veq.f32 v24, $1.000000000e+00;
	v10 =	vadd.f32 v21, v10;
	v21 =	vsub.f32 v49, v16;
	[sflag:s26] =	ssyncadd.s32 $0xFFFFE000  }
0x100: {  	v22 =	vmin.f32 v17, $1.000000000e+00;
	v17 =	vadd.f32 v17, v17;
	v19 =	vmul.f32 v32, v19;
	_ =	swait.ge [sflag:s26], $0x2000  }
0x101: {  	v13 =	vmul.f32 v20, v13;
	v16 =	vmul.f32 v21, v16;
	v21 =	vadd.f32 v18, v18;
	[sflag:s26] =	ssyncset.done $0x0  }
0x102: {  	v20 =	vadd.f32 v15, v15;
	v5 =	vadd.f32 v5, v9;
	v18 =	vmin.f32 v18, $1.000000000e+00;
	[sflag:s26] =	ssyncadd.s32 $0xFFFFE000  }
0x103: {  	v15 =	vmin.f32 v15, $1.000000000e+00;
	v17 =	vsub.f32 v17, v22;
	v21 =	vsub.f32 v21, v18;
	_ =	swait.ge [sflag:s26], $0x1000  }
0x104: {  	s1 =	sand.u32 $0x60, s0;
	s0 =	sand.u32 $0xF00, s0;
	v20 =	vsub.f32 v20, v15;
	v10 =	vadd.f32 v19, v10;
	v19 =	vsel vm2, $0x3F800000, v0;
	[sflag:s26] =	ssyncset.done $0x0  }
0x105: {  	s0 =	sor.u32 s1, s0;
	v6 =	vadd.f32 v13, v6;
	v13 =	vmul.f32 v19, v25;
	v18 =	vmul.f32 v21, v18;
	[sflag:s26] =	ssyncadd.s32 $0xFFFFF000  }
0x106: {  	v17 =	vmul.f32 v17, v22;
	v15 =	vmul.f32 v20, v15;
	v8 =	vadd.f32 v16, v8;
	v16 =	vld [tilespmem:s0+$0x7010]  }
0x107: {  	vm2 =	veq.f32 v29, $1.000000000e+00;
	v11 =	vsub.f32 v13, v26;
	v7 =	vadd.f32 v18, v7;
	v18 =	vld [tilespmem:s0+$0x8010]  }
0x108: {  	v13 =	vmul.f32 v27, v19;
	v8 =	vadd.f32 v15, v8;
	v15 =	vsel vm2, $0x3F800000, v0;
	v20 =	vld [tilespmem:s0+$0x7090]  }
0x109: {  	v5 =	vadd.f32 v19, v5;
	v6 =	vadd.f32 v17, v6;
	v17 =	vmul.f32 v15, v30;
	v22 =	vld [tilespmem:s0+$0x8090]  }
0x10a: {  	v11 =	vand.u32 $0x7FFFFFFF, v11;
	v21 =	vmul.f32 v33, v15;
	v13 =	vsub.f32 v13, v28;
	v50 =	vld [tilespmem:s0+$0x7000]  }
0x10b: {  	v12 =	vmul.f32 v12, v14;
	v14 =	vadd.f32 v11, v11;
	v51 =	vld [tilespmem:s0+$0x5010];
	v17 =	vsub.f32 v17, v31  }
0x10c: {  	v11 =	vmin.f32 v11, $1.000000000e+00;
	v53 =	vld [tilespmem:s0+$0x9010];
	v21 =	vsub.f32 v21, v23;
	v13 =	vand.u32 $0x7FFFFFFF, v13  }
0x10d: {  	v56 =	vld [tilespmem:s0+$0x9090];
	v9 =	vsub.f32 v14, v11;
	v52 =	vadd.f32 v13, v13;
	v17 =	vand.u32 $0x7FFFFFFF, v17  }
0x10e: {  	v57 =	vld [tilespmem:s0+$0x9000];
	v13 =	vmin.f32 v13, $1.000000000e+00;
	v7 =	vadd.f32 v12, v7;
	v54 =	vadd.f32 v17, v17  }
0x10f: {  	v59 =	vld [tilespmem:s0+$0x9080];
	v21 =	vand.u32 $0x7FFFFFFF, v21;
	v26 =	vsub.f32 v52, v13;
	v17 =	vmin.f32 v17, $1.000000000e+00  }
0x110: {  	v14 =	vld [tilespmem:s0+$0x5090];
	v55 =	vadd.f32 v21, v21;
	v9 =	vmul.f32 v9, v11;
	v11 =	vsub.f32 v54, v17  }
0x111: {  	v19 =	vld [tilespmem:s0+$0x6090];
	v21 =	vmin.f32 v21, $1.000000000e+00;
	vm2 =	veq.f32 v53, $1.000000000e+00;
	v12 =	vmul.f32 v26, v13  }
0x112: {  	v58 =	vsub.f32 v55, v21;
	v10 =	vadd.f32 v9, v10;
	v9 =	vmul.f32 v11, v17;
	v17 =	vld [tilespmem:s0+$0x5000]  }
0x113: {  	vm3 =	veq.f32 v56, $1.000000000e+00;
	vm4 =	veq.f32 v57, $1.000000000e+00;
	v6 =	vadd.f32 v12, v6;
	v12 =	vld [tilespmem:s0+$0x6000]  }
0x114: {  	v13 =	vmul.f32 v58, v21;
	v11 =	vadd.f32 v15, v5;
	v15 =	vld [tilespmem:s0+$0x5080];
	v5 =	vsel vm3, $0x3F800000, v0  }
0x115: {  	v23 =	vld [tilespmem:s0+$0x6010];
	v14 =	vmul.f32 v5, v14;
	v8 =	vadd.f32 v9, v8;
	v9 =	vsel vm2, $0x3F800000, v0  }
0x116: {  	v60 =	vld [tilespmem:s0+$0x8000];
	v7 =	vadd.f32 v13, v7;
	v13 =	vsel vm4, $0x3F800000, v0;
	v21 =	vmul.f32 v9, v51  }
0x117: {  	v61 =	vld [tilespmem:s0+$0x6080];
	v19 =	vmul.f32 v19, v5;
	vm2 =	veq.f32 v59, $1.000000000e+00;
	v62 =	vmul.f32 v13, v17  }
0x118: {  	v63 =	vmul.f32 v12, v13;
	v12 =	vsel vm2, $0x3F800000, v0;
	v17 =	vsub.f32 v21, v16;
	v16 =	vld [tilespmem:s0+$0x7080]  }
0x119: {  	v21 =	vmul.f32 v12, v15;
	v15 =	vsub.f32 v14, v20;
	v14 =	vsub.f32 v19, v22;
	v19 =	vld [tilespmem:s0+$0x8080]  }
0x11a: {  	v23 =	vmul.f32 v23, v9;
	_ =	sdelay $0x1  }
0x11b: {  	v18 =	vsub.f32 v23, v18;
	v23 =	vmul.f32 v61, v12  }
0x11c: {  	s31 =	simm.s32 $0x0;
	s1 =	simm.s32 $0x20;
	s0 =	simm.s32 $0x40;
	v22 =	vsub.f32 v62, v50;
	v20 =	vsub.f32 v63, v60  }
.LBB2_8:
0x11d: {  	s3 =	sand.u32 $0x60, s1;
	s28 =	sand.u32 $0xF00, s0;
	v16 =	vsub.f32 v21, v16;
	v19 =	vsub.f32 v23, v19  }
0x11e: {  	v17 =	vand.u32 $0x7FFFFFFF, v17;
	v18 =	vand.u32 $0x7FFFFFFF, v18;
	v15 =	vand.u32 $0x7FFFFFFF, v15;
	s28 =	sor.u32 s3, s28  }
0x11f: {  	v14 =	vand.u32 $0x7FFFFFFF, v14;
	v21 =	vand.u32 $0x7FFFFFFF, v22;
	v20 =	vand.u32 $0x7FFFFFFF, v20;
	v23 =	vld [tilespmem:s28+$0x7010]  }
0x120: {  	v24 =	vmin.f32 v17, $1.000000000e+00;
	v16 =	vand.u32 $0x7FFFFFFF, v16;
	v19 =	vand.u32 $0x7FFFFFFF, v19;
	v22 =	vld [tilespmem:s28+$0x8010]  }
0x121: {  	v17 =	vadd.f32 v17, v17;
	v26 =	vmin.f32 v18, $1.000000000e+00;
	v27 =	vmin.f32 v15, $1.000000000e+00;
	v25 =	vld [tilespmem:s28+$0x7090]  }
0x122: {  	v18 =	vadd.f32 v18, v18;
	v15 =	vadd.f32 v15, v15;
	v29 =	vmin.f32 v14, $1.000000000e+00;
	v28 =	vld [tilespmem:s28+$0x8090]  }
0x123: {  	v14 =	vadd.f32 v14, v14;
	v31 =	vmin.f32 v21, $1.000000000e+00;
	v21 =	vadd.f32 v21, v21;
	v30 =	vld [tilespmem:s28+$0x7000]  }
0x124: {  	v33 =	vmin.f32 v20, $1.000000000e+00;
	v20 =	vadd.f32 v20, v20;
	v34 =	vadd.f32 v16, v16;
	v32 =	vld [tilespmem:s28+$0x8000]  }
0x125: {  	v16 =	vmin.f32 v16, $1.000000000e+00;
	v36 =	vadd.f32 v19, v19;
	v21 =	vsub.f32 v21, v31;
	v35 =	vld [tilespmem:s28+$0x5010]  }
0x126: {  	v19 =	vmin.f32 v19, $1.000000000e+00;
	v17 =	vsub.f32 v17, v24;
	v18 =	vsub.f32 v18, v26;
	v37 =	vld [tilespmem:s28+$0x6010]  }
0x127: {  	v15 =	vsub.f32 v15, v27;
	v20 =	vsub.f32 v20, v33;
	v21 =	vmul.f32 v21, v31;
	v38 =	vld [tilespmem:s28+$0x5090]  }
0x128: {  	v34 =	vsub.f32 v34, v16;
	v36 =	vsub.f32 v36, v19;
	v17 =	vmul.f32 v17, v24;
	v31 =	vld [tilespmem:s28+$0x9010]  }
0x129: {  	v11 =	vadd.f32 v13, v11;
	v13 =	vmul.f32 v18, v26;
	v10 =	vadd.f32 v21, v10;
	v24 =	vld [tilespmem:s28+$0x9090]  }
0x12a: {  	v14 =	vsub.f32 v14, v29;
	v20 =	vmul.f32 v20, v33;
	v16 =	vmul.f32 v34, v16;
	v18 =	vld [tilespmem:s28+$0x9000]  }
0x12b: {  	v11 =	vadd.f32 v12, v11;
	v12 =	vmul.f32 v36, v19;
	v10 =	vadd.f32 v17, v10;
	v21 =	vld [tilespmem:s28+$0x9080]  }
0x12c: {  	v15 =	vmul.f32 v15, v27;
	v6 =	vadd.f32 v20, v6;
	v8 =	vadd.f32 v16, v8;
	v17 =	vld [tilespmem:s28+$0x6090]  }
0x12d: {  	v9 =	vadd.f32 v9, v11;
	v7 =	vadd.f32 v12, v7;
	v12 =	vmul.f32 v14, v29;
	v20 =	vld [tilespmem:s28+$0x5000]  }
0x12e: {  	v6 =	vadd.f32 v13, v6;
	v8 =	vadd.f32 v15, v8;
	vm2 =	veq.f32 v31, $1.000000000e+00;
	v14 =	vld [tilespmem:s28+$0x6000]  }
0x12f: {  	v11 =	vadd.f32 v5, v9;
	v7 =	vadd.f32 v12, v7;
	vm3 =	veq.f32 v24, $1.000000000e+00;
	v15 =	vld [tilespmem:s28+$0x5080]  }
0x130: {  	s31 =	sadd.s32 $0x2, s31;
	v9 =	vsel vm2, $0x3F800000, v0;
	vm4 =	veq.f32 v18, $1.000000000e+00;
	vm5 =	veq.f32 v21, $1.000000000e+00;
	v24 =	vld [tilespmem:s28+$0x6080]  }
0x131: {  	p0 =	slt.u32 s31, $0x7A;
	v18 =	vmul.f32 v9, v35;
	v26 =	vmul.f32 v37, v9;
	v5 =	vsel vm3, $0x3F800000, v0;
	v16 =	vld [tilespmem:s28+$0x7080]  }
.Ltmp3:
0x132: {  	v13 =	vsel vm4, $0x3F800000, v0;
	v27 =	vmul.f32 v5, v38;
	v29 =	vmul.f32 v17, v5;
	v19 =	vld [tilespmem:s28+$0x8080];
	(pc) =	sbr.rel @p0 .LBB2_8-.Ltmp3, $4  }
0x133: {  	v12 =	vsel vm5, $0x3F800000, v0;
	v20 =	vmul.f32 v13, v20;
	v31 =	vmul.f32 v14, v13  }
0x134: {  	v17 =	vsub.f32 v18, v23;
	v18 =	vsub.f32 v26, v22;
	v21 =	vmul.f32 v12, v15  }
0x135: {  	v14 =	vsub.f32 v29, v28;
	v15 =	vsub.f32 v27, v25;
	v23 =	vmul.f32 v24, v12  }
0x136: {  	s0 =	sadd.s32 $0x40, s0;
	s1 =	sadd.s32 $0x20, s1;
	v22 =	vsub.f32 v20, v30;
	v20 =	vsub.f32 v31, v32  }
0x137: {  	v24 =	vld [tilespmem:$0x9F40]  }
0x138: {  	v25 =	vld [tilespmem:$0x5F40]  }
0x139: {  	v26 =	vld [tilespmem:$0x7F40];
	v16 =	vsub.f32 v21, v16  }
0x13a: {  	v19 =	vsub.f32 v23, v19;
	v27 =	vld [tilespmem:$0x8F40];
	v17 =	vand.u32 $0x7FFFFFFF, v17;
	v18 =	vand.u32 $0x7FFFFFFF, v18  }
0x13b: {  	v28 =	vld [tilespmem:$0x9FC0];
	v11 =	vadd.f32 v13, v11;
	v15 =	vand.u32 $0x7FFFFFFF, v15;
	v21 =	vand.u32 $0x7FFFFFFF, v22  }
0x13c: {  	v30 =	vld [tilespmem:$0x5FC0];
	v14 =	vand.u32 $0x7FFFFFFF, v14;
	v20 =	vand.u32 $0x7FFFFFFF, v20;
	v23 =	vadd.f32 v21, v21  }
0x13d: {  	v32 =	vld [tilespmem:$0x7FC0];
	v29 =	vadd.f32 v17, v17;
	v17 =	vmin.f32 v17, $1.000000000e+00;
	v21 =	vmin.f32 v21, $1.000000000e+00  }
0x13e: {  	v13 =	vld [tilespmem:$0x8FC0];
	v31 =	vmin.f32 v18, $1.000000000e+00;
	v18 =	vadd.f32 v18, v18;
	v23 =	vsub.f32 v23, v21  }
0x13f: {  	v22 =	vld [tilespmem:$0x6F40];
	v48 =	vadd.f32 v15, v15;
	v15 =	vmin.f32 v15, $1.000000000e+00;
	v33 =	vmin.f32 v20, $1.000000000e+00  }
0x140: {  	v20 =	vadd.f32 v20, v20;
	v11 =	vadd.f32 v12, v11;
	v21 =	vmul.f32 v23, v21;
	v23 =	vld [tilespmem:$0x6FC0];
	_ =	swait.ge [sflag:s25], $0x2000  }
0x141: {  	v16 =	vand.u32 $0x7FFFFFFF, v16;
	v12 =	vadd.f32 v14, v14;
	v29 =	vsub.f32 v29, v17;
	[sflag:s25] =	ssyncset.done $0x0  }
0x142: {  	v19 =	vand.u32 $0x7FFFFFFF, v19;
	v47 =	vadd.f32 v16, v16;
	v18 =	vsub.f32 v18, v31;
	[sflag:s25] =	ssyncadd.s32 $0xFFFFE000  }
0x143: {  	v16 =	vmin.f32 v16, $1.000000000e+00;
	v20 =	vsub.f32 v20, v33;
	v9 =	vadd.f32 v9, v11;
	_ =	swait.ge [sflag:s25], $0x2000  }
0x144: {  	v14 =	vmin.f32 v14, $1.000000000e+00;
	v10 =	vadd.f32 v21, v10;
	v21 =	vsub.f32 v47, v16;
	[sflag:s25] =	ssyncset.done $0x0  }
0x145: {  	v17 =	vmul.f32 v29, v17;
	v29 =	vsub.f32 v48, v15;
	vm2 =	veq.f32 v24, $1.000000000e+00;
	[sflag:s25] =	ssyncadd.s32 $0xFFFFE000  }
0x146: {  	s0 =	simm.s32 $0x0;
	v20 =	vmul.f32 v20, v33;
	v5 =	vadd.f32 v5, v9;
	v16 =	vmul.f32 v21, v16;
	_ =	swait.ge [sflag:s25], $0x1000  }
0x147: {  	s1 =	sand.u32 $0x60, s0;
	s0 =	sand.u32 $0xF00, s0;
	v21 =	vadd.f32 v19, v19;
	v10 =	vadd.f32 v17, v10;
	v17 =	vsel vm2, $0x3F800000, v0;
	[sflag:s25] =	ssyncset.done $0x0  }
0x148: {  	s0 =	sor.u32 s1, s0;
	v19 =	vmin.f32 v19, $1.000000000e+00;
	v8 =	vadd.f32 v16, v8;
	v16 =	vmul.f32 v17, v25;
	[sflag:s25] =	ssyncadd.s32 $0xFFFFF000  }
0x149: {  	v18 =	vmul.f32 v18, v31;
	v6 =	vadd.f32 v20, v6;
	v21 =	vsub.f32 v21, v19;
	v20 =	vld [tilespmem:s0+$0x2010]  }
0x14a: {  	v15 =	vmul.f32 v29, v15;
	vm2 =	veq.f32 v28, $1.000000000e+00;
	v11 =	vsub.f32 v16, v26;
	v16 =	vld [tilespmem:s0+$0x2090]  }
0x14b: {  	v6 =	vadd.f32 v18, v6;
	v18 =	vsel vm2, $0x3F800000, v0;
	v19 =	vmul.f32 v21, v19;
	v21 =	vld [tilespmem:s0+$0x3090]  }
0x14c: {  	v12 =	vsub.f32 v12, v14;
	v23 =	vmul.f32 v23, v18;
	v49 =	vld [tilespmem:s0+$0x2000]  }
0x14d: {  	v5 =	vadd.f32 v17, v5;
	v8 =	vadd.f32 v15, v8;
	v15 =	vmul.f32 v22, v17;
	v50 =	vld [tilespmem:s0+$0x10]  }
0x14e: {  	v22 =	vmul.f32 v18, v30;
	v13 =	vsub.f32 v23, v13;
	v23 =	vld [tilespmem:s0+$0x1010];
	v11 =	vand.u32 $0x7FFFFFFF, v11  }
0x14f: {  	v12 =	vmul.f32 v12, v14;
	v52 =	vld [tilespmem:s0+$0x4010];
	v15 =	vsub.f32 v15, v27;
	v14 =	vadd.f32 v11, v11  }
0x150: {  	v55 =	vld [tilespmem:s0+$0x4090];
	v7 =	vadd.f32 v19, v7;
	v22 =	vsub.f32 v22, v32;
	v11 =	vmin.f32 v11, $1.000000000e+00  }
0x151: {  	v56 =	vld [tilespmem:s0+$0x4000];
	v13 =	vand.u32 $0x7FFFFFFF, v13;
	v9 =	vsub.f32 v14, v11;
	v14 =	vand.u32 $0x7FFFFFFF, v15  }
0x152: {  	v58 =	vld [tilespmem:s0+$0x4080];
	v54 =	vadd.f32 v13, v13;
	v22 =	vand.u32 $0x7FFFFFFF, v22;
	v51 =	vadd.f32 v14, v14  }
0x153: {  	v17 =	vld [tilespmem:s0+$0x0];
	v13 =	vmin.f32 v13, $1.000000000e+00;
	v53 =	vadd.f32 v22, v22;
	v14 =	vmin.f32 v14, $1.000000000e+00  }
0x154: {  	v19 =	vld [tilespmem:s0+$0x3010];
	v12 =	vadd.f32 v12, v7;
	v22 =	vmin.f32 v22, $1.000000000e+00;
	v26 =	vsub.f32 v51, v14  }
0x155: {  	v15 =	vld [tilespmem:s0+$0x90];
	v57 =	vsub.f32 v54, v13;
	v9 =	vmul.f32 v9, v11;
	v11 =	vsub.f32 v53, v22  }
0x156: {  	vm2 =	veq.f32 v52, $1.000000000e+00;
	vm3 =	veq.f32 v55, $1.000000000e+00;
	v7 =	vmul.f32 v26, v14;
	v14 =	vld [tilespmem:s0+$0x1090]  }
0x157: {  	v10 =	vadd.f32 v9, v10;
	v9 =	vmul.f32 v11, v22;
	v11 =	vadd.f32 v18, v5;
	v18 =	vld [tilespmem:s0+$0x1000]  }
0x158: {  	v59 =	vld [tilespmem:s0+$0x80];
	vm4 =	veq.f32 v56, $1.000000000e+00;
	v13 =	vmul.f32 v57, v13;
	v5 =	vsel vm3, $0x3F800000, v0  }
0x159: {  	v60 =	vld [tilespmem:s0+$0x1080];
	v7 =	vadd.f32 v7, v6;
	v6 =	vadd.f32 v9, v8;
	v9 =	vsel vm2, $0x3F800000, v0  }
0x15a: {  	v22 =	vld [tilespmem:s0+$0x3000];
	v15 =	vmul.f32 v5, v15;
	v8 =	vadd.f32 v13, v12;
	v23 =	vmul.f32 v23, v9  }
0x15b: {  	v13 =	vsel vm4, $0x3F800000, v0;
	v25 =	vmul.f32 v9, v50;
	v61 =	vmul.f32 v14, v5;
	v14 =	vld [tilespmem:s0+$0x2080]  }
0x15c: {  	v63 =	vmul.f32 v18, v13;
	v18 =	vsub.f32 v23, v19;
	v19 =	vsub.f32 v15, v16;
	v16 =	vld [tilespmem:s0+$0x3080]  }
0x15d: {  	vm2 =	veq.f32 v58, $1.000000000e+00  }
0x15e: {  	v62 =	vmul.f32 v13, v17;
	v12 =	vsel vm2, $0x3F800000, v0;
	v17 =	vsub.f32 v25, v20  }
0x15f: {  	v20 =	vmul.f32 v12, v59;
	v23 =	vmul.f32 v60, v12;
	v22 =	vsub.f32 v63, v22  }
0x160: {  	s31 =	simm.s32 $0x0;
	s1 =	simm.s32 $0x20;
	s0 =	simm.s32 $0x40;
	v15 =	vsub.f32 v61, v21;
	v21 =	vsub.f32 v62, v49  }
.LBB2_10:
0x161: {  	s3 =	sand.u32 $0x60, s1;
	s28 =	sand.u32 $0xF00, s0;
	v14 =	vsub.f32 v20, v14;
	v16 =	vsub.f32 v23, v16  }
0x162: {  	v17 =	vand.u32 $0x7FFFFFFF, v17;
	v18 =	vand.u32 $0x7FFFFFFF, v18;
	v19 =	vand.u32 $0x7FFFFFFF, v19;
	s28 =	sor.u32 s3, s28  }
0x163: {  	v15 =	vand.u32 $0x7FFFFFFF, v15;
	v20 =	vand.u32 $0x7FFFFFFF, v21;
	v21 =	vand.u32 $0x7FFFFFFF, v22;
	v23 =	vld [tilespmem:s28+$0x2010]  }
0x164: {  	v24 =	vmin.f32 v17, $1.000000000e+00;
	v14 =	vand.u32 $0x7FFFFFFF, v14;
	v16 =	vand.u32 $0x7FFFFFFF, v16;
	v22 =	vld [tilespmem:s28+$0x3010]  }
0x165: {  	v17 =	vadd.f32 v17, v17;
	v26 =	vmin.f32 v18, $1.000000000e+00;
	v27 =	vmin.f32 v19, $1.000000000e+00;
	v25 =	vld [tilespmem:s28+$0x2090]  }
0x166: {  	v18 =	vadd.f32 v18, v18;
	v19 =	vadd.f32 v19, v19;
	v29 =	vmin.f32 v15, $1.000000000e+00;
	v28 =	vld [tilespmem:s28+$0x3090]  }
0x167: {  	v15 =	vadd.f32 v15, v15;
	v31 =	vmin.f32 v20, $1.000000000e+00;
	v20 =	vadd.f32 v20, v20;
	v30 =	vld [tilespmem:s28+$0x2000]  }
0x168: {  	v33 =	vmin.f32 v21, $1.000000000e+00;
	v21 =	vadd.f32 v21, v21;
	v34 =	vadd.f32 v14, v14;
	v32 =	vld [tilespmem:s28+$0x3000]  }
0x169: {  	v14 =	vmin.f32 v14, $1.000000000e+00;
	v36 =	vadd.f32 v16, v16;
	v20 =	vsub.f32 v20, v31;
	v35 =	vld [tilespmem:s28+$0x10]  }
0x16a: {  	v16 =	vmin.f32 v16, $1.000000000e+00;
	v17 =	vsub.f32 v17, v24;
	v18 =	vsub.f32 v18, v26;
	v37 =	vld [tilespmem:s28+$0x1010]  }
0x16b: {  	v19 =	vsub.f32 v19, v27;
	v21 =	vsub.f32 v21, v33;
	v20 =	vmul.f32 v20, v31;
	v38 =	vld [tilespmem:s28+$0x90]  }
0x16c: {  	v34 =	vsub.f32 v34, v14;
	v36 =	vsub.f32 v36, v16;
	v17 =	vmul.f32 v17, v24;
	v31 =	vld [tilespmem:s28+$0x4010]  }
0x16d: {  	v11 =	vadd.f32 v13, v11;
	v13 =	vmul.f32 v18, v26;
	v10 =	vadd.f32 v20, v10;
	v24 =	vld [tilespmem:s28+$0x4090]  }
0x16e: {  	v15 =	vsub.f32 v15, v29;
	v14 =	vmul.f32 v34, v14;
	v20 =	vmul.f32 v21, v33;
	v18 =	vld [tilespmem:s28+$0x4000]  }
0x16f: {  	v11 =	vadd.f32 v12, v11;
	v12 =	vmul.f32 v36, v16;
	v10 =	vadd.f32 v17, v10;
	v21 =	vld [tilespmem:s28+$0x4080]  }
0x170: {  	v6 =	vadd.f32 v14, v6;
	v14 =	vmul.f32 v19, v27;
	v7 =	vadd.f32 v20, v7;
	v17 =	vld [tilespmem:s28+$0x1090]  }
0x171: {  	v9 =	vadd.f32 v9, v11;
	v8 =	vadd.f32 v12, v8;
	v12 =	vmul.f32 v15, v29;
	v19 =	vld [tilespmem:s28+$0x0]  }
0x172: {  	v6 =	vadd.f32 v14, v6;
	v7 =	vadd.f32 v13, v7;
	vm2 =	veq.f32 v31, $1.000000000e+00;
	v15 =	vld [tilespmem:s28+$0x1000]  }
0x173: {  	v11 =	vadd.f32 v5, v9;
	v8 =	vadd.f32 v12, v8;
	vm3 =	veq.f32 v24, $1.000000000e+00;
	v20 =	vld [tilespmem:s28+$0x80]  }
0x174: {  	s31 =	sadd.s32 $0x2, s31;
	v9 =	vsel vm2, $0x3F800000, v0;
	vm4 =	veq.f32 v18, $1.000000000e+00;
	vm5 =	veq.f32 v21, $1.000000000e+00;
	v21 =	vld [tilespmem:s28+$0x1080]  }
0x175: {  	p0 =	slt.u32 s31, $0x7A;
	v18 =	vmul.f32 v9, v35;
	v24 =	vmul.f32 v37, v9;
	v5 =	vsel vm3, $0x3F800000, v0;
	v14 =	vld [tilespmem:s28+$0x2080]  }
.Ltmp4:
0x176: {  	v13 =	vsel vm4, $0x3F800000, v0;
	v26 =	vmul.f32 v5, v38;
	v27 =	vmul.f32 v17, v5;
	v16 =	vld [tilespmem:s28+$0x3080];
	(pc) =	sbr.rel @p0 .LBB2_10-.Ltmp4, $4  }
0x177: {  	v12 =	vsel vm5, $0x3F800000, v0;
	v29 =	vmul.f32 v13, v19;
	v31 =	vmul.f32 v15, v13  }
0x178: {  	v17 =	vsub.f32 v18, v23;
	v18 =	vsub.f32 v24, v22;
	v20 =	vmul.f32 v12, v20  }
0x179: {  	v19 =	vsub.f32 v26, v25;
	v15 =	vsub.f32 v27, v28;
	v23 =	vmul.f32 v21, v12  }
0x17a: {  	s0 =	sadd.s32 $0x40, s0;
	s1 =	sadd.s32 $0x20, s1;
	v21 =	vsub.f32 v29, v30;
	v22 =	vsub.f32 v31, v32  }
0x17b: {  	v14 =	vsub.f32 v20, v14;
	v16 =	vsub.f32 v23, v16  }
0x17c: {  	v17 =	vand.u32 $0x7FFFFFFF, v17;
	v18 =	vand.u32 $0x7FFFFFFF, v18;
	v19 =	vand.u32 $0x7FFFFFFF, v19  }
0x17d: {  	v15 =	vand.u32 $0x7FFFFFFF, v15;
	v11 =	vadd.f32 v13, v11;
	v34 =	vand.u32 $0x7FFFFFFF, v21  }
0x17e: {  	v35 =	vand.u32 $0x7FFFFFFF, v22;
	v36 =	vmin.f32 v17, $1.000000000e+00;
	v17 =	vadd.f32 v17, v17  }
0x17f: {  	v37 =	vmin.f32 v18, $1.000000000e+00;
	v18 =	vadd.f32 v18, v18;
	v25 =	vadd.f32 v19, v19  }
0x180: {  	v19 =	vmin.f32 v19, $1.000000000e+00;
	v40 =	vmin.f32 v15, $1.000000000e+00;
	v15 =	vadd.f32 v15, v15  }
0x181: {  	v14 =	vand.u32 $0x7FFFFFFF, v14;
	v24 =	vadd.f32 v34, v34;
	v26 =	vadd.f32 v35, v35  }
0x182: {  	v28 =	vld [tilespmem:$0x4F40];
	v16 =	vand.u32 $0x7FFFFFFF, v16;
	v11 =	vadd.f32 v12, v11;
	v27 =	vadd.f32 v14, v14  }
0x183: {  	v38 =	vld [tilespmem:$0xF40];
	v20 =	vmin.f32 v34, $1.000000000e+00;
	v17 =	vsub.f32 v17, v36;
	v29 =	vadd.f32 v16, v16  }
0x184: {  	v43 =	vld [tilespmem:$0x4FC0];
	v21 =	vmin.f32 v35, $1.000000000e+00;
	v18 =	vsub.f32 v18, v37;
	v25 =	vsub.f32 v25, v19  }
0x185: {  	v39 =	vld [tilespmem:$0x2F40];
	v14 =	vmin.f32 v14, $1.000000000e+00;
	v15 =	vsub.f32 v15, v40;
	v24 =	vsub.f32 v24, v20  }
0x186: {  	v41 =	vld [tilespmem:$0x1F40];
	v16 =	vmin.f32 v16, $1.000000000e+00;
	v26 =	vsub.f32 v26, v21;
	v9 =	vadd.f32 v9, v11  }
0x187: {  	v42 =	vld [tilespmem:$0x3F40];
	v17 =	vmul.f32 v17, v36;
	v27 =	vsub.f32 v27, v14;
	v29 =	vsub.f32 v29, v16  }
0x188: {  	v44 =	vld [tilespmem:$0xFC0];
	vm2 =	veq.f32 v28, $1.000000000e+00;
	v18 =	vmul.f32 v18, v37;
	v20 =	vmul.f32 v24, v20  }
0x189: {  	v45 =	vld [tilespmem:$0x1FC0];
	v21 =	vmul.f32 v26, v21;
	v28 =	vsel vm2, $0x3F800000, v0;
	vm2 =	veq.f32 v43, $1.000000000e+00  }
0x18a: {  	v47 =	vld [tilespmem:$0x2FC0];
	v5 =	vadd.f32 v5, v9;
	v14 =	vmul.f32 v27, v14;
	v16 =	vmul.f32 v29, v16  }
0x18b: {  	v48 =	vld [tilespmem:$0x3FC0];
	v46 =	vmul.f32 v28, v38;
	v50 =	vmul.f32 v41, v28;
	v10 =	vadd.f32 v20, v10  }
0x18c: {  	v51 =	vsel vm2, $0x3F800000, v0;
	v7 =	vadd.f32 v21, v7;
	v6 =	vadd.f32 v14, v6  }
0x18d: {  	v12 =	vmul.f32 v51, v44;
	v8 =	vadd.f32 v16, v8;
	v49 =	vsub.f32 v46, v39  }
0x18e: {  	v52 =	vmul.f32 v45, v51;
	v13 =	vsub.f32 v50, v42;
	v10 =	vadd.f32 v17, v10  }
0x18f: {  	v53 =	vmul.f32 v25, v19;
	v7 =	vadd.f32 v18, v7;
	v12 =	vsub.f32 v12, v47  }
0x190: {  	v14 =	vsub.f32 v52, v48;
	v11 =	vand.u32 $0x7FFFFFFF, v49;
	v13 =	vand.u32 $0x7FFFFFFF, v13  }
0x191: {  	v54 =	vadd.f32 v11, v11;
	v11 =	vmin.f32 v11, $1.000000000e+00;
	v56 =	vadd.f32 v13, v13  }
0x192: {  	v12 =	vand.u32 $0x7FFFFFFF, v12;
	v14 =	vand.u32 $0x7FFFFFFF, v14;
	v13 =	vmin.f32 v13, $1.000000000e+00  }
0x193: {  	v57 =	vadd.f32 v12, v12;
	v58 =	vadd.f32 v14, v14;
	v12 =	vmin.f32 v12, $1.000000000e+00  }
0x194: {  	v14 =	vmin.f32 v14, $1.000000000e+00;
	v55 =	vsub.f32 v54, v11;
	v18 =	vsub.f32 v56, v13  }
0x195: {  	v15 =	vmul.f32 v15, v40;
	v19 =	vsub.f32 v57, v12;
	v20 =	vsub.f32 v58, v14  }
0x196: {  	v6 =	vadd.f32 v53, v6;
	v59 =	vmul.f32 v55, v11;
	v60 =	vmul.f32 v18, v13  }
0x197: {  	v8 =	vadd.f32 v15, v8;
	v12 =	vmul.f32 v19, v12;
	v61 =	vmul.f32 v20, v14  }
0x198: {  	v9 =	vadd.f32 v59, v10;
	v7 =	vadd.f32 v60, v7  }
0x199: {  	v6 =	vadd.f32 v12, v6;
	v8 =	vadd.f32 v61, v8  }
0x19a: {  	v5 =	vadd.f32 v28, v5  }
0x19b: {  	v7 =	vadd.f32 v7, v9;
	v6 =	vadd.f32 v8, v6;
	_ =	sdelay $0x1  }
0x19c: {  	v5 =	vadd.f32 v51, v5;
	v6 =	vadd.f32 v6, v7;
	_ =	sdelay $0x1  }
0x19d: {  	v62 =	vperm.xlane v5, v1;
	v7 =	vperm.xlane v6, v1;
	_ =	sdelay $0x1  }
0x19e: {  	v5 =	vadd.f32 v62, v5;
	v6 =	vadd.f32 v6, v7;
	_ =	sdelay $0x1  }
0x19f: {  	v8 =	vperm.xlane v5, v2;
	v7 =	vperm.xlane v6, v2;
	_ =	sdelay $0x1  }
0x1a0: {  	v5 =	vadd.f32 v8, v5;
	v6 =	vadd.f32 v6, v7;
	_ =	sdelay $0x1  }
0x1a1: {  	v8 =	vperm.xlane v5, v3;
	v7 =	vperm.xlane v6, v3;
	_ =	sdelay $0x1  }
0x1a2: {  	v5 =	vadd.f32 v8, v5;
	v6 =	vadd.f32 v6, v7;
	_ =	sdelay $0x1  }
0x1a3: {  	v8 =	vperm.xlane v5, v4;
	v7 =	vperm.xlane v6, v4;
	_ =	sdelay $0x1  }
0x1a4: {  	v5 =	vadd.f32 v8, v5;
	v6 =	vadd.f32 v6, v7  }
0x1a5: {  	v63 =	vsel vm1, $0x3F800000, v0;
	v7 =	vsel vm0, $0x3F800000, v0  }
0x1a6: {  	v5 =	vmul.f32 v63, v5;
	v6 =	vmul.f32 v7, v6;
	_ =	sdelay $0x1  }
0x1a7: {  	s30 =	sadd.s32 $0x1, s30;
	v5 =	vadd.f32 v6, v5  }
0x1a8: {  	p0 =	sne.s32 s30, s19  }
.Ltmp5:
0x1a9: {  	s0 =	simm.s32 $0xA000;
	[tilespmem:$0xA000] =	vst v5;
	(pc) =	sbr.rel @p0 .LBB2_1-.Ltmp5, $4  }
0x1aa: {  	[hbm4b:s18+s2] =	stream.linear.scatter [tilespmem:s0], [sflag:$0x3], $0x80, $0x38;
	[tilespmem:$0xA080] =	vst v63  }
0x1ab: {  	_ =	swait.ge [sflag:s29], $0x80  }
0x1ac: {  	[sflag:s29] =	ssyncset.done $0x0  }
0x1ad: {  	[sflag:s29] =	ssyncadd.s32 $0xFFFFFF80  }
0x1ae: {  	_ =	sfence.sel $0x180000  }
0x1af: {  	[bflag:$0x0] =	sbarrier.arrive $0xFFFF  }
0x1b0: {  	_ =	strace $0x90000047  }
0x1b1: {  	s0 =	stileid.u32;
	[bflag:$0x2] =	sbarrier.arrive $0xFFFF  }
0x1b2: {  	p0 =	sne.s32 s0, $0x0;
	s0 =	rddreg [dreg:$0x4]  }
0x1b3: {  	s0 =	sadd.s32 @!p0 $0x100000, s0  }
0x1b4: {  	[sflag:s0] =	ssyncadd.tile.s32 @!p0 $0x1;
	_ =	shalt  }
.Lfunc_end2:
_tile_overlayer_lowered:
.L_overlay_start_2:
0x1b5: {  	(tag) =	ssettag $0x2  }
0x1b6: {  	s0 =	rddreg [dreg:$0x0];
	s2 =	stileid.u32  }
0x1b7: {  	s1 =	rddreg [dreg:$0x1];
	p0 =	sne.s32 s2, $0x0  }
0x1b8: {  	s3 =	rddreg [dreg:$0x2];
	[bflag:$0x3] =	sbarrier.arrive $0xFFFF;
	s2 =	simm.s32 @!p0 $0x1C03  }
0x1b9: {  	[timem:s3], [sflag:s2] =	dma.local @!p0 [hbm:s0], s1  }
0x1ba: {  	s0 =	simm.s32 @!p0 $0x3  }
0x1bb: {  	_ =	swait.ge @!p0 [sflag:s0], s1  }
0x1bc: {  	s1 =	ssub.s32 @!p0 $0x0, s1;
	[sflag:s0] =	ssyncset.done @!p0 $0x0  }
0x1bd: {  	[sflag:s0] =	ssyncadd.s32 @!p0 s1  }
0x1be: {  	[bflag:$0x3] =	sbarrier.arrive $0xFFFF  }
0x1bf: {  	_ =	shalt  }

</sc_bundles>
